<compile_context>
chip_gen: v7x
topology: tpu7x:2x2x1
jax: 0.10.2.dev20260603
libtpu: 0.0.44.dev20260713+nightly
codegen_flags: <defaults>
</compile_context>

<pallas_src>
import functools

import jax
import jax.numpy as jnp
from jax import lax
from jax.experimental import pallas as pl
from jax.experimental.pallas import tpu as pltpu
from jax.experimental.pallas import tpu_sc as plsc

_NC = 2
_NS = 16
_NW = _NC * _NS



def _ln_t_body(tab_ref, g_ref, b_ref, out_ref):
    x = tab_ref[...]
    mean = jnp.mean(x, axis=0, keepdims=True)
    c = x - mean
    var = jnp.mean(c * c, axis=0, keepdims=True)
    xn = c * lax.rsqrt(var + 1e-5) * g_ref[...] + b_ref[...]
    bn = xn.shape[1]
    q = bn // 4
    xnt = xn.T
    out_ref[...] = jnp.concatenate(
        [xnt[k * q:(k + 1) * q, :] for k in range(4)], axis=1
    )


def _normalize_table_t(table_t, gamma, beta):
    d, v = table_t.shape
    blk = 16384
    return pl.pallas_call(
        _ln_t_body,
        grid=(pl.cdiv(v, blk),),
        in_specs=[
            pl.BlockSpec((d, blk), lambda i: (0, i)),
            pl.BlockSpec((d, 1), lambda i: (0, 0)),
            pl.BlockSpec((d, 1), lambda i: (0, 0)),
        ],
        out_specs=pl.BlockSpec((blk // 4, 128), lambda i: (i, 0)),
        out_shape=jax.ShapeDtypeStruct(
            (pl.cdiv(v, blk) * (blk // 4), 128), jnp.float32
        ),
    )(table_t, gamma.reshape(d, 1), beta.reshape(d, 1))


def _sc_gather(tab, idx_t, batch, hist):
    d = tab.shape[1]
    bt_per_w = batch // 128 // _NW
    n_pairs = hist // 2

    mesh = plsc.VectorSubcoreMesh(core_axis_name="c", subcore_axis_name="s")

    @functools.partial(
        pl.kernel,
        mesh=mesh,
        out_type=jax.ShapeDtypeStruct((hist, d // 8, batch // 128, 8, 128),
                                      jnp.float32),
        compiler_params=pltpu.CompilerParams(
            use_tc_tiling_on_sc=False, needs_layout_passes=False
        ),
        scratch_types=[
            pltpu.VMEM((hist, 128), jnp.int32),
            pltpu.VMEM((2, 128, d), jnp.float32),
            pltpu.VMEM((2, d // 8, 8, 128), jnp.float32),
            pltpu.SemaphoreType.DMA,
            pltpu.SemaphoreType.DMA,
            pltpu.SemaphoreType.DMA,
            pltpu.SemaphoreType.DMA,
        ],
    )
    def k(tab_hbm, idx_hbm, out_hbm, idx_v, rows_v, rt_v, sem0, sem1, osem0, osem1):
        wid = lax.axis_index("s") * _NC + lax.axis_index("c")
        sems = (sem0, sem1)
        iota = lax.iota(jnp.int32, 16)

        def gather(b, h):
            return pltpu.make_async_copy(
                tab_hbm.at[idx_v.at[h]], rows_v.at[b], sems[b]
            )

        rots = [(iota + j) & 15 for j in range(16)]
        cidxs = [iota + e0 for e0 in range(0, d, 16)]
        ets = [(iota + e0) // 8 for e0 in range(0, d, 16)]
        eis = [(iota + e0) & 7 for e0 in range(0, d, 16)]

        def transpose(b):
            def tile_col(ci, carry):
                c0 = ci * 16
                for en in range(d // 16):
                    for j in range(16):
                        ridx = rots[j] + c0
                        val = plsc.load_gather(rows_v.at[b], [ridx, cidxs[en]])
                        plsc.store_scatter(
                            rt_v.at[b], [ets[en], eis[en], ridx], val
                        )
                return carry

            lax.fori_loop(0, 8, tile_col, None)

        osems = (osem0, osem1)

        def store(b, h, btg):
            return pltpu.make_async_copy(
                rt_v.at[b], out_hbm.at[h, pl.ds(0, d // 8), btg], osems[b]
            )

        def bt_body(btl, carry0):
            btg = wid * bt_per_w + btl
            pltpu.sync_copy(idx_hbm.at[:, pl.ds(btg * 128, 128)], idx_v)
            gather(0, 0).start()

            def pair(i, carry):
                h_a = 2 * i
                h_b = h_a + 1
                gather(1, h_b).start()
                gather(0, h_a).wait()

                @pl.when(i > 0)
                def _():
                    store(0, h_a, btg).wait()

                transpose(0)
                store(0, h_a, btg).start()

                @pl.when(i + 1 < n_pairs)
                def _():
                    gather(0, h_a + 2).start()

                gather(1, h_b).wait()

                @pl.when(i > 0)
                def _():
                    store(1, h_b, btg).wait()

                transpose(1)
                store(1, h_b, btg).start()
                return carry

            lax.fori_loop(0, n_pairs, pair, None)
            store(0, 2 * n_pairs - 2, btg).wait()
            store(1, 2 * n_pairs - 1, btg).wait()
            return carry0

        lax.fori_loop(0, bt_per_w, bt_body, None)

    return k(tab, idx_t)


def kernel(indices, table, gamma, beta):
    batch, hist = indices.shape
    d = table.shape[1]
    norm_packed = _normalize_table_t(table.T, gamma, beta)
    norm_rows = norm_packed.reshape(norm_packed.shape[0] * 128 // d, d)
    idx = indices.astype(jnp.int32)
    idx = (idx & ~16383) | ((idx & 4095) << 2) | ((idx >> 12) & 3)
    out5 = _sc_gather(norm_rows, idx.T, batch, hist)
    return out5.transpose(2, 4, 0, 1, 3).reshape(batch, hist, d)

# --- scband reference (transcript-rebuilt; emitter-appended) ---
"""Pipeline reference for scband-embedding-input-transform-88545045774701 (READ-ONLY COPY).

The authoritative reference and input builder live on the scoring server;
editing this copy changes nothing except your own understanding.
"""

import jax, jax.numpy as jnp
import numpy as np

VOCAB = 1000000
EMBED_DIM = 32
BATCH = 16384
HIST = 200

def setup_inputs(seed: int = 0) -> dict:
    key = jax.random.key(seed)
    k1, k2, k3 = jax.random.split(key, 3)
    indices = jax.random.randint(k1, (BATCH, HIST), 0, VOCAB, dtype=jnp.int64 if jax.config.jax_enable_x64 else jnp.int32)
    table = jax.random.normal(k2, (VOCAB, EMBED_DIM), dtype=jnp.float32)
    gamma = jnp.ones((EMBED_DIM,), dtype=jnp.float32)
    beta = jnp.zeros((EMBED_DIM,), dtype=jnp.float32)
    return {"indices": indices, "table": table, "gamma": gamma, "beta": beta}

def _layer_norm(x, gamma, beta, eps=1e-5):
    mean = jnp.mean(x, axis=-1, keepdims=True)
    var = jnp.mean((x - mean) ** 2, axis=-1, keepdims=True)
    x_hat = (x - mean) / jnp.sqrt(var + eps)
    return x_hat * gamma + beta

def reference(indices, table, gamma, beta):
    # squeeze trailing dim of 1 would apply only if indices.shape[-1] == 1; here it is HIST
    x = jnp.take(table, indices, axis=0)  # embedding lookup (gather)
    x = _layer_norm(x, gamma, beta)
    # dropout is identity in eval mode
    return x

if __name__ == "__main__":
    import jax
    _d = setup_inputs()
    print(jax.jit(kernel)(*tuple(_d.values())))

</pallas_src>

<mosaic_0001>
#map = affine_map<(d0, d1) -> (0, 0)>
#map1 = affine_map<(d0, d1) -> (0, 0, 0, 0, 0)>
module attributes {stable_mosaic.version = 14 : i64} {
  func.func @k(%arg0: i32, %arg1: i32, %arg2: memref<1015808x32xf32, #tpu.memory_space<hbm>>, %arg3: memref<200x16384xi32, #tpu.memory_space<hbm>>, %arg4: memref<200x4x128x8x128xf32, #tpu.memory_space<hbm>>, %arg5: memref<200x128xi32, #tpu.memory_space<vmem>>, %arg6: memref<2x128x32xf32, #tpu.memory_space<vmem>>, %arg7: memref<2x4x8x128xf32, #tpu.memory_space<vmem>>, %arg8: memref<!tpu.dma_semaphore, #tpu.memory_space<semaphore_mem>>, %arg9: memref<!tpu.dma_semaphore, #tpu.memory_space<semaphore_mem>>, %arg10: memref<!tpu.dma_semaphore, #tpu.memory_space<semaphore_mem>>, %arg11: memref<!tpu.dma_semaphore, #tpu.memory_space<semaphore_mem>>) attributes {dimension_semantics = [#tpu.dimension_semantics<core_parallel>, #tpu.dimension_semantics<subcore_parallel>], iteration_bounds = array<i64: 2, 16>, scalar_prefetch = 0 : i64, scratch_operands = 7 : i64, tpu.core_type = #tpu.core_type<sc_vector_subcore>, window_params = [{transform_indices = #map}, {transform_indices = #map}, {transform_indices = #map1}]} {
    %mul3A = arith.constant 2 : i32
    %mul3A_0 = arith.muli %arg1, %mul3A : i32
    %add3A = arith.addi %mul3A_0, %arg0 : i32
    %iota3A = tpu.iota {dimensions = array<i32: 0>} : vector<16xi32>
    %add3A_1 = arith.constant 0 : i32
    %add3A_2 = vector.broadcast %add3A_1 : i32 to vector<16xi32>
    %add3A_3 = arith.addi %iota3A, %add3A_2 : vector<16xi32>
    %and3A = arith.constant 15 : i32
    %and3A_4 = vector.broadcast %and3A : i32 to vector<16xi32>
    %and3A_5 = arith.andi %add3A_3, %and3A_4 : vector<16xi32>
    %add3A_6 = arith.constant 1 : i32
    %add3A_7 = vector.broadcast %add3A_6 : i32 to vector<16xi32>
    %add3A_8 = arith.addi %iota3A, %add3A_7 : vector<16xi32>
    %and3A_9 = arith.constant 15 : i32
    %and3A_10 = vector.broadcast %and3A_9 : i32 to vector<16xi32>
    %and3A_11 = arith.andi %add3A_8, %and3A_10 : vector<16xi32>
    %add3A_12 = arith.constant 2 : i32
    %add3A_13 = vector.broadcast %add3A_12 : i32 to vector<16xi32>
    %add3A_14 = arith.addi %iota3A, %add3A_13 : vector<16xi32>
    %and3A_15 = arith.constant 15 : i32
    %and3A_16 = vector.broadcast %and3A_15 : i32 to vector<16xi32>
    %and3A_17 = arith.andi %add3A_14, %and3A_16 : vector<16xi32>
    %add3A_18 = arith.constant 3 : i32
    %add3A_19 = vector.broadcast %add3A_18 : i32 to vector<16xi32>
    %add3A_20 = arith.addi %iota3A, %add3A_19 : vector<16xi32>
    %and3A_21 = arith.constant 15 : i32
    %and3A_22 = vector.broadcast %and3A_21 : i32 to vector<16xi32>
    %and3A_23 = arith.andi %add3A_20, %and3A_22 : vector<16xi32>
    %add3A_24 = arith.constant 4 : i32
    %add3A_25 = vector.broadcast %add3A_24 : i32 to vector<16xi32>
    %add3A_26 = arith.addi %iota3A, %add3A_25 : vector<16xi32>
    %and3A_27 = arith.constant 15 : i32
    %and3A_28 = vector.broadcast %and3A_27 : i32 to vector<16xi32>
    %and3A_29 = arith.andi %add3A_26, %and3A_28 : vector<16xi32>
    %add3A_30 = arith.constant 5 : i32
    %add3A_31 = vector.broadcast %add3A_30 : i32 to vector<16xi32>
    %add3A_32 = arith.addi %iota3A, %add3A_31 : vector<16xi32>
    %and3A_33 = arith.constant 15 : i32
    %and3A_34 = vector.broadcast %and3A_33 : i32 to vector<16xi32>
    %and3A_35 = arith.andi %add3A_32, %and3A_34 : vector<16xi32>
    %add3A_36 = arith.constant 6 : i32
    %add3A_37 = vector.broadcast %add3A_36 : i32 to vector<16xi32>
    %add3A_38 = arith.addi %iota3A, %add3A_37 : vector<16xi32>
    %and3A_39 = arith.constant 15 : i32
    %and3A_40 = vector.broadcast %and3A_39 : i32 to vector<16xi32>
    %and3A_41 = arith.andi %add3A_38, %and3A_40 : vector<16xi32>
    %add3A_42 = arith.constant 7 : i32
    %add3A_43 = vector.broadcast %add3A_42 : i32 to vector<16xi32>
    %add3A_44 = arith.addi %iota3A, %add3A_43 : vector<16xi32>
    %and3A_45 = arith.constant 15 : i32
    %and3A_46 = vector.broadcast %and3A_45 : i32 to vector<16xi32>
    %and3A_47 = arith.andi %add3A_44, %and3A_46 : vector<16xi32>
    %add3A_48 = arith.constant 8 : i32
    %add3A_49 = vector.broadcast %add3A_48 : i32 to vector<16xi32>
    %add3A_50 = arith.addi %iota3A, %add3A_49 : vector<16xi32>
    %and3A_51 = arith.constant 15 : i32
    %and3A_52 = vector.broadcast %and3A_51 : i32 to vector<16xi32>
    %and3A_53 = arith.andi %add3A_50, %and3A_52 : vector<16xi32>
    %add3A_54 = arith.constant 9 : i32
    %add3A_55 = vector.broadcast %add3A_54 : i32 to vector<16xi32>
    %add3A_56 = arith.addi %iota3A, %add3A_55 : vector<16xi32>
    %and3A_57 = arith.constant 15 : i32
    %and3A_58 = vector.broadcast %and3A_57 : i32 to vector<16xi32>
    %and3A_59 = arith.andi %add3A_56, %and3A_58 : vector<16xi32>
    %add3A_60 = arith.constant 10 : i32
    %add3A_61 = vector.broadcast %add3A_60 : i32 to vector<16xi32>
    %add3A_62 = arith.addi %iota3A, %add3A_61 : vector<16xi32>
    %and3A_63 = arith.constant 15 : i32
    %and3A_64 = vector.broadcast %and3A_63 : i32 to vector<16xi32>
    %and3A_65 = arith.andi %add3A_62, %and3A_64 : vector<16xi32>
    %add3A_66 = arith.constant 11 : i32
    %add3A_67 = vector.broadcast %add3A_66 : i32 to vector<16xi32>
    %add3A_68 = arith.addi %iota3A, %add3A_67 : vector<16xi32>
    %and3A_69 = arith.constant 15 : i32
    %and3A_70 = vector.broadcast %and3A_69 : i32 to vector<16xi32>
    %and3A_71 = arith.andi %add3A_68, %and3A_70 : vector<16xi32>
    %add3A_72 = arith.constant 12 : i32
    %add3A_73 = vector.broadcast %add3A_72 : i32 to vector<16xi32>
    %add3A_74 = arith.addi %iota3A, %add3A_73 : vector<16xi32>
    %and3A_75 = arith.constant 15 : i32
    %and3A_76 = vector.broadcast %and3A_75 : i32 to vector<16xi32>
    %and3A_77 = arith.andi %add3A_74, %and3A_76 : vector<16xi32>
    %add3A_78 = arith.constant 13 : i32
    %add3A_79 = vector.broadcast %add3A_78 : i32 to vector<16xi32>
    %add3A_80 = arith.addi %iota3A, %add3A_79 : vector<16xi32>
    %and3A_81 = arith.constant 15 : i32
    %and3A_82 = vector.broadcast %and3A_81 : i32 to vector<16xi32>
    %and3A_83 = arith.andi %add3A_80, %and3A_82 : vector<16xi32>
    %add3A_84 = arith.constant 14 : i32
    %add3A_85 = vector.broadcast %add3A_84 : i32 to vector<16xi32>
    %add3A_86 = arith.addi %iota3A, %add3A_85 : vector<16xi32>
    %and3A_87 = arith.constant 15 : i32
    %and3A_88 = vector.broadcast %and3A_87 : i32 to vector<16xi32>
    %and3A_89 = arith.andi %add3A_86, %and3A_88 : vector<16xi32>
    %add3A_90 = arith.constant 15 : i32
    %add3A_91 = vector.broadcast %add3A_90 : i32 to vector<16xi32>
    %add3A_92 = arith.addi %iota3A, %add3A_91 : vector<16xi32>
    %and3A_93 = arith.constant 15 : i32
    %and3A_94 = vector.broadcast %and3A_93 : i32 to vector<16xi32>
    %and3A_95 = arith.andi %add3A_92, %and3A_94 : vector<16xi32>
    %add3A_96 = arith.constant 0 : i32
    %add3A_97 = vector.broadcast %add3A_96 : i32 to vector<16xi32>
    %add3A_98 = arith.addi %iota3A, %add3A_97 : vector<16xi32>
    %add3A_99 = arith.constant 16 : i32
    %add3A_100 = vector.broadcast %add3A_99 : i32 to vector<16xi32>
    %add3A_101 = arith.addi %iota3A, %add3A_100 : vector<16xi32>
    %add3A_102 = arith.constant 0 : i32
    %add3A_103 = vector.broadcast %add3A_102 : i32 to vector<16xi32>
    %add3A_104 = arith.addi %iota3A, %add3A_103 : vector<16xi32>
    %jit3A = arith.constant 8 : i32
    %div3A = vector.broadcast %jit3A : i32 to vector<16xi32>
    %div3A_105 = arith.divsi %add3A_104, %div3A : vector<16xi32>
    %sign3A = arith.constant 0 : i32
    %sign3A_106 = vector.broadcast %sign3A : i32 to vector<16xi32>
    %sign3A_107 = arith.cmpi sgt, %add3A_104, %sign3A_106 : vector<16xi32>
    %sign3A_108 = arith.extui %sign3A_107 : vector<16xi1> to vector<16xi32>
    %sign3A_109 = arith.constant 0 : i32
    %sign3A_110 = vector.broadcast %sign3A_109 : i32 to vector<16xi32>
    %sign3A_111 = arith.cmpi slt, %add3A_104, %sign3A_110 : vector<16xi32>
    %sign3A_112 = arith.extui %sign3A_111 : vector<16xi1> to vector<16xi32>
    %sign3A_113 = arith.subi %sign3A_108, %sign3A_112 : vector<16xi32>
    %sign3A_114 = arith.constant 0 : i32
    %sign3A_115 = arith.cmpi sgt, %jit3A, %sign3A_114 : i32
    %sign3A_116 = arith.extui %sign3A_115 : i1 to i32
    %sign3A_117 = arith.constant 0 : i32
    %sign3A_118 = arith.cmpi slt, %jit3A, %sign3A_117 : i32
    %sign3A_119 = arith.extui %sign3A_118 : i1 to i32
    %sign3A_120 = arith.subi %sign3A_116, %sign3A_119 : i32
    %ne3A = vector.broadcast %sign3A_120 : i32 to vector<16xi32>
    %ne3A_121 = arith.cmpi ne, %sign3A_113, %ne3A : vector<16xi32>
    %rem3A = vector.broadcast %jit3A : i32 to vector<16xi32>
    %rem3A_122 = arith.remsi %add3A_104, %rem3A : vector<16xi32>
    %ne3A_123 = arith.constant 0 : i32
    %ne3A_124 = vector.broadcast %ne3A_123 : i32 to vector<16xi32>
    %ne3A_125 = arith.cmpi ne, %rem3A_122, %ne3A_124 : vector<16xi32>
    %and3A_126 = arith.andi %ne3A_121, %ne3A_125 : vector<16xi1>
    %sub3A = arith.constant 1 : i32
    %sub3A_127 = vector.broadcast %sub3A : i32 to vector<16xi32>
    %sub3A_128 = arith.subi %div3A_105, %sub3A_127 : vector<16xi32>
    %select_n3A = arith.select %and3A_126, %sub3A_128, %div3A_105 : vector<16xi1>, vector<16xi32>
    %add3A_129 = arith.constant 16 : i32
    %add3A_130 = vector.broadcast %add3A_129 : i32 to vector<16xi32>
    %add3A_131 = arith.addi %iota3A, %add3A_130 : vector<16xi32>
    %jit3A_132 = arith.constant 8 : i32
    %div3A_133 = vector.broadcast %jit3A_132 : i32 to vector<16xi32>
    %div3A_134 = arith.divsi %add3A_131, %div3A_133 : vector<16xi32>
    %sign3A_135 = arith.constant 0 : i32
    %sign3A_136 = vector.broadcast %sign3A_135 : i32 to vector<16xi32>
    %sign3A_137 = arith.cmpi sgt, %add3A_131, %sign3A_136 : vector<16xi32>
    %sign3A_138 = arith.extui %sign3A_137 : vector<16xi1> to vector<16xi32>
    %sign3A_139 = arith.constant 0 : i32
    %sign3A_140 = vector.broadcast %sign3A_139 : i32 to vector<16xi32>
    %sign3A_141 = arith.cmpi slt, %add3A_131, %sign3A_140 : vector<16xi32>
    %sign3A_142 = arith.extui %sign3A_141 : vector<16xi1> to vector<16xi32>
    %sign3A_143 = arith.subi %sign3A_138, %sign3A_142 : vector<16xi32>
    %sign3A_144 = arith.constant 0 : i32
    %sign3A_145 = arith.cmpi sgt, %jit3A_132, %sign3A_144 : i32
    %sign3A_146 = arith.extui %sign3A_145 : i1 to i32
    %sign3A_147 = arith.constant 0 : i32
    %sign3A_148 = arith.cmpi slt, %jit3A_132, %sign3A_147 : i32
    %sign3A_149 = arith.extui %sign3A_148 : i1 to i32
    %sign3A_150 = arith.subi %sign3A_146, %sign3A_149 : i32
    %ne3A_151 = vector.broadcast %sign3A_150 : i32 to vector<16xi32>
    %ne3A_152 = arith.cmpi ne, %sign3A_143, %ne3A_151 : vector<16xi32>
    %rem3A_153 = vector.broadcast %jit3A_132 : i32 to vector<16xi32>
    %rem3A_154 = arith.remsi %add3A_131, %rem3A_153 : vector<16xi32>
    %ne3A_155 = arith.constant 0 : i32
    %ne3A_156 = vector.broadcast %ne3A_155 : i32 to vector<16xi32>
    %ne3A_157 = arith.cmpi ne, %rem3A_154, %ne3A_156 : vector<16xi32>
    %and3A_158 = arith.andi %ne3A_152, %ne3A_157 : vector<16xi1>
    %sub3A_159 = arith.constant 1 : i32
    %sub3A_160 = vector.broadcast %sub3A_159 : i32 to vector<16xi32>
    %sub3A_161 = arith.subi %div3A_134, %sub3A_160 : vector<16xi32>
    %select_n3A_162 = arith.select %and3A_158, %sub3A_161, %div3A_134 : vector<16xi1>, vector<16xi32>
    %add3A_163 = arith.constant 0 : i32
    %add3A_164 = vector.broadcast %add3A_163 : i32 to vector<16xi32>
    %add3A_165 = arith.addi %iota3A, %add3A_164 : vector<16xi32>
    %and3A_166 = arith.constant 7 : i32
    %and3A_167 = vector.broadcast %and3A_166 : i32 to vector<16xi32>
    %and3A_168 = arith.andi %add3A_165, %and3A_167 : vector<16xi32>
    %add3A_169 = arith.constant 16 : i32
    %add3A_170 = vector.broadcast %add3A_169 : i32 to vector<16xi32>
    %add3A_171 = arith.addi %iota3A, %add3A_170 : vector<16xi32>
    %and3A_172 = arith.constant 7 : i32
    %and3A_173 = vector.broadcast %and3A_172 : i32 to vector<16xi32>
    %and3A_174 = arith.andi %add3A_171, %and3A_173 : vector<16xi32>
    %scan3A = arith.constant 0 : i32
    %scan3A_175 = arith.constant 4 : i32
    %scan3A_176 = arith.addi %scan3A, %scan3A_175 : i32
    %scan3A_177 = arith.constant 1 : i32
    scf.for %scan3A_179 = %scan3A to %scan3A_176 step %scan3A_177  : i32 {
      %mul3A_180 = arith.constant 4 : i32
      %mul3A_181 = arith.muli %add3A, %mul3A_180 : i32
      %add3A_182 = arith.addi %mul3A_181, %scan3A_179 : i32
      %mul3A_183 = arith.constant 128 : i32
      %mul3A_184 = arith.muli %add3A_182, %mul3A_183 : i32
      "tpu.region"() ({
        %run_scoped3A = tpu.sem_alloc : memref<!tpu.dma_semaphore, #tpu.memory_space<semaphore_mem>>
        %dma_start3A_244 = arith.constant 0 : i32
        %dma_start3A_245 = tpu.memref_slice %arg3[%dma_start3A_244, %mul3A_184] : memref<200x16384xi32, #tpu.memory_space<hbm>> -> memref<200x128xi32, #tpu.memory_space<hbm>>
        %dma_start3A_246 = arith.constant 0 : i32
        %dma_start3A_247 = tpu.memref_slice %arg3[%dma_start3A_246, %mul3A_184] : memref<200x16384xi32, #tpu.memory_space<hbm>> -> memref<200x128xi32, #tpu.memory_space<hbm>>
        tpu.enqueue_dma source(%dma_start3A_247 : memref<200x128xi32, #tpu.memory_space<hbm>>) target(%arg5 : memref<200x128xi32, #tpu.memory_space<vmem>>) target_semaphore(%run_scoped3A : memref<!tpu.dma_semaphore, #tpu.memory_space<semaphore_mem>>)
        %dma_wait3A_248 = arith.constant 0 : i32
        %dma_wait3A_249 = tpu.memref_slice %arg3[%dma_wait3A_248, %mul3A_184] : memref<200x16384xi32, #tpu.memory_space<hbm>> -> memref<200x128xi32, #tpu.memory_space<hbm>>
        %dma_wait3A_250 = arith.constant 0 : i32
        %dma_wait3A_251 = tpu.memref_slice %arg3[%dma_wait3A_250, %mul3A_184] : memref<200x16384xi32, #tpu.memory_space<hbm>> -> memref<200x128xi32, #tpu.memory_space<hbm>>
        tpu.wait_dma2 semaphore(%run_scoped3A : memref<!tpu.dma_semaphore, #tpu.memory_space<semaphore_mem>>) src(%dma_wait3A_251 : memref<200x128xi32, #tpu.memory_space<hbm>>) dst(%arg5 : memref<200x128xi32, #tpu.memory_space<vmem>>)
        tpu.yield
      }) : () -> ()
      %dma_start3A = arith.constant 0 : i32
      %dma_start3A_185 = arith.constant 0 : i32
      %dma_start3A_186 = arith.constant 0 : i32
      %dma_start3A_187 = arith.constant 0 : i32
      %dma_start3A_188 = tpu.memref_slice %arg6[%dma_start3A_185, %dma_start3A_186, %dma_start3A_187] : memref<2x128x32xf32, #tpu.memory_space<vmem>> -> memref<1x128x32xf32, #tpu.memory_space<vmem>>
      %dma_start3A_189 = tpu.memref_squeeze %dma_start3A_188 : memref<1x128x32xf32, #tpu.memory_space<vmem>> -> memref<128x32xf32, #tpu.memory_space<vmem>>
      %dma_start3A_190 = arith.constant 0 : i32
      %dma_start3A_191 = tpu.memref_slice %arg5[%dma_start3A, %dma_start3A_190] : memref<200x128xi32, #tpu.memory_space<vmem>> -> memref<1x128xi32, #tpu.memory_space<vmem>>
      %dma_start3A_192 = tpu.memref_squeeze %dma_start3A_191 : memref<1x128xi32, #tpu.memory_space<vmem>> -> memref<128xi32, #tpu.memory_space<vmem>>
      %dma_start3A_193 = arith.constant 0 : i32
      %dma_start3A_194 = arith.constant 0 : i32
      %dma_start3A_195 = tpu.memref_slice %arg2[%dma_start3A_193, %dma_start3A_194] : memref<1015808x32xf32, #tpu.memory_space<hbm>> -> memref<1015808x32xf32, #tpu.memory_space<hbm>>
      tpu.enqueue_indirect_dma source(%dma_start3A_195 : memref<1015808x32xf32, #tpu.memory_space<hbm>>) target(%dma_start3A_189 : memref<128x32xf32, #tpu.memory_space<vmem>>) offsets(%dma_start3A_192 : memref<128xi32, #tpu.memory_space<vmem>>) semaphore(%arg8 : memref<!tpu.dma_semaphore, #tpu.memory_space<semaphore_mem>>)
      %scan3A_196 = arith.constant 0 : i32
      %scan3A_197 = arith.constant 100 : i32
      %scan3A_198 = arith.addi %scan3A_196, %scan3A_197 : i32
      %scan3A_199 = arith.constant 1 : i32
      scf.for %scan3A_244 = %scan3A_196 to %scan3A_198 step %scan3A_199  : i32 {
        %mul3A_245 = arith.constant 2 : i32
        %mul3A_246 = arith.muli %mul3A_245, %scan3A_244 : i32
        %add3A_247 = arith.constant 1 : i32
        %add3A_248 = arith.addi %mul3A_246, %add3A_247 : i32
        %dma_start3A_249 = arith.constant 1 : i32
        %dma_start3A_250 = arith.constant 0 : i32
        %dma_start3A_251 = arith.constant 0 : i32
        %dma_start3A_252 = tpu.memref_slice %arg6[%dma_start3A_249, %dma_start3A_250, %dma_start3A_251] : memref<2x128x32xf32, #tpu.memory_space<vmem>> -> memref<1x128x32xf32, #tpu.memory_space<vmem>>
        %dma_start3A_253 = tpu.memref_squeeze %dma_start3A_252 : memref<1x128x32xf32, #tpu.memory_space<vmem>> -> memref<128x32xf32, #tpu.memory_space<vmem>>
        %dma_start3A_254 = arith.constant 0 : i32
        %dma_start3A_255 = tpu.memref_slice %arg5[%add3A_248, %dma_start3A_254] : memref<200x128xi32, #tpu.memory_space<vmem>> -> memref<1x128xi32, #tpu.memory_space<vmem>>
        %dma_start3A_256 = tpu.memref_squeeze %dma_start3A_255 : memref<1x128xi32, #tpu.memory_space<vmem>> -> memref<128xi32, #tpu.memory_space<vmem>>
        %dma_start3A_257 = arith.constant 0 : i32
        %dma_start3A_258 = arith.constant 0 : i32
        %dma_start3A_259 = tpu.memref_slice %arg2[%dma_start3A_257, %dma_start3A_258] : memref<1015808x32xf32, #tpu.memory_space<hbm>> -> memref<1015808x32xf32, #tpu.memory_space<hbm>>
        tpu.enqueue_indirect_dma source(%dma_start3A_259 : memref<1015808x32xf32, #tpu.memory_space<hbm>>) target(%dma_start3A_253 : memref<128x32xf32, #tpu.memory_space<vmem>>) offsets(%dma_start3A_256 : memref<128xi32, #tpu.memory_space<vmem>>) semaphore(%arg9 : memref<!tpu.dma_semaphore, #tpu.memory_space<semaphore_mem>>)
        %dma_wait3A_260 = arith.constant 0 : i32
        %dma_wait3A_261 = arith.constant 0 : i32
        %dma_wait3A_262 = arith.constant 0 : i32
        %dma_wait3A_263 = tpu.memref_slice %arg6[%dma_wait3A_260, %dma_wait3A_261, %dma_wait3A_262] : memref<2x128x32xf32, #tpu.memory_space<vmem>> -> memref<1x128x32xf32, #tpu.memory_space<vmem>>
        %dma_wait3A_264 = tpu.memref_squeeze %dma_wait3A_263 : memref<1x128x32xf32, #tpu.memory_space<vmem>> -> memref<128x32xf32, #tpu.memory_space<vmem>>
        %dma_wait3A_265 = arith.constant 0 : i32
        %dma_wait3A_266 = tpu.memref_slice %arg5[%mul3A_246, %dma_wait3A_265] : memref<200x128xi32, #tpu.memory_space<vmem>> -> memref<1x128xi32, #tpu.memory_space<vmem>>
        %dma_wait3A_267 = tpu.memref_squeeze %dma_wait3A_266 : memref<1x128xi32, #tpu.memory_space<vmem>> -> memref<128xi32, #tpu.memory_space<vmem>>
        %dma_wait3A_268 = arith.constant 0 : i32
        %dma_wait3A_269 = arith.constant 0 : i32
        %dma_wait3A_270 = tpu.memref_slice %arg2[%dma_wait3A_268, %dma_wait3A_269] : memref<1015808x32xf32, #tpu.memory_space<hbm>> -> memref<1015808x32xf32, #tpu.memory_space<hbm>>
        tpu.wait_indirect_dma semaphore(%arg8 : memref<!tpu.dma_semaphore, #tpu.memory_space<semaphore_mem>>) src(%dma_wait3A_270 : memref<1015808x32xf32, #tpu.memory_space<hbm>>) dst(%dma_wait3A_264 : memref<128x32xf32, #tpu.memory_space<vmem>>)
        %gt3A = arith.constant 0 : i32
        %gt3A_271 = arith.cmpi sgt, %scan3A_244, %gt3A : i32
        %convert_element_type3A = arith.extui %gt3A_271 : i1 to i32
        %cond3A = arith.constant 0 : i32
        %cond3A_272 = arith.cmpi ne, %convert_element_type3A, %cond3A : i32
        scf.if %cond3A_272 {
          %dma_wait3A_347 = arith.constant 0 : i32
          %dma_wait3A_348 = arith.constant 0 : i32
          %dma_wait3A_349 = arith.constant 0 : i32
          %dma_wait3A_350 = arith.constant 0 : i32
          %dma_wait3A_351 = tpu.memref_slice %arg7[%dma_wait3A_347, %dma_wait3A_348, %dma_wait3A_349, %dma_wait3A_350] : memref<2x4x8x128xf32, #tpu.memory_space<vmem>> -> memref<1x4x8x128xf32, #tpu.memory_space<vmem>>
          %dma_wait3A_352 = tpu.memref_squeeze %dma_wait3A_351 : memref<1x4x8x128xf32, #tpu.memory_space<vmem>> -> memref<4x8x128xf32, #tpu.memory_space<vmem>>
          %dma_wait3A_353 = arith.constant 0 : i32
          %dma_wait3A_354 = arith.constant 0 : i32
          %dma_wait3A_355 = arith.constant 0 : i32
          %dma_wait3A_356 = tpu.memref_slice %arg4[%mul3A_246, %dma_wait3A_353, %add3A_182, %dma_wait3A_354, %dma_wait3A_355] : memref<200x4x128x8x128xf32, #tpu.memory_space<hbm>> -> memref<1x4x1x8x128xf32, #tpu.memory_space<hbm>>
          %dma_wait3A_357 = tpu.memref_squeeze %dma_wait3A_356 : memref<1x4x1x8x128xf32, #tpu.memory_space<hbm>> -> memref<4x8x128xf32, #tpu.memory_space<hbm>>
          %dma_wait3A_358 = arith.constant 0 : i32
          %dma_wait3A_359 = arith.constant 0 : i32
          %dma_wait3A_360 = arith.constant 0 : i32
          %dma_wait3A_361 = tpu.memref_slice %arg4[%mul3A_246, %dma_wait3A_358, %add3A_182, %dma_wait3A_359, %dma_wait3A_360] : memref<200x4x128x8x128xf32, #tpu.memory_space<hbm>> -> memref<1x4x1x8x128xf32, #tpu.memory_space<hbm>>
          %dma_wait3A_362 = tpu.memref_squeeze %dma_wait3A_361 : memref<1x4x1x8x128xf32, #tpu.memory_space<hbm>> -> memref<4x8x128xf32, #tpu.memory_space<hbm>>
          %dma_wait3A_363 = arith.constant 0 : i32
          %dma_wait3A_364 = arith.constant 0 : i32
          %dma_wait3A_365 = arith.constant 0 : i32
          %dma_wait3A_366 = tpu.memref_slice %arg7[%dma_wait3A_347, %dma_wait3A_363, %dma_wait3A_364, %dma_wait3A_365] : memref<2x4x8x128xf32, #tpu.memory_space<vmem>> -> memref<1x4x8x128xf32, #tpu.memory_space<vmem>>
          %dma_wait3A_367 = tpu.memref_squeeze %dma_wait3A_366 : memref<1x4x8x128xf32, #tpu.memory_space<vmem>> -> memref<4x8x128xf32, #tpu.memory_space<vmem>>
          tpu.wait_dma2 semaphore(%arg10 : memref<!tpu.dma_semaphore, #tpu.memory_space<semaphore_mem>>) src(%dma_wait3A_367 : memref<4x8x128xf32, #tpu.memory_space<vmem>>) dst(%dma_wait3A_362 : memref<4x8x128xf32, #tpu.memory_space<hbm>>)
        } else {
        }
        %scan3A_273 = arith.constant 0 : i32
        %scan3A_274 = arith.constant 8 : i32
        %scan3A_275 = arith.addi %scan3A_273, %scan3A_274 : i32
        %scan3A_276 = arith.constant 1 : i32
        scf.for %scan3A_347 = %scan3A_273 to %scan3A_275 step %scan3A_276  : i32 {
          %mul3A_348 = arith.constant 16 : i32
          %mul3A_349 = arith.muli %scan3A_347, %mul3A_348 : i32
          %add3A_350 = vector.broadcast %mul3A_349 : i32 to vector<16xi32>
          %add3A_351 = arith.addi %and3A_5, %add3A_350 : vector<16xi32>
          %gather3A = arith.constant 0 : i32
          %gather3A_352 = arith.constant 0 : i32
          %gather3A_353 = arith.constant 0 : i32
          %gather3A_354 = tpu.memref_slice %arg6[%gather3A, %gather3A_352, %gather3A_353] : memref<2x128x32xf32, #tpu.memory_space<vmem>> -> memref<1x128x32xf32, #tpu.memory_space<vmem>>
          %gather3A_355 = tpu.memref_squeeze %gather3A_354 : memref<1x128x32xf32, #tpu.memory_space<vmem>> -> memref<128x32xf32, #tpu.memory_space<vmem>>
          %gather3A_356 = tpu.vector_load_idx %gather3A_355[%add3A_351, %add3A_98] : memref<128x32xf32, #tpu.memory_space<vmem>>[vector<16xi32>, vector<16xi32>], vector<16xf32>,
          %scatter3A = arith.constant 0 : i32
          %scatter3A_357 = arith.constant 0 : i32
          %scatter3A_358 = arith.constant 0 : i32
          %scatter3A_359 = arith.constant 0 : i32
          %scatter3A_360 = tpu.memref_slice %arg7[%scatter3A, %scatter3A_357, %scatter3A_358, %scatter3A_359] : memref<2x4x8x128xf32, #tpu.memory_space<vmem>> -> memref<1x4x8x128xf32, #tpu.memory_space<vmem>>
          %scatter3A_361 = tpu.memref_squeeze %scatter3A_360 : memref<1x4x8x128xf32, #tpu.memory_space<vmem>> -> memref<4x8x128xf32, #tpu.memory_space<vmem>>
          tpu.vector_store_idx %scatter3A_361[%select_n3A, %and3A_168, %add3A_351], %gather3A_356 : memref<4x8x128xf32, #tpu.memory_space<vmem>>[vector<16xi32>, vector<16xi32>, vector<16xi32>], vector<16xf32>,
          %add3A_362 = vector.broadcast %mul3A_349 : i32 to vector<16xi32>
          %add3A_363 = arith.addi %and3A_11, %add3A_362 : vector<16xi32>
          %gather3A_364 = arith.constant 0 : i32
          %gather3A_365 = arith.constant 0 : i32
          %gather3A_366 = arith.constant 0 : i32
          %gather3A_367 = tpu.memref_slice %arg6[%gather3A_364, %gather3A_365, %gather3A_366] : memref<2x128x32xf32, #tpu.memory_space<vmem>> -> memref<1x128x32xf32, #tpu.memory_space<vmem>>
          %gather3A_368 = tpu.memref_squeeze %gather3A_367 : memref<1x128x32xf32, #tpu.memory_space<vmem>> -> memref<128x32xf32, #tpu.memory_space<vmem>>
          %gather3A_369 = tpu.vector_load_idx %gather3A_368[%add3A_363, %add3A_98] : memref<128x32xf32, #tpu.memory_space<vmem>>[vector<16xi32>, vector<16xi32>], vector<16xf32>,
          %scatter3A_370 = arith.constant 0 : i32
          %scatter3A_371 = arith.constant 0 : i32
          %scatter3A_372 = arith.constant 0 : i32
          %scatter3A_373 = arith.constant 0 : i32
          %scatter3A_374 = tpu.memref_slice %arg7[%scatter3A_370, %scatter3A_371, %scatter3A_372, %scatter3A_373] : memref<2x4x8x128xf32, #tpu.memory_space<vmem>> -> memref<1x4x8x128xf32, #tpu.memory_space<vmem>>
          %scatter3A_375 = tpu.memref_squeeze %scatter3A_374 : memref<1x4x8x128xf32, #tpu.memory_space<vmem>> -> memref<4x8x128xf32, #tpu.memory_space<vmem>>
          tpu.vector_store_idx %scatter3A_375[%select_n3A, %and3A_168, %add3A_363], %gather3A_369 : memref<4x8x128xf32, #tpu.memory_space<vmem>>[vector<16xi32>, vector<16xi32>, vector<16xi32>], vector<16xf32>,
          %add3A_376 = vector.broadcast %mul3A_349 : i32 to vector<16xi32>
          %add3A_377 = arith.addi %and3A_17, %add3A_376 : vector<16xi32>
          %gather3A_378 = arith.constant 0 : i32
          %gather3A_379 = arith.constant 0 : i32
          %gather3A_380 = arith.constant 0 : i32
          %gather3A_381 = tpu.memref_slice %arg6[%gather3A_378, %gather3A_379, %gather3A_380] : memref<2x128x32xf32, #tpu.memory_space<vmem>> -> memref<1x128x32xf32, #tpu.memory_space<vmem>>
          %gather3A_382 = tpu.memref_squeeze %gather3A_381 : memref<1x128x32xf32, #tpu.memory_space<vmem>> -> memref<128x32xf32, #tpu.memory_space<vmem>>
          %gather3A_383 = tpu.vector_load_idx %gather3A_382[%add3A_377, %add3A_98] : memref<128x32xf32, #tpu.memory_space<vmem>>[vector<16xi32>, vector<16xi32>], vector<16xf32>,
          %scatter3A_384 = arith.constant 0 : i32
          %scatter3A_385 = arith.constant 0 : i32
          %scatter3A_386 = arith.constant 0 : i32
          %scatter3A_387 = arith.constant 0 : i32
          %scatter3A_388 = tpu.memref_slice %arg7[%scatter3A_384, %scatter3A_385, %scatter3A_386, %scatter3A_387] : memref<2x4x8x128xf32, #tpu.memory_space<vmem>> -> memref<1x4x8x128xf32, #tpu.memory_space<vmem>>
          %scatter3A_389 = tpu.memref_squeeze %scatter3A_388 : memref<1x4x8x128xf32, #tpu.memory_space<vmem>> -> memref<4x8x128xf32, #tpu.memory_space<vmem>>
          tpu.vector_store_idx %scatter3A_389[%select_n3A, %and3A_168, %add3A_377], %gather3A_383 : memref<4x8x128xf32, #tpu.memory_space<vmem>>[vector<16xi32>, vector<16xi32>, vector<16xi32>], vector<16xf32>,
          %add3A_390 = vector.broadcast %mul3A_349 : i32 to vector<16xi32>
          %add3A_391 = arith.addi %and3A_23, %add3A_390 : vector<16xi32>
          %gather3A_392 = arith.constant 0 : i32
          %gather3A_393 = arith.constant 0 : i32
          %gather3A_394 = arith.constant 0 : i32
          %gather3A_395 = tpu.memref_slice %arg6[%gather3A_392, %gather3A_393, %gather3A_394] : memref<2x128x32xf32, #tpu.memory_space<vmem>> -> memref<1x128x32xf32, #tpu.memory_space<vmem>>
          %gather3A_396 = tpu.memref_squeeze %gather3A_395 : memref<1x128x32xf32, #tpu.memory_space<vmem>> -> memref<128x32xf32, #tpu.memory_space<vmem>>
          %gather3A_397 = tpu.vector_load_idx %gather3A_396[%add3A_391, %add3A_98] : memref<128x32xf32, #tpu.memory_space<vmem>>[vector<16xi32>, vector<16xi32>], vector<16xf32>,
          %scatter3A_398 = arith.constant 0 : i32
          %scatter3A_399 = arith.constant 0 : i32
          %scatter3A_400 = arith.constant 0 : i32
          %scatter3A_401 = arith.constant 0 : i32
          %scatter3A_402 = tpu.memref_slice %arg7[%scatter3A_398, %scatter3A_399, %scatter3A_400, %scatter3A_401] : memref<2x4x8x128xf32, #tpu.memory_space<vmem>> -> memref<1x4x8x128xf32, #tpu.memory_space<vmem>>
          %scatter3A_403 = tpu.memref_squeeze %scatter3A_402 : memref<1x4x8x128xf32, #tpu.memory_space<vmem>> -> memref<4x8x128xf32, #tpu.memory_space<vmem>>
          tpu.vector_store_idx %scatter3A_403[%select_n3A, %and3A_168, %add3A_391], %gather3A_397 : memref<4x8x128xf32, #tpu.memory_space<vmem>>[vector<16xi32>, vector<16xi32>, vector<16xi32>], vector<16xf32>,
          %add3A_404 = vector.broadcast %mul3A_349 : i32 to vector<16xi32>
          %add3A_405 = arith.addi %and3A_29, %add3A_404 : vector<16xi32>
          %gather3A_406 = arith.constant 0 : i32
          %gather3A_407 = arith.constant 0 : i32
          %gather3A_408 = arith.constant 0 : i32
          %gather3A_409 = tpu.memref_slice %arg6[%gather3A_406, %gather3A_407, %gather3A_408] : memref<2x128x32xf32, #tpu.memory_space<vmem>> -> memref<1x128x32xf32, #tpu.memory_space<vmem>>
          %gather3A_410 = tpu.memref_squeeze %gather3A_409 : memref<1x128x32xf32, #tpu.memory_space<vmem>> -> memref<128x32xf32, #tpu.memory_space<vmem>>
          %gather3A_411 = tpu.vector_load_idx %gather3A_410[%add3A_405, %add3A_98] : memref<128x32xf32, #tpu.memory_space<vmem>>[vector<16xi32>, vector<16xi32>], vector<16xf32>,
          %scatter3A_412 = arith.constant 0 : i32
          %scatter3A_413 = arith.constant 0 : i32
          %scatter3A_414 = arith.constant 0 : i32
          %scatter3A_415 = arith.constant 0 : i32
          %scatter3A_416 = tpu.memref_slice %arg7[%scatter3A_412, %scatter3A_413, %scatter3A_414, %scatter3A_415] : memref<2x4x8x128xf32, #tpu.memory_space<vmem>> -> memref<1x4x8x128xf32, #tpu.memory_space<vmem>>
          %scatter3A_417 = tpu.memref_squeeze %scatter3A_416 : memref<1x4x8x128xf32, #tpu.memory_space<vmem>> -> memref<4x8x128xf32, #tpu.memory_space<vmem>>
          tpu.vector_store_idx %scatter3A_417[%select_n3A, %and3A_168, %add3A_405], %gather3A_411 : memref<4x8x128xf32, #tpu.memory_space<vmem>>[vector<16xi32>, vector<16xi32>, vector<16xi32>], vector<16xf32>,
          %add3A_418 = vector.broadcast %mul3A_349 : i32 to vector<16xi32>
          %add3A_419 = arith.addi %and3A_35, %add3A_418 : vector<16xi32>
          %gather3A_420 = arith.constant 0 : i32
          %gather3A_421 = arith.constant 0 : i32
          %gather3A_422 = arith.constant 0 : i32
          %gather3A_423 = tpu.memref_slice %arg6[%gather3A_420, %gather3A_421, %gather3A_422] : memref<2x128x32xf32, #tpu.memory_space<vmem>> -> memref<1x128x32xf32, #tpu.memory_space<vmem>>
          %gather3A_424 = tpu.memref_squeeze %gather3A_423 : memref<1x128x32xf32, #tpu.memory_space<vmem>> -> memref<128x32xf32, #tpu.memory_space<vmem>>
          %gather3A_425 = tpu.vector_load_idx %gather3A_424[%add3A_419, %add3A_98] : memref<128x32xf32, #tpu.memory_space<vmem>>[vector<16xi32>, vector<16xi32>], vector<16xf32>,
          %scatter3A_426 = arith.constant 0 : i32
          %scatter3A_427 = arith.constant 0 : i32
          %scatter3A_428 = arith.constant 0 : i32
          %scatter3A_429 = arith.constant 0 : i32
          %scatter3A_430 = tpu.memref_slice %arg7[%scatter3A_426, %scatter3A_427, %scatter3A_428, %scatter3A_429] : memref<2x4x8x128xf32, #tpu.memory_space<vmem>> -> memref<1x4x8x128xf32, #tpu.memory_space<vmem>>
          %scatter3A_431 = tpu.memref_squeeze %scatter3A_430 : memref<1x4x8x128xf32, #tpu.memory_space<vmem>> -> memref<4x8x128xf32, #tpu.memory_space<vmem>>
          tpu.vector_store_idx %scatter3A_431[%select_n3A, %and3A_168, %add3A_419], %gather3A_425 : memref<4x8x128xf32, #tpu.memory_space<vmem>>[vector<16xi32>, vector<16xi32>, vector<16xi32>], vector<16xf32>,
          %add3A_432 = vector.broadcast %mul3A_349 : i32 to vector<16xi32>
          %add3A_433 = arith.addi %and3A_41, %add3A_432 : vector<16xi32>
          %gather3A_434 = arith.constant 0 : i32
          %gather3A_435 = arith.constant 0 : i32
          %gather3A_436 = arith.constant 0 : i32
          %gather3A_437 = tpu.memref_slice %arg6[%gather3A_434, %gather3A_435, %gather3A_436] : memref<2x128x32xf32, #tpu.memory_space<vmem>> -> memref<1x128x32xf32, #tpu.memory_space<vmem>>
          %gather3A_438 = tpu.memref_squeeze %gather3A_437 : memref<1x128x32xf32, #tpu.memory_space<vmem>> -> memref<128x32xf32, #tpu.memory_space<vmem>>
          %gather3A_439 = tpu.vector_load_idx %gather3A_438[%add3A_433, %add3A_98] : memref<128x32xf32, #tpu.memory_space<vmem>>[vector<16xi32>, vector<16xi32>], vector<16xf32>,
          %scatter3A_440 = arith.constant 0 : i32
          %scatter3A_441 = arith.constant 0 : i32
          %scatter3A_442 = arith.constant 0 : i32
          %scatter3A_443 = arith.constant 0 : i32
          %scatter3A_444 = tpu.memref_slice %arg7[%scatter3A_440, %scatter3A_441, %scatter3A_442, %scatter3A_443] : memref<2x4x8x128xf32, #tpu.memory_space<vmem>> -> memref<1x4x8x128xf32, #tpu.memory_space<vmem>>
          %scatter3A_445 = tpu.memref_squeeze %scatter3A_444 : memref<1x4x8x128xf32, #tpu.memory_space<vmem>> -> memref<4x8x128xf32, #tpu.memory_space<vmem>>
          tpu.vector_store_idx %scatter3A_445[%select_n3A, %and3A_168, %add3A_433], %gather3A_439 : memref<4x8x128xf32, #tpu.memory_space<vmem>>[vector<16xi32>, vector<16xi32>, vector<16xi32>], vector<16xf32>,
          %add3A_446 = vector.broadcast %mul3A_349 : i32 to vector<16xi32>
          %add3A_447 = arith.addi %and3A_47, %add3A_446 : vector<16xi32>
          %gather3A_448 = arith.constant 0 : i32
          %gather3A_449 = arith.constant 0 : i32
          %gather3A_450 = arith.constant 0 : i32
          %gather3A_451 = tpu.memref_slice %arg6[%gather3A_448, %gather3A_449, %gather3A_450] : memref<2x128x32xf32, #tpu.memory_space<vmem>> -> memref<1x128x32xf32, #tpu.memory_space<vmem>>
          %gather3A_452 = tpu.memref_squeeze %gather3A_451 : memref<1x128x32xf32, #tpu.memory_space<vmem>> -> memref<128x32xf32, #tpu.memory_space<vmem>>
          %gather3A_453 = tpu.vector_load_idx %gather3A_452[%add3A_447, %add3A_98] : memref<128x32xf32, #tpu.memory_space<vmem>>[vector<16xi32>, vector<16xi32>], vector<16xf32>,
          %scatter3A_454 = arith.constant 0 : i32
          %scatter3A_455 = arith.constant 0 : i32
          %scatter3A_456 = arith.constant 0 : i32
          %scatter3A_457 = arith.constant 0 : i32
          %scatter3A_458 = tpu.memref_slice %arg7[%scatter3A_454, %scatter3A_455, %scatter3A_456, %scatter3A_457] : memref<2x4x8x128xf32, #tpu.memory_space<vmem>> -> memref<1x4x8x128xf32, #tpu.memory_space<vmem>>
          %scatter3A_459 = tpu.memref_squeeze %scatter3A_458 : memref<1x4x8x128xf32, #tpu.memory_space<vmem>> -> memref<4x8x128xf32, #tpu.memory_space<vmem>>
          tpu.vector_store_idx %scatter3A_459[%select_n3A, %and3A_168, %add3A_447], %gather3A_453 : memref<4x8x128xf32, #tpu.memory_space<vmem>>[vector<16xi32>, vector<16xi32>, vector<16xi32>], vector<16xf32>,
          %add3A_460 = vector.broadcast %mul3A_349 : i32 to vector<16xi32>
          %add3A_461 = arith.addi %and3A_53, %add3A_460 : vector<16xi32>
          %gather3A_462 = arith.constant 0 : i32
          %gather3A_463 = arith.constant 0 : i32
          %gather3A_464 = arith.constant 0 : i32
          %gather3A_465 = tpu.memref_slice %arg6[%gather3A_462, %gather3A_463, %gather3A_464] : memref<2x128x32xf32, #tpu.memory_space<vmem>> -> memref<1x128x32xf32, #tpu.memory_space<vmem>>
          %gather3A_466 = tpu.memref_squeeze %gather3A_465 : memref<1x128x32xf32, #tpu.memory_space<vmem>> -> memref<128x32xf32, #tpu.memory_space<vmem>>
          %gather3A_467 = tpu.vector_load_idx %gather3A_466[%add3A_461, %add3A_98] : memref<128x32xf32, #tpu.memory_space<vmem>>[vector<16xi32>, vector<16xi32>], vector<16xf32>,
          %scatter3A_468 = arith.constant 0 : i32
          %scatter3A_469 = arith.constant 0 : i32
          %scatter3A_470 = arith.constant 0 : i32
          %scatter3A_471 = arith.constant 0 : i32
          %scatter3A_472 = tpu.memref_slice %arg7[%scatter3A_468, %scatter3A_469, %scatter3A_470, %scatter3A_471] : memref<2x4x8x128xf32, #tpu.memory_space<vmem>> -> memref<1x4x8x128xf32, #tpu.memory_space<vmem>>
          %scatter3A_473 = tpu.memref_squeeze %scatter3A_472 : memref<1x4x8x128xf32, #tpu.memory_space<vmem>> -> memref<4x8x128xf32, #tpu.memory_space<vmem>>
          tpu.vector_store_idx %scatter3A_473[%select_n3A, %and3A_168, %add3A_461], %gather3A_467 : memref<4x8x128xf32, #tpu.memory_space<vmem>>[vector<16xi32>, vector<16xi32>, vector<16xi32>], vector<16xf32>,
          %add3A_474 = vector.broadcast %mul3A_349 : i32 to vector<16xi32>
          %add3A_475 = arith.addi %and3A_59, %add3A_474 : vector<16xi32>
          %gather3A_476 = arith.constant 0 : i32
          %gather3A_477 = arith.constant 0 : i32
          %gather3A_478 = arith.constant 0 : i32
          %gather3A_479 = tpu.memref_slice %arg6[%gather3A_476, %gather3A_477, %gather3A_478] : memref<2x128x32xf32, #tpu.memory_space<vmem>> -> memref<1x128x32xf32, #tpu.memory_space<vmem>>
          %gather3A_480 = tpu.memref_squeeze %gather3A_479 : memref<1x128x32xf32, #tpu.memory_space<vmem>> -> memref<128x32xf32, #tpu.memory_space<vmem>>
          %gather3A_481 = tpu.vector_load_idx %gather3A_480[%add3A_475, %add3A_98] : memref<128x32xf32, #tpu.memory_space<vmem>>[vector<16xi32>, vector<16xi32>], vector<16xf32>,
          %scatter3A_482 = arith.constant 0 : i32
          %scatter3A_483 = arith.constant 0 : i32
          %scatter3A_484 = arith.constant 0 : i32
          %scatter3A_485 = arith.constant 0 : i32
          %scatter3A_486 = tpu.memref_slice %arg7[%scatter3A_482, %scatter3A_483, %scatter3A_484, %scatter3A_485] : memref<2x4x8x128xf32, #tpu.memory_space<vmem>> -> memref<1x4x8x128xf32, #tpu.memory_space<vmem>>
          %scatter3A_487 = tpu.memref_squeeze %scatter3A_486 : memref<1x4x8x128xf32, #tpu.memory_space<vmem>> -> memref<4x8x128xf32, #tpu.memory_space<vmem>>
          tpu.vector_store_idx %scatter3A_487[%select_n3A, %and3A_168, %add3A_475], %gather3A_481 : memref<4x8x128xf32, #tpu.memory_space<vmem>>[vector<16xi32>, vector<16xi32>, vector<16xi32>], vector<16xf32>,
          %add3A_488 = vector.broadcast %mul3A_349 : i32 to vector<16xi32>
          %add3A_489 = arith.addi %and3A_65, %add3A_488 : vector<16xi32>
          %gather3A_490 = arith.constant 0 : i32
          %gather3A_491 = arith.constant 0 : i32
          %gather3A_492 = arith.constant 0 : i32
          %gather3A_493 = tpu.memref_slice %arg6[%gather3A_490, %gather3A_491, %gather3A_492] : memref<2x128x32xf32, #tpu.memory_space<vmem>> -> memref<1x128x32xf32, #tpu.memory_space<vmem>>
          %gather3A_494 = tpu.memref_squeeze %gather3A_493 : memref<1x128x32xf32, #tpu.memory_space<vmem>> -> memref<128x32xf32, #tpu.memory_space<vmem>>
          %gather3A_495 = tpu.vector_load_idx %gather3A_494[%add3A_489, %add3A_98] : memref<128x32xf32, #tpu.memory_space<vmem>>[vector<16xi32>, vector<16xi32>], vector<16xf32>,
          %scatter3A_496 = arith.constant 0 : i32
          %scatter3A_497 = arith.constant 0 : i32
          %scatter3A_498 = arith.constant 0 : i32
          %scatter3A_499 = arith.constant 0 : i32
          %scatter3A_500 = tpu.memref_slice %arg7[%scatter3A_496, %scatter3A_497, %scatter3A_498, %scatter3A_499] : memref<2x4x8x128xf32, #tpu.memory_space<vmem>> -> memref<1x4x8x128xf32, #tpu.memory_space<vmem>>
          %scatter3A_501 = tpu.memref_squeeze %scatter3A_500 : memref<1x4x8x128xf32, #tpu.memory_space<vmem>> -> memref<4x8x128xf32, #tpu.memory_space<vmem>>
          tpu.vector_store_idx %scatter3A_501[%select_n3A, %and3A_168, %add3A_489], %gather3A_495 : memref<4x8x128xf32, #tpu.memory_space<vmem>>[vector<16xi32>, vector<16xi32>, vector<16xi32>], vector<16xf32>,
          %add3A_502 = vector.broadcast %mul3A_349 : i32 to vector<16xi32>
          %add3A_503 = arith.addi %and3A_71, %add3A_502 : vector<16xi32>
          %gather3A_504 = arith.constant 0 : i32
          %gather3A_505 = arith.constant 0 : i32
          %gather3A_506 = arith.constant 0 : i32
          %gather3A_507 = tpu.memref_slice %arg6[%gather3A_504, %gather3A_505, %gather3A_506] : memref<2x128x32xf32, #tpu.memory_space<vmem>> -> memref<1x128x32xf32, #tpu.memory_space<vmem>>
          %gather3A_508 = tpu.memref_squeeze %gather3A_507 : memref<1x128x32xf32, #tpu.memory_space<vmem>> -> memref<128x32xf32, #tpu.memory_space<vmem>>
          %gather3A_509 = tpu.vector_load_idx %gather3A_508[%add3A_503, %add3A_98] : memref<128x32xf32, #tpu.memory_space<vmem>>[vector<16xi32>, vector<16xi32>], vector<16xf32>,
          %scatter3A_510 = arith.constant 0 : i32
          %scatter3A_511 = arith.constant 0 : i32
          %scatter3A_512 = arith.constant 0 : i32
          %scatter3A_513 = arith.constant 0 : i32
          %scatter3A_514 = tpu.memref_slice %arg7[%scatter3A_510, %scatter3A_511, %scatter3A_512, %scatter3A_513] : memref<2x4x8x128xf32, #tpu.memory_space<vmem>> -> memref<1x4x8x128xf32, #tpu.memory_space<vmem>>
          %scatter3A_515 = tpu.memref_squeeze %scatter3A_514 : memref<1x4x8x128xf32, #tpu.memory_space<vmem>> -> memref<4x8x128xf32, #tpu.memory_space<vmem>>
          tpu.vector_store_idx %scatter3A_515[%select_n3A, %and3A_168, %add3A_503], %gather3A_509 : memref<4x8x128xf32, #tpu.memory_space<vmem>>[vector<16xi32>, vector<16xi32>, vector<16xi32>], vector<16xf32>,
          %add3A_516 = vector.broadcast %mul3A_349 : i32 to vector<16xi32>
          %add3A_517 = arith.addi %and3A_77, %add3A_516 : vector<16xi32>
          %gather3A_518 = arith.constant 0 : i32
          %gather3A_519 = arith.constant 0 : i32
          %gather3A_520 = arith.constant 0 : i32
          %gather3A_521 = tpu.memref_slice %arg6[%gather3A_518, %gather3A_519, %gather3A_520] : memref<2x128x32xf32, #tpu.memory_space<vmem>> -> memref<1x128x32xf32, #tpu.memory_space<vmem>>
          %gather3A_522 = tpu.memref_squeeze %gather3A_521 : memref<1x128x32xf32, #tpu.memory_space<vmem>> -> memref<128x32xf32, #tpu.memory_space<vmem>>
          %gather3A_523 = tpu.vector_load_idx %gather3A_522[%add3A_517, %add3A_98] : memref<128x32xf32, #tpu.memory_space<vmem>>[vector<16xi32>, vector<16xi32>], vector<16xf32>,
          %scatter3A_524 = arith.constant 0 : i32
          %scatter3A_525 = arith.constant 0 : i32
          %scatter3A_526 = arith.constant 0 : i32
          %scatter3A_527 = arith.constant 0 : i32
          %scatter3A_528 = tpu.memref_slice %arg7[%scatter3A_524, %scatter3A_525, %scatter3A_526, %scatter3A_527] : memref<2x4x8x128xf32, #tpu.memory_space<vmem>> -> memref<1x4x8x128xf32, #tpu.memory_space<vmem>>
          %scatter3A_529 = tpu.memref_squeeze %scatter3A_528 : memref<1x4x8x128xf32, #tpu.memory_space<vmem>> -> memref<4x8x128xf32, #tpu.memory_space<vmem>>
          tpu.vector_store_idx %scatter3A_529[%select_n3A, %and3A_168, %add3A_517], %gather3A_523 : memref<4x8x128xf32, #tpu.memory_space<vmem>>[vector<16xi32>, vector<16xi32>, vector<16xi32>], vector<16xf32>,
          %add3A_530 = vector.broadcast %mul3A_349 : i32 to vector<16xi32>
          %add3A_531 = arith.addi %and3A_83, %add3A_530 : vector<16xi32>
          %gather3A_532 = arith.constant 0 : i32
          %gather3A_533 = arith.constant 0 : i32
          %gather3A_534 = arith.constant 0 : i32
          %gather3A_535 = tpu.memref_slice %arg6[%gather3A_532, %gather3A_533, %gather3A_534] : memref<2x128x32xf32, #tpu.memory_space<vmem>> -> memref<1x128x32xf32, #tpu.memory_space<vmem>>
          %gather3A_536 = tpu.memref_squeeze %gather3A_535 : memref<1x128x32xf32, #tpu.memory_space<vmem>> -> memref<128x32xf32, #tpu.memory_space<vmem>>
          %gather3A_537 = tpu.vector_load_idx %gather3A_536[%add3A_531, %add3A_98] : memref<128x32xf32, #tpu.memory_space<vmem>>[vector<16xi32>, vector<16xi32>], vector<16xf32>,
          %scatter3A_538 = arith.constant 0 : i32
          %scatter3A_539 = arith.constant 0 : i32
          %scatter3A_540 = arith.constant 0 : i32
          %scatter3A_541 = arith.constant 0 : i32
          %scatter3A_542 = tpu.memref_slice %arg7[%scatter3A_538, %scatter3A_539, %scatter3A_540, %scatter3A_541] : memref<2x4x8x128xf32, #tpu.memory_space<vmem>> -> memref<1x4x8x128xf32, #tpu.memory_space<vmem>>
          %scatter3A_543 = tpu.memref_squeeze %scatter3A_542 : memref<1x4x8x128xf32, #tpu.memory_space<vmem>> -> memref<4x8x128xf32, #tpu.memory_space<vmem>>
          tpu.vector_store_idx %scatter3A_543[%select_n3A, %and3A_168, %add3A_531], %gather3A_537 : memref<4x8x128xf32, #tpu.memory_space<vmem>>[vector<16xi32>, vector<16xi32>, vector<16xi32>], vector<16xf32>,
          %add3A_544 = vector.broadcast %mul3A_349 : i32 to vector<16xi32>
          %add3A_545 = arith.addi %and3A_89, %add3A_544 : vector<16xi32>
          %gather3A_546 = arith.constant 0 : i32
          %gather3A_547 = arith.constant 0 : i32
          %gather3A_548 = arith.constant 0 : i32
          %gather3A_549 = tpu.memref_slice %arg6[%gather3A_546, %gather3A_547, %gather3A_548] : memref<2x128x32xf32, #tpu.memory_space<vmem>> -> memref<1x128x32xf32, #tpu.memory_space<vmem>>
          %gather3A_550 = tpu.memref_squeeze %gather3A_549 : memref<1x128x32xf32, #tpu.memory_space<vmem>> -> memref<128x32xf32, #tpu.memory_space<vmem>>
          %gather3A_551 = tpu.vector_load_idx %gather3A_550[%add3A_545, %add3A_98] : memref<128x32xf32, #tpu.memory_space<vmem>>[vector<16xi32>, vector<16xi32>], vector<16xf32>,
          %scatter3A_552 = arith.constant 0 : i32
          %scatter3A_553 = arith.constant 0 : i32
          %scatter3A_554 = arith.constant 0 : i32
          %scatter3A_555 = arith.constant 0 : i32
          %scatter3A_556 = tpu.memref_slice %arg7[%scatter3A_552, %scatter3A_553, %scatter3A_554, %scatter3A_555] : memref<2x4x8x128xf32, #tpu.memory_space<vmem>> -> memref<1x4x8x128xf32, #tpu.memory_space<vmem>>
          %scatter3A_557 = tpu.memref_squeeze %scatter3A_556 : memref<1x4x8x128xf32, #tpu.memory_space<vmem>> -> memref<4x8x128xf32, #tpu.memory_space<vmem>>
          tpu.vector_store_idx %scatter3A_557[%select_n3A, %and3A_168, %add3A_545], %gather3A_551 : memref<4x8x128xf32, #tpu.memory_space<vmem>>[vector<16xi32>, vector<16xi32>, vector<16xi32>], vector<16xf32>,
          %add3A_558 = vector.broadcast %mul3A_349 : i32 to vector<16xi32>
          %add3A_559 = arith.addi %and3A_95, %add3A_558 : vector<16xi32>
          %gather3A_560 = arith.constant 0 : i32
          %gather3A_561 = arith.constant 0 : i32
          %gather3A_562 = arith.constant 0 : i32
          %gather3A_563 = tpu.memref_slice %arg6[%gather3A_560, %gather3A_561, %gather3A_562] : memref<2x128x32xf32, #tpu.memory_space<vmem>> -> memref<1x128x32xf32, #tpu.memory_space<vmem>>
          %gather3A_564 = tpu.memref_squeeze %gather3A_563 : memref<1x128x32xf32, #tpu.memory_space<vmem>> -> memref<128x32xf32, #tpu.memory_space<vmem>>
          %gather3A_565 = tpu.vector_load_idx %gather3A_564[%add3A_559, %add3A_98] : memref<128x32xf32, #tpu.memory_space<vmem>>[vector<16xi32>, vector<16xi32>], vector<16xf32>,
          %scatter3A_566 = arith.constant 0 : i32
          %scatter3A_567 = arith.constant 0 : i32
          %scatter3A_568 = arith.constant 0 : i32
          %scatter3A_569 = arith.constant 0 : i32
          %scatter3A_570 = tpu.memref_slice %arg7[%scatter3A_566, %scatter3A_567, %scatter3A_568, %scatter3A_569] : memref<2x4x8x128xf32, #tpu.memory_space<vmem>> -> memref<1x4x8x128xf32, #tpu.memory_space<vmem>>
          %scatter3A_571 = tpu.memref_squeeze %scatter3A_570 : memref<1x4x8x128xf32, #tpu.memory_space<vmem>> -> memref<4x8x128xf32, #tpu.memory_space<vmem>>
          tpu.vector_store_idx %scatter3A_571[%select_n3A, %and3A_168, %add3A_559], %gather3A_565 : memref<4x8x128xf32, #tpu.memory_space<vmem>>[vector<16xi32>, vector<16xi32>, vector<16xi32>], vector<16xf32>,
          %add3A_572 = vector.broadcast %mul3A_349 : i32 to vector<16xi32>
          %add3A_573 = arith.addi %and3A_5, %add3A_572 : vector<16xi32>
          %gather3A_574 = arith.constant 0 : i32
          %gather3A_575 = arith.constant 0 : i32
          %gather3A_576 = arith.constant 0 : i32
          %gather3A_577 = tpu.memref_slice %arg6[%gather3A_574, %gather3A_575, %gather3A_576] : memref<2x128x32xf32, #tpu.memory_space<vmem>> -> memref<1x128x32xf32, #tpu.memory_space<vmem>>
          %gather3A_578 = tpu.memref_squeeze %gather3A_577 : memref<1x128x32xf32, #tpu.memory_space<vmem>> -> memref<128x32xf32, #tpu.memory_space<vmem>>
          %gather3A_579 = tpu.vector_load_idx %gather3A_578[%add3A_573, %add3A_101] : memref<128x32xf32, #tpu.memory_space<vmem>>[vector<16xi32>, vector<16xi32>], vector<16xf32>,
          %scatter3A_580 = arith.constant 0 : i32
          %scatter3A_581 = arith.constant 0 : i32
          %scatter3A_582 = arith.constant 0 : i32
          %scatter3A_583 = arith.constant 0 : i32
          %scatter3A_584 = tpu.memref_slice %arg7[%scatter3A_580, %scatter3A_581, %scatter3A_582, %scatter3A_583] : memref<2x4x8x128xf32, #tpu.memory_space<vmem>> -> memref<1x4x8x128xf32, #tpu.memory_space<vmem>>
          %scatter3A_585 = tpu.memref_squeeze %scatter3A_584 : memref<1x4x8x128xf32, #tpu.memory_space<vmem>> -> memref<4x8x128xf32, #tpu.memory_space<vmem>>
          tpu.vector_store_idx %scatter3A_585[%select_n3A_162, %and3A_174, %add3A_573], %gather3A_579 : memref<4x8x128xf32, #tpu.memory_space<vmem>>[vector<16xi32>, vector<16xi32>, vector<16xi32>], vector<16xf32>,
          %add3A_586 = vector.broadcast %mul3A_349 : i32 to vector<16xi32>
          %add3A_587 = arith.addi %and3A_11, %add3A_586 : vector<16xi32>
          %gather3A_588 = arith.constant 0 : i32
          %gather3A_589 = arith.constant 0 : i32
          %gather3A_590 = arith.constant 0 : i32
          %gather3A_591 = tpu.memref_slice %arg6[%gather3A_588, %gather3A_589, %gather3A_590] : memref<2x128x32xf32, #tpu.memory_space<vmem>> -> memref<1x128x32xf32, #tpu.memory_space<vmem>>
          %gather3A_592 = tpu.memref_squeeze %gather3A_591 : memref<1x128x32xf32, #tpu.memory_space<vmem>> -> memref<128x32xf32, #tpu.memory_space<vmem>>
          %gather3A_593 = tpu.vector_load_idx %gather3A_592[%add3A_587, %add3A_101] : memref<128x32xf32, #tpu.memory_space<vmem>>[vector<16xi32>, vector<16xi32>], vector<16xf32>,
          %scatter3A_594 = arith.constant 0 : i32
          %scatter3A_595 = arith.constant 0 : i32
          %scatter3A_596 = arith.constant 0 : i32
          %scatter3A_597 = arith.constant 0 : i32
          %scatter3A_598 = tpu.memref_slice %arg7[%scatter3A_594, %scatter3A_595, %scatter3A_596, %scatter3A_597] : memref<2x4x8x128xf32, #tpu.memory_space<vmem>> -> memref<1x4x8x128xf32, #tpu.memory_space<vmem>>
          %scatter3A_599 = tpu.memref_squeeze %scatter3A_598 : memref<1x4x8x128xf32, #tpu.memory_space<vmem>> -> memref<4x8x128xf32, #tpu.memory_space<vmem>>
          tpu.vector_store_idx %scatter3A_599[%select_n3A_162, %and3A_174, %add3A_587], %gather3A_593 : memref<4x8x128xf32, #tpu.memory_space<vmem>>[vector<16xi32>, vector<16xi32>, vector<16xi32>], vector<16xf32>,
          %add3A_600 = vector.broadcast %mul3A_349 : i32 to vector<16xi32>
          %add3A_601 = arith.addi %and3A_17, %add3A_600 : vector<16xi32>
          %gather3A_602 = arith.constant 0 : i32
          %gather3A_603 = arith.constant 0 : i32
          %gather3A_604 = arith.constant 0 : i32
          %gather3A_605 = tpu.memref_slice %arg6[%gather3A_602, %gather3A_603, %gather3A_604] : memref<2x128x32xf32, #tpu.memory_space<vmem>> -> memref<1x128x32xf32, #tpu.memory_space<vmem>>
          %gather3A_606 = tpu.memref_squeeze %gather3A_605 : memref<1x128x32xf32, #tpu.memory_space<vmem>> -> memref<128x32xf32, #tpu.memory_space<vmem>>
          %gather3A_607 = tpu.vector_load_idx %gather3A_606[%add3A_601, %add3A_101] : memref<128x32xf32, #tpu.memory_space<vmem>>[vector<16xi32>, vector<16xi32>], vector<16xf32>,
          %scatter3A_608 = arith.constant 0 : i32
          %scatter3A_609 = arith.constant 0 : i32
          %scatter3A_610 = arith.constant 0 : i32
          %scatter3A_611 = arith.constant 0 : i32
          %scatter3A_612 = tpu.memref_slice %arg7[%scatter3A_608, %scatter3A_609, %scatter3A_610, %scatter3A_611] : memref<2x4x8x128xf32, #tpu.memory_space<vmem>> -> memref<1x4x8x128xf32, #tpu.memory_space<vmem>>
          %scatter3A_613 = tpu.memref_squeeze %scatter3A_612 : memref<1x4x8x128xf32, #tpu.memory_space<vmem>> -> memref<4x8x128xf32, #tpu.memory_space<vmem>>
          tpu.vector_store_idx %scatter3A_613[%select_n3A_162, %and3A_174, %add3A_601], %gather3A_607 : memref<4x8x128xf32, #tpu.memory_space<vmem>>[vector<16xi32>, vector<16xi32>, vector<16xi32>], vector<16xf32>,
          %add3A_614 = vector.broadcast %mul3A_349 : i32 to vector<16xi32>
          %add3A_615 = arith.addi %and3A_23, %add3A_614 : vector<16xi32>
          %gather3A_616 = arith.constant 0 : i32
          %gather3A_617 = arith.constant 0 : i32
          %gather3A_618 = arith.constant 0 : i32
          %gather3A_619 = tpu.memref_slice %arg6[%gather3A_616, %gather3A_617, %gather3A_618] : memref<2x128x32xf32, #tpu.memory_space<vmem>> -> memref<1x128x32xf32, #tpu.memory_space<vmem>>
          %gather3A_620 = tpu.memref_squeeze %gather3A_619 : memref<1x128x32xf32, #tpu.memory_space<vmem>> -> memref<128x32xf32, #tpu.memory_space<vmem>>
          %gather3A_621 = tpu.vector_load_idx %gather3A_620[%add3A_615, %add3A_101] : memref<128x32xf32, #tpu.memory_space<vmem>>[vector<16xi32>, vector<16xi32>], vector<16xf32>,
          %scatter3A_622 = arith.constant 0 : i32
          %scatter3A_623 = arith.constant 0 : i32
          %scatter3A_624 = arith.constant 0 : i32
          %scatter3A_625 = arith.constant 0 : i32
          %scatter3A_626 = tpu.memref_slice %arg7[%scatter3A_622, %scatter3A_623, %scatter3A_624, %scatter3A_625] : memref<2x4x8x128xf32, #tpu.memory_space<vmem>> -> memref<1x4x8x128xf32, #tpu.memory_space<vmem>>
          %scatter3A_627 = tpu.memref_squeeze %scatter3A_626 : memref<1x4x8x128xf32, #tpu.memory_space<vmem>> -> memref<4x8x128xf32, #tpu.memory_space<vmem>>
          tpu.vector_store_idx %scatter3A_627[%select_n3A_162, %and3A_174, %add3A_615], %gather3A_621 : memref<4x8x128xf32, #tpu.memory_space<vmem>>[vector<16xi32>, vector<16xi32>, vector<16xi32>], vector<16xf32>,
          %add3A_628 = vector.broadcast %mul3A_349 : i32 to vector<16xi32>
          %add3A_629 = arith.addi %and3A_29, %add3A_628 : vector<16xi32>
          %gather3A_630 = arith.constant 0 : i32
          %gather3A_631 = arith.constant 0 : i32
          %gather3A_632 = arith.constant 0 : i32
          %gather3A_633 = tpu.memref_slice %arg6[%gather3A_630, %gather3A_631, %gather3A_632] : memref<2x128x32xf32, #tpu.memory_space<vmem>> -> memref<1x128x32xf32, #tpu.memory_space<vmem>>
          %gather3A_634 = tpu.memref_squeeze %gather3A_633 : memref<1x128x32xf32, #tpu.memory_space<vmem>> -> memref<128x32xf32, #tpu.memory_space<vmem>>
          %gather3A_635 = tpu.vector_load_idx %gather3A_634[%add3A_629, %add3A_101] : memref<128x32xf32, #tpu.memory_space<vmem>>[vector<16xi32>, vector<16xi32>], vector<16xf32>,
          %scatter3A_636 = arith.constant 0 : i32
          %scatter3A_637 = arith.constant 0 : i32
          %scatter3A_638 = arith.constant 0 : i32
          %scatter3A_639 = arith.constant 0 : i32
          %scatter3A_640 = tpu.memref_slice %arg7[%scatter3A_636, %scatter3A_637, %scatter3A_638, %scatter3A_639] : memref<2x4x8x128xf32, #tpu.memory_space<vmem>> -> memref<1x4x8x128xf32, #tpu.memory_space<vmem>>
          %scatter3A_641 = tpu.memref_squeeze %scatter3A_640 : memref<1x4x8x128xf32, #tpu.memory_space<vmem>> -> memref<4x8x128xf32, #tpu.memory_space<vmem>>
          tpu.vector_store_idx %scatter3A_641[%select_n3A_162, %and3A_174, %add3A_629], %gather3A_635 : memref<4x8x128xf32, #tpu.memory_space<vmem>>[vector<16xi32>, vector<16xi32>, vector<16xi32>], vector<16xf32>,
          %add3A_642 = vector.broadcast %mul3A_349 : i32 to vector<16xi32>
          %add3A_643 = arith.addi %and3A_35, %add3A_642 : vector<16xi32>
          %gather3A_644 = arith.constant 0 : i32
          %gather3A_645 = arith.constant 0 : i32
          %gather3A_646 = arith.constant 0 : i32
          %gather3A_647 = tpu.memref_slice %arg6[%gather3A_644, %gather3A_645, %gather3A_646] : memref<2x128x32xf32, #tpu.memory_space<vmem>> -> memref<1x128x32xf32, #tpu.memory_space<vmem>>
          %gather3A_648 = tpu.memref_squeeze %gather3A_647 : memref<1x128x32xf32, #tpu.memory_space<vmem>> -> memref<128x32xf32, #tpu.memory_space<vmem>>
          %gather3A_649 = tpu.vector_load_idx %gather3A_648[%add3A_643, %add3A_101] : memref<128x32xf32, #tpu.memory_space<vmem>>[vector<16xi32>, vector<16xi32>], vector<16xf32>,
          %scatter3A_650 = arith.constant 0 : i32
          %scatter3A_651 = arith.constant 0 : i32
          %scatter3A_652 = arith.constant 0 : i32
          %scatter3A_653 = arith.constant 0 : i32
          %scatter3A_654 = tpu.memref_slice %arg7[%scatter3A_650, %scatter3A_651, %scatter3A_652, %scatter3A_653] : memref<2x4x8x128xf32, #tpu.memory_space<vmem>> -> memref<1x4x8x128xf32, #tpu.memory_space<vmem>>
          %scatter3A_655 = tpu.memref_squeeze %scatter3A_654 : memref<1x4x8x128xf32, #tpu.memory_space<vmem>> -> memref<4x8x128xf32, #tpu.memory_space<vmem>>
          tpu.vector_store_idx %scatter3A_655[%select_n3A_162, %and3A_174, %add3A_643], %gather3A_649 : memref<4x8x128xf32, #tpu.memory_space<vmem>>[vector<16xi32>, vector<16xi32>, vector<16xi32>], vector<16xf32>,
          %add3A_656 = vector.broadcast %mul3A_349 : i32 to vector<16xi32>
          %add3A_657 = arith.addi %and3A_41, %add3A_656 : vector<16xi32>
          %gather3A_658 = arith.constant 0 : i32
          %gather3A_659 = arith.constant 0 : i32
          %gather3A_660 = arith.constant 0 : i32
          %gather3A_661 = tpu.memref_slice %arg6[%gather3A_658, %gather3A_659, %gather3A_660] : memref<2x128x32xf32, #tpu.memory_space<vmem>> -> memref<1x128x32xf32, #tpu.memory_space<vmem>>
          %gather3A_662 = tpu.memref_squeeze %gather3A_661 : memref<1x128x32xf32, #tpu.memory_space<vmem>> -> memref<128x32xf32, #tpu.memory_space<vmem>>
          %gather3A_663 = tpu.vector_load_idx %gather3A_662[%add3A_657, %add3A_101] : memref<128x32xf32, #tpu.memory_space<vmem>>[vector<16xi32>, vector<16xi32>], vector<16xf32>,
          %scatter3A_664 = arith.constant 0 : i32
          %scatter3A_665 = arith.constant 0 : i32
          %scatter3A_666 = arith.constant 0 : i32
          %scatter3A_667 = arith.constant 0 : i32
          %scatter3A_668 = tpu.memref_slice %arg7[%scatter3A_664, %scatter3A_665, %scatter3A_666, %scatter3A_667] : memref<2x4x8x128xf32, #tpu.memory_space<vmem>> -> memref<1x4x8x128xf32, #tpu.memory_space<vmem>>
          %scatter3A_669 = tpu.memref_squeeze %scatter3A_668 : memref<1x4x8x128xf32, #tpu.memory_space<vmem>> -> memref<4x8x128xf32, #tpu.memory_space<vmem>>
          tpu.vector_store_idx %scatter3A_669[%select_n3A_162, %and3A_174, %add3A_657], %gather3A_663 : memref<4x8x128xf32, #tpu.memory_space<vmem>>[vector<16xi32>, vector<16xi32>, vector<16xi32>], vector<16xf32>,
          %add3A_670 = vector.broadcast %mul3A_349 : i32 to vector<16xi32>
          %add3A_671 = arith.addi %and3A_47, %add3A_670 : vector<16xi32>
          %gather3A_672 = arith.constant 0 : i32
          %gather3A_673 = arith.constant 0 : i32
          %gather3A_674 = arith.constant 0 : i32
          %gather3A_675 = tpu.memref_slice %arg6[%gather3A_672, %gather3A_673, %gather3A_674] : memref<2x128x32xf32, #tpu.memory_space<vmem>> -> memref<1x128x32xf32, #tpu.memory_space<vmem>>
          %gather3A_676 = tpu.memref_squeeze %gather3A_675 : memref<1x128x32xf32, #tpu.memory_space<vmem>> -> memref<128x32xf32, #tpu.memory_space<vmem>>
          %gather3A_677 = tpu.vector_load_idx %gather3A_676[%add3A_671, %add3A_101] : memref<128x32xf32, #tpu.memory_space<vmem>>[vector<16xi32>, vector<16xi32>], vector<16xf32>,
          %scatter3A_678 = arith.constant 0 : i32
          %scatter3A_679 = arith.constant 0 : i32
          %scatter3A_680 = arith.constant 0 : i32
          %scatter3A_681 = arith.constant 0 : i32
          %scatter3A_682 = tpu.memref_slice %arg7[%scatter3A_678, %scatter3A_679, %scatter3A_680, %scatter3A_681] : memref<2x4x8x128xf32, #tpu.memory_space<vmem>> -> memref<1x4x8x128xf32, #tpu.memory_space<vmem>>
          %scatter3A_683 = tpu.memref_squeeze %scatter3A_682 : memref<1x4x8x128xf32, #tpu.memory_space<vmem>> -> memref<4x8x128xf32, #tpu.memory_space<vmem>>
          tpu.vector_store_idx %scatter3A_683[%select_n3A_162, %and3A_174, %add3A_671], %gather3A_677 : memref<4x8x128xf32, #tpu.memory_space<vmem>>[vector<16xi32>, vector<16xi32>, vector<16xi32>], vector<16xf32>,
          %add3A_684 = vector.broadcast %mul3A_349 : i32 to vector<16xi32>
          %add3A_685 = arith.addi %and3A_53, %add3A_684 : vector<16xi32>
          %gather3A_686 = arith.constant 0 : i32
          %gather3A_687 = arith.constant 0 : i32
          %gather3A_688 = arith.constant 0 : i32
          %gather3A_689 = tpu.memref_slice %arg6[%gather3A_686, %gather3A_687, %gather3A_688] : memref<2x128x32xf32, #tpu.memory_space<vmem>> -> memref<1x128x32xf32, #tpu.memory_space<vmem>>
          %gather3A_690 = tpu.memref_squeeze %gather3A_689 : memref<1x128x32xf32, #tpu.memory_space<vmem>> -> memref<128x32xf32, #tpu.memory_space<vmem>>
          %gather3A_691 = tpu.vector_load_idx %gather3A_690[%add3A_685, %add3A_101] : memref<128x32xf32, #tpu.memory_space<vmem>>[vector<16xi32>, vector<16xi32>], vector<16xf32>,
          %scatter3A_692 = arith.constant 0 : i32
          %scatter3A_693 = arith.constant 0 : i32
          %scatter3A_694 = arith.constant 0 : i32
          %scatter3A_695 = arith.constant 0 : i32
          %scatter3A_696 = tpu.memref_slice %arg7[%scatter3A_692, %scatter3A_693, %scatter3A_694, %scatter3A_695] : memref<2x4x8x128xf32, #tpu.memory_space<vmem>> -> memref<1x4x8x128xf32, #tpu.memory_space<vmem>>
          %scatter3A_697 = tpu.memref_squeeze %scatter3A_696 : memref<1x4x8x128xf32, #tpu.memory_space<vmem>> -> memref<4x8x128xf32, #tpu.memory_space<vmem>>
          tpu.vector_store_idx %scatter3A_697[%select_n3A_162, %and3A_174, %add3A_685], %gather3A_691 : memref<4x8x128xf32, #tpu.memory_space<vmem>>[vector<16xi32>, vector<16xi32>, vector<16xi32>], vector<16xf32>,
          %add3A_698 = vector.broadcast %mul3A_349 : i32 to vector<16xi32>
          %add3A_699 = arith.addi %and3A_59, %add3A_698 : vector<16xi32>
          %gather3A_700 = arith.constant 0 : i32
          %gather3A_701 = arith.constant 0 : i32
          %gather3A_702 = arith.constant 0 : i32
          %gather3A_703 = tpu.memref_slice %arg6[%gather3A_700, %gather3A_701, %gather3A_702] : memref<2x128x32xf32, #tpu.memory_space<vmem>> -> memref<1x128x32xf32, #tpu.memory_space<vmem>>
          %gather3A_704 = tpu.memref_squeeze %gather3A_703 : memref<1x128x32xf32, #tpu.memory_space<vmem>> -> memref<128x32xf32, #tpu.memory_space<vmem>>
          %gather3A_705 = tpu.vector_load_idx %gather3A_704[%add3A_699, %add3A_101] : memref<128x32xf32, #tpu.memory_space<vmem>>[vector<16xi32>, vector<16xi32>], vector<16xf32>,
          %scatter3A_706 = arith.constant 0 : i32
          %scatter3A_707 = arith.constant 0 : i32
          %scatter3A_708 = arith.constant 0 : i32
          %scatter3A_709 = arith.constant 0 : i32
          %scatter3A_710 = tpu.memref_slice %arg7[%scatter3A_706, %scatter3A_707, %scatter3A_708, %scatter3A_709] : memref<2x4x8x128xf32, #tpu.memory_space<vmem>> -> memref<1x4x8x128xf32, #tpu.memory_space<vmem>>
          %scatter3A_711 = tpu.memref_squeeze %scatter3A_710 : memref<1x4x8x128xf32, #tpu.memory_space<vmem>> -> memref<4x8x128xf32, #tpu.memory_space<vmem>>
          tpu.vector_store_idx %scatter3A_711[%select_n3A_162, %and3A_174, %add3A_699], %gather3A_705 : memref<4x8x128xf32, #tpu.memory_space<vmem>>[vector<16xi32>, vector<16xi32>, vector<16xi32>], vector<16xf32>,
          %add3A_712 = vector.broadcast %mul3A_349 : i32 to vector<16xi32>
          %add3A_713 = arith.addi %and3A_65, %add3A_712 : vector<16xi32>
          %gather3A_714 = arith.constant 0 : i32
          %gather3A_715 = arith.constant 0 : i32
          %gather3A_716 = arith.constant 0 : i32
          %gather3A_717 = tpu.memref_slice %arg6[%gather3A_714, %gather3A_715, %gather3A_716] : memref<2x128x32xf32, #tpu.memory_space<vmem>> -> memref<1x128x32xf32, #tpu.memory_space<vmem>>
          %gather3A_718 = tpu.memref_squeeze %gather3A_717 : memref<1x128x32xf32, #tpu.memory_space<vmem>> -> memref<128x32xf32, #tpu.memory_space<vmem>>
          %gather3A_719 = tpu.vector_load_idx %gather3A_718[%add3A_713, %add3A_101] : memref<128x32xf32, #tpu.memory_space<vmem>>[vector<16xi32>, vector<16xi32>], vector<16xf32>,
          %scatter3A_720 = arith.constant 0 : i32
          %scatter3A_721 = arith.constant 0 : i32
          %scatter3A_722 = arith.constant 0 : i32
          %scatter3A_723 = arith.constant 0 : i32
          %scatter3A_724 = tpu.memref_slice %arg7[%scatter3A_720, %scatter3A_721, %scatter3A_722, %scatter3A_723] : memref<2x4x8x128xf32, #tpu.memory_space<vmem>> -> memref<1x4x8x128xf32, #tpu.memory_space<vmem>>
          %scatter3A_725 = tpu.memref_squeeze %scatter3A_724 : memref<1x4x8x128xf32, #tpu.memory_space<vmem>> -> memref<4x8x128xf32, #tpu.memory_space<vmem>>
          tpu.vector_store_idx %scatter3A_725[%select_n3A_162, %and3A_174, %add3A_713], %gather3A_719 : memref<4x8x128xf32, #tpu.memory_space<vmem>>[vector<16xi32>, vector<16xi32>, vector<16xi32>], vector<16xf32>,
          %add3A_726 = vector.broadcast %mul3A_349 : i32 to vector<16xi32>
          %add3A_727 = arith.addi %and3A_71, %add3A_726 : vector<16xi32>
          %gather3A_728 = arith.constant 0 : i32
          %gather3A_729 = arith.constant 0 : i32
          %gather3A_730 = arith.constant 0 : i32
          %gather3A_731 = tpu.memref_slice %arg6[%gather3A_728, %gather3A_729, %gather3A_730] : memref<2x128x32xf32, #tpu.memory_space<vmem>> -> memref<1x128x32xf32, #tpu.memory_space<vmem>>
          %gather3A_732 = tpu.memref_squeeze %gather3A_731 : memref<1x128x32xf32, #tpu.memory_space<vmem>> -> memref<128x32xf32, #tpu.memory_space<vmem>>
          %gather3A_733 = tpu.vector_load_idx %gather3A_732[%add3A_727, %add3A_101] : memref<128x32xf32, #tpu.memory_space<vmem>>[vector<16xi32>, vector<16xi32>], vector<16xf32>,
          %scatter3A_734 = arith.constant 0 : i32
          %scatter3A_735 = arith.constant 0 : i32
          %scatter3A_736 = arith.constant 0 : i32
          %scatter3A_737 = arith.constant 0 : i32
          %scatter3A_738 = tpu.memref_slice %arg7[%scatter3A_734, %scatter3A_735, %scatter3A_736, %scatter3A_737] : memref<2x4x8x128xf32, #tpu.memory_space<vmem>> -> memref<1x4x8x128xf32, #tpu.memory_space<vmem>>
          %scatter3A_739 = tpu.memref_squeeze %scatter3A_738 : memref<1x4x8x128xf32, #tpu.memory_space<vmem>> -> memref<4x8x128xf32, #tpu.memory_space<vmem>>
          tpu.vector_store_idx %scatter3A_739[%select_n3A_162, %and3A_174, %add3A_727], %gather3A_733 : memref<4x8x128xf32, #tpu.memory_space<vmem>>[vector<16xi32>, vector<16xi32>, vector<16xi32>], vector<16xf32>,
          %add3A_740 = vector.broadcast %mul3A_349 : i32 to vector<16xi32>
          %add3A_741 = arith.addi %and3A_77, %add3A_740 : vector<16xi32>
          %gather3A_742 = arith.constant 0 : i32
          %gather3A_743 = arith.constant 0 : i32
          %gather3A_744 = arith.constant 0 : i32
          %gather3A_745 = tpu.memref_slice %arg6[%gather3A_742, %gather3A_743, %gather3A_744] : memref<2x128x32xf32, #tpu.memory_space<vmem>> -> memref<1x128x32xf32, #tpu.memory_space<vmem>>
          %gather3A_746 = tpu.memref_squeeze %gather3A_745 : memref<1x128x32xf32, #tpu.memory_space<vmem>> -> memref<128x32xf32, #tpu.memory_space<vmem>>
          %gather3A_747 = tpu.vector_load_idx %gather3A_746[%add3A_741, %add3A_101] : memref<128x32xf32, #tpu.memory_space<vmem>>[vector<16xi32>, vector<16xi32>], vector<16xf32>,
          %scatter3A_748 = arith.constant 0 : i32
          %scatter3A_749 = arith.constant 0 : i32
          %scatter3A_750 = arith.constant 0 : i32
          %scatter3A_751 = arith.constant 0 : i32
          %scatter3A_752 = tpu.memref_slice %arg7[%scatter3A_748, %scatter3A_749, %scatter3A_750, %scatter3A_751] : memref<2x4x8x128xf32, #tpu.memory_space<vmem>> -> memref<1x4x8x128xf32, #tpu.memory_space<vmem>>
          %scatter3A_753 = tpu.memref_squeeze %scatter3A_752 : memref<1x4x8x128xf32, #tpu.memory_space<vmem>> -> memref<4x8x128xf32, #tpu.memory_space<vmem>>
          tpu.vector_store_idx %scatter3A_753[%select_n3A_162, %and3A_174, %add3A_741], %gather3A_747 : memref<4x8x128xf32, #tpu.memory_space<vmem>>[vector<16xi32>, vector<16xi32>, vector<16xi32>], vector<16xf32>,
          %add3A_754 = vector.broadcast %mul3A_349 : i32 to vector<16xi32>
          %add3A_755 = arith.addi %and3A_83, %add3A_754 : vector<16xi32>
          %gather3A_756 = arith.constant 0 : i32
          %gather3A_757 = arith.constant 0 : i32
          %gather3A_758 = arith.constant 0 : i32
          %gather3A_759 = tpu.memref_slice %arg6[%gather3A_756, %gather3A_757, %gather3A_758] : memref<2x128x32xf32, #tpu.memory_space<vmem>> -> memref<1x128x32xf32, #tpu.memory_space<vmem>>
          %gather3A_760 = tpu.memref_squeeze %gather3A_759 : memref<1x128x32xf32, #tpu.memory_space<vmem>> -> memref<128x32xf32, #tpu.memory_space<vmem>>
          %gather3A_761 = tpu.vector_load_idx %gather3A_760[%add3A_755, %add3A_101] : memref<128x32xf32, #tpu.memory_space<vmem>>[vector<16xi32>, vector<16xi32>], vector<16xf32>,
          %scatter3A_762 = arith.constant 0 : i32
          %scatter3A_763 = arith.constant 0 : i32
          %scatter3A_764 = arith.constant 0 : i32
          %scatter3A_765 = arith.constant 0 : i32
          %scatter3A_766 = tpu.memref_slice %arg7[%scatter3A_762, %scatter3A_763, %scatter3A_764, %scatter3A_765] : memref<2x4x8x128xf32, #tpu.memory_space<vmem>> -> memref<1x4x8x128xf32, #tpu.memory_space<vmem>>
          %scatter3A_767 = tpu.memref_squeeze %scatter3A_766 : memref<1x4x8x128xf32, #tpu.memory_space<vmem>> -> memref<4x8x128xf32, #tpu.memory_space<vmem>>
          tpu.vector_store_idx %scatter3A_767[%select_n3A_162, %and3A_174, %add3A_755], %gather3A_761 : memref<4x8x128xf32, #tpu.memory_space<vmem>>[vector<16xi32>, vector<16xi32>, vector<16xi32>], vector<16xf32>,
          %add3A_768 = vector.broadcast %mul3A_349 : i32 to vector<16xi32>
          %add3A_769 = arith.addi %and3A_89, %add3A_768 : vector<16xi32>
          %gather3A_770 = arith.constant 0 : i32
          %gather3A_771 = arith.constant 0 : i32
          %gather3A_772 = arith.constant 0 : i32
          %gather3A_773 = tpu.memref_slice %arg6[%gather3A_770, %gather3A_771, %gather3A_772] : memref<2x128x32xf32, #tpu.memory_space<vmem>> -> memref<1x128x32xf32, #tpu.memory_space<vmem>>
          %gather3A_774 = tpu.memref_squeeze %gather3A_773 : memref<1x128x32xf32, #tpu.memory_space<vmem>> -> memref<128x32xf32, #tpu.memory_space<vmem>>
          %gather3A_775 = tpu.vector_load_idx %gather3A_774[%add3A_769, %add3A_101] : memref<128x32xf32, #tpu.memory_space<vmem>>[vector<16xi32>, vector<16xi32>], vector<16xf32>,
          %scatter3A_776 = arith.constant 0 : i32
          %scatter3A_777 = arith.constant 0 : i32
          %scatter3A_778 = arith.constant 0 : i32
          %scatter3A_779 = arith.constant 0 : i32
          %scatter3A_780 = tpu.memref_slice %arg7[%scatter3A_776, %scatter3A_777, %scatter3A_778, %scatter3A_779] : memref<2x4x8x128xf32, #tpu.memory_space<vmem>> -> memref<1x4x8x128xf32, #tpu.memory_space<vmem>>
          %scatter3A_781 = tpu.memref_squeeze %scatter3A_780 : memref<1x4x8x128xf32, #tpu.memory_space<vmem>> -> memref<4x8x128xf32, #tpu.memory_space<vmem>>
          tpu.vector_store_idx %scatter3A_781[%select_n3A_162, %and3A_174, %add3A_769], %gather3A_775 : memref<4x8x128xf32, #tpu.memory_space<vmem>>[vector<16xi32>, vector<16xi32>, vector<16xi32>], vector<16xf32>,
          %add3A_782 = vector.broadcast %mul3A_349 : i32 to vector<16xi32>
          %add3A_783 = arith.addi %and3A_95, %add3A_782 : vector<16xi32>
          %gather3A_784 = arith.constant 0 : i32
          %gather3A_785 = arith.constant 0 : i32
          %gather3A_786 = arith.constant 0 : i32
          %gather3A_787 = tpu.memref_slice %arg6[%gather3A_784, %gather3A_785, %gather3A_786] : memref<2x128x32xf32, #tpu.memory_space<vmem>> -> memref<1x128x32xf32, #tpu.memory_space<vmem>>
          %gather3A_788 = tpu.memref_squeeze %gather3A_787 : memref<1x128x32xf32, #tpu.memory_space<vmem>> -> memref<128x32xf32, #tpu.memory_space<vmem>>
          %gather3A_789 = tpu.vector_load_idx %gather3A_788[%add3A_783, %add3A_101] : memref<128x32xf32, #tpu.memory_space<vmem>>[vector<16xi32>, vector<16xi32>], vector<16xf32>,
          %scatter3A_790 = arith.constant 0 : i32
          %scatter3A_791 = arith.constant 0 : i32
          %scatter3A_792 = arith.constant 0 : i32
          %scatter3A_793 = arith.constant 0 : i32
          %scatter3A_794 = tpu.memref_slice %arg7[%scatter3A_790, %scatter3A_791, %scatter3A_792, %scatter3A_793] : memref<2x4x8x128xf32, #tpu.memory_space<vmem>> -> memref<1x4x8x128xf32, #tpu.memory_space<vmem>>
          %scatter3A_795 = tpu.memref_squeeze %scatter3A_794 : memref<1x4x8x128xf32, #tpu.memory_space<vmem>> -> memref<4x8x128xf32, #tpu.memory_space<vmem>>
          tpu.vector_store_idx %scatter3A_795[%select_n3A_162, %and3A_174, %add3A_783], %gather3A_789 : memref<4x8x128xf32, #tpu.memory_space<vmem>>[vector<16xi32>, vector<16xi32>, vector<16xi32>], vector<16xf32>,
        }
        %scan3A_277 = arith.constant 8 : i32
        %dma_start3A_278 = arith.constant 0 : i32
        %dma_start3A_279 = arith.constant 0 : i32
        %dma_start3A_280 = arith.constant 0 : i32
        %dma_start3A_281 = arith.constant 0 : i32
        %dma_start3A_282 = tpu.memref_slice %arg7[%dma_start3A_278, %dma_start3A_279, %dma_start3A_280, %dma_start3A_281] : memref<2x4x8x128xf32, #tpu.memory_space<vmem>> -> memref<1x4x8x128xf32, #tpu.memory_space<vmem>>
        %dma_start3A_283 = tpu.memref_squeeze %dma_start3A_282 : memref<1x4x8x128xf32, #tpu.memory_space<vmem>> -> memref<4x8x128xf32, #tpu.memory_space<vmem>>
        %dma_start3A_284 = arith.constant 0 : i32
        %dma_start3A_285 = arith.constant 0 : i32
        %dma_start3A_286 = arith.constant 0 : i32
        %dma_start3A_287 = tpu.memref_slice %arg4[%mul3A_246, %dma_start3A_284, %add3A_182, %dma_start3A_285, %dma_start3A_286] : memref<200x4x128x8x128xf32, #tpu.memory_space<hbm>> -> memref<1x4x1x8x128xf32, #tpu.memory_space<hbm>>
        %dma_start3A_288 = tpu.memref_squeeze %dma_start3A_287 : memref<1x4x1x8x128xf32, #tpu.memory_space<hbm>> -> memref<4x8x128xf32, #tpu.memory_space<hbm>>
        %dma_start3A_289 = arith.constant 0 : i32
        %dma_start3A_290 = arith.constant 0 : i32
        %dma_start3A_291 = arith.constant 0 : i32
        %dma_start3A_292 = tpu.memref_slice %arg4[%mul3A_246, %dma_start3A_289, %add3A_182, %dma_start3A_290, %dma_start3A_291] : memref<200x4x128x8x128xf32, #tpu.memory_space<hbm>> -> memref<1x4x1x8x128xf32, #tpu.memory_space<hbm>>
        %dma_start3A_293 = tpu.memref_squeeze %dma_start3A_292 : memref<1x4x1x8x128xf32, #tpu.memory_space<hbm>> -> memref<4x8x128xf32, #tpu.memory_space<hbm>>
        %dma_start3A_294 = arith.constant 0 : i32
        %dma_start3A_295 = arith.constant 0 : i32
        %dma_start3A_296 = arith.constant 0 : i32
        %dma_start3A_297 = tpu.memref_slice %arg7[%dma_start3A_278, %dma_start3A_294, %dma_start3A_295, %dma_start3A_296] : memref<2x4x8x128xf32, #tpu.memory_space<vmem>> -> memref<1x4x8x128xf32, #tpu.memory_space<vmem>>
        %dma_start3A_298 = tpu.memref_squeeze %dma_start3A_297 : memref<1x4x8x128xf32, #tpu.memory_space<vmem>> -> memref<4x8x128xf32, #tpu.memory_space<vmem>>
        tpu.enqueue_dma source(%dma_start3A_298 : memref<4x8x128xf32, #tpu.memory_space<vmem>>) target(%dma_start3A_293 : memref<4x8x128xf32, #tpu.memory_space<hbm>>) target_semaphore(%arg10 : memref<!tpu.dma_semaphore, #tpu.memory_space<semaphore_mem>>)
        %add3A_299 = arith.constant 1 : i32
        %add3A_300 = arith.addi %scan3A_244, %add3A_299 : i32
        %lt3A = arith.constant 100 : i32
        %lt3A_301 = arith.cmpi slt, %add3A_300, %lt3A : i32
        %convert_element_type3A_302 = arith.extui %lt3A_301 : i1 to i32
        %cond3A_303 = arith.constant 0 : i32
        %cond3A_304 = arith.cmpi ne, %convert_element_type3A_302, %cond3A_303 : i32
        scf.if %cond3A_304 {
          %add3A_347 = arith.constant 2 : i32
          %add3A_348 = arith.addi %mul3A_246, %add3A_347 : i32
          %dma_start3A_349 = arith.constant 0 : i32
          %dma_start3A_350 = arith.constant 0 : i32
          %dma_start3A_351 = arith.constant 0 : i32
          %dma_start3A_352 = tpu.memref_slice %arg6[%dma_start3A_349, %dma_start3A_350, %dma_start3A_351] : memref<2x128x32xf32, #tpu.memory_space<vmem>> -> memref<1x128x32xf32, #tpu.memory_space<vmem>>
          %dma_start3A_353 = tpu.memref_squeeze %dma_start3A_352 : memref<1x128x32xf32, #tpu.memory_space<vmem>> -> memref<128x32xf32, #tpu.memory_space<vmem>>
          %dma_start3A_354 = arith.constant 0 : i32
          %dma_start3A_355 = tpu.memref_slice %arg5[%add3A_348, %dma_start3A_354] : memref<200x128xi32, #tpu.memory_space<vmem>> -> memref<1x128xi32, #tpu.memory_space<vmem>>
          %dma_start3A_356 = tpu.memref_squeeze %dma_start3A_355 : memref<1x128xi32, #tpu.memory_space<vmem>> -> memref<128xi32, #tpu.memory_space<vmem>>
          %dma_start3A_357 = arith.constant 0 : i32
          %dma_start3A_358 = arith.constant 0 : i32
          %dma_start3A_359 = tpu.memref_slice %arg2[%dma_start3A_357, %dma_start3A_358] : memref<1015808x32xf32, #tpu.memory_space<hbm>> -> memref<1015808x32xf32, #tpu.memory_space<hbm>>
          tpu.enqueue_indirect_dma source(%dma_start3A_359 : memref<1015808x32xf32, #tpu.memory_space<hbm>>) target(%dma_start3A_353 : memref<128x32xf32, #tpu.memory_space<vmem>>) offsets(%dma_start3A_356 : memref<128xi32, #tpu.memory_space<vmem>>) semaphore(%arg8 : memref<!tpu.dma_semaphore, #tpu.memory_space<semaphore_mem>>)
        } else {
        }
        %dma_wait3A_305 = arith.constant 1 : i32
        %dma_wait3A_306 = arith.constant 0 : i32
        %dma_wait3A_307 = arith.constant 0 : i32
        %dma_wait3A_308 = tpu.memref_slice %arg6[%dma_wait3A_305, %dma_wait3A_306, %dma_wait3A_307] : memref<2x128x32xf32, #tpu.memory_space<vmem>> -> memref<1x128x32xf32, #tpu.memory_space<vmem>>
        %dma_wait3A_309 = tpu.memref_squeeze %dma_wait3A_308 : memref<1x128x32xf32, #tpu.memory_space<vmem>> -> memref<128x32xf32, #tpu.memory_space<vmem>>
        %dma_wait3A_310 = arith.constant 0 : i32
        %dma_wait3A_311 = tpu.memref_slice %arg5[%add3A_248, %dma_wait3A_310] : memref<200x128xi32, #tpu.memory_space<vmem>> -> memref<1x128xi32, #tpu.memory_space<vmem>>
        %dma_wait3A_312 = tpu.memref_squeeze %dma_wait3A_311 : memref<1x128xi32, #tpu.memory_space<vmem>> -> memref<128xi32, #tpu.memory_space<vmem>>
        %dma_wait3A_313 = arith.constant 0 : i32
        %dma_wait3A_314 = arith.constant 0 : i32
        %dma_wait3A_315 = tpu.memref_slice %arg2[%dma_wait3A_313, %dma_wait3A_314] : memref<1015808x32xf32, #tpu.memory_space<hbm>> -> memref<1015808x32xf32, #tpu.memory_space<hbm>>
        tpu.wait_indirect_dma semaphore(%arg9 : memref<!tpu.dma_semaphore, #tpu.memory_space<semaphore_mem>>) src(%dma_wait3A_315 : memref<1015808x32xf32, #tpu.memory_space<hbm>>) dst(%dma_wait3A_309 : memref<128x32xf32, #tpu.memory_space<vmem>>)
        %gt3A_316 = arith.constant 0 : i32
        %gt3A_317 = arith.cmpi sgt, %scan3A_244, %gt3A_316 : i32
        %convert_element_type3A_318 = arith.extui %gt3A_317 : i1 to i32
        %cond3A_319 = arith.constant 0 : i32
        %cond3A_320 = arith.cmpi ne, %convert_element_type3A_318, %cond3A_319 : i32
        scf.if %cond3A_320 {
          %dma_wait3A_347 = arith.constant 1 : i32
          %dma_wait3A_348 = arith.constant 0 : i32
          %dma_wait3A_349 = arith.constant 0 : i32
          %dma_wait3A_350 = arith.constant 0 : i32
          %dma_wait3A_351 = tpu.memref_slice %arg7[%dma_wait3A_347, %dma_wait3A_348, %dma_wait3A_349, %dma_wait3A_350] : memref<2x4x8x128xf32, #tpu.memory_space<vmem>> -> memref<1x4x8x128xf32, #tpu.memory_space<vmem>>
          %dma_wait3A_352 = tpu.memref_squeeze %dma_wait3A_351 : memref<1x4x8x128xf32, #tpu.memory_space<vmem>> -> memref<4x8x128xf32, #tpu.memory_space<vmem>>
          %dma_wait3A_353 = arith.constant 0 : i32
          %dma_wait3A_354 = arith.constant 0 : i32
          %dma_wait3A_355 = arith.constant 0 : i32
          %dma_wait3A_356 = tpu.memref_slice %arg4[%add3A_248, %dma_wait3A_353, %add3A_182, %dma_wait3A_354, %dma_wait3A_355] : memref<200x4x128x8x128xf32, #tpu.memory_space<hbm>> -> memref<1x4x1x8x128xf32, #tpu.memory_space<hbm>>
          %dma_wait3A_357 = tpu.memref_squeeze %dma_wait3A_356 : memref<1x4x1x8x128xf32, #tpu.memory_space<hbm>> -> memref<4x8x128xf32, #tpu.memory_space<hbm>>
          %dma_wait3A_358 = arith.constant 0 : i32
          %dma_wait3A_359 = arith.constant 0 : i32
          %dma_wait3A_360 = arith.constant 0 : i32
          %dma_wait3A_361 = tpu.memref_slice %arg4[%add3A_248, %dma_wait3A_358, %add3A_182, %dma_wait3A_359, %dma_wait3A_360] : memref<200x4x128x8x128xf32, #tpu.memory_space<hbm>> -> memref<1x4x1x8x128xf32, #tpu.memory_space<hbm>>
          %dma_wait3A_362 = tpu.memref_squeeze %dma_wait3A_361 : memref<1x4x1x8x128xf32, #tpu.memory_space<hbm>> -> memref<4x8x128xf32, #tpu.memory_space<hbm>>
          %dma_wait3A_363 = arith.constant 0 : i32
          %dma_wait3A_364 = arith.constant 0 : i32
          %dma_wait3A_365 = arith.constant 0 : i32
          %dma_wait3A_366 = tpu.memref_slice %arg7[%dma_wait3A_347, %dma_wait3A_363, %dma_wait3A_364, %dma_wait3A_365] : memref<2x4x8x128xf32, #tpu.memory_space<vmem>> -> memref<1x4x8x128xf32, #tpu.memory_space<vmem>>
          %dma_wait3A_367 = tpu.memref_squeeze %dma_wait3A_366 : memref<1x4x8x128xf32, #tpu.memory_space<vmem>> -> memref<4x8x128xf32, #tpu.memory_space<vmem>>
          tpu.wait_dma2 semaphore(%arg11 : memref<!tpu.dma_semaphore, #tpu.memory_space<semaphore_mem>>) src(%dma_wait3A_367 : memref<4x8x128xf32, #tpu.memory_space<vmem>>) dst(%dma_wait3A_362 : memref<4x8x128xf32, #tpu.memory_space<hbm>>)
        } else {
        }
        %scan3A_321 = arith.constant 0 : i32
        %scan3A_322 = arith.constant 8 : i32
        %scan3A_323 = arith.addi %scan3A_321, %scan3A_322 : i32
        %scan3A_324 = arith.constant 1 : i32
        scf.for %scan3A_347 = %scan3A_321 to %scan3A_323 step %scan3A_324  : i32 {
          %mul3A_348 = arith.constant 16 : i32
          %mul3A_349 = arith.muli %scan3A_347, %mul3A_348 : i32
          %add3A_350 = vector.broadcast %mul3A_349 : i32 to vector<16xi32>
          %add3A_351 = arith.addi %and3A_5, %add3A_350 : vector<16xi32>
          %gather3A = arith.constant 1 : i32
          %gather3A_352 = arith.constant 0 : i32
          %gather3A_353 = arith.constant 0 : i32
          %gather3A_354 = tpu.memref_slice %arg6[%gather3A, %gather3A_352, %gather3A_353] : memref<2x128x32xf32, #tpu.memory_space<vmem>> -> memref<1x128x32xf32, #tpu.memory_space<vmem>>
          %gather3A_355 = tpu.memref_squeeze %gather3A_354 : memref<1x128x32xf32, #tpu.memory_space<vmem>> -> memref<128x32xf32, #tpu.memory_space<vmem>>
          %gather3A_356 = tpu.vector_load_idx %gather3A_355[%add3A_351, %add3A_98] : memref<128x32xf32, #tpu.memory_space<vmem>>[vector<16xi32>, vector<16xi32>], vector<16xf32>,
          %scatter3A = arith.constant 1 : i32
          %scatter3A_357 = arith.constant 0 : i32
          %scatter3A_358 = arith.constant 0 : i32
          %scatter3A_359 = arith.constant 0 : i32
          %scatter3A_360 = tpu.memref_slice %arg7[%scatter3A, %scatter3A_357, %scatter3A_358, %scatter3A_359] : memref<2x4x8x128xf32, #tpu.memory_space<vmem>> -> memref<1x4x8x128xf32, #tpu.memory_space<vmem>>
          %scatter3A_361 = tpu.memref_squeeze %scatter3A_360 : memref<1x4x8x128xf32, #tpu.memory_space<vmem>> -> memref<4x8x128xf32, #tpu.memory_space<vmem>>
          tpu.vector_store_idx %scatter3A_361[%select_n3A, %and3A_168, %add3A_351], %gather3A_356 : memref<4x8x128xf32, #tpu.memory_space<vmem>>[vector<16xi32>, vector<16xi32>, vector<16xi32>], vector<16xf32>,
          %add3A_362 = vector.broadcast %mul3A_349 : i32 to vector<16xi32>
          %add3A_363 = arith.addi %and3A_11, %add3A_362 : vector<16xi32>
          %gather3A_364 = arith.constant 1 : i32
          %gather3A_365 = arith.constant 0 : i32
          %gather3A_366 = arith.constant 0 : i32
          %gather3A_367 = tpu.memref_slice %arg6[%gather3A_364, %gather3A_365, %gather3A_366] : memref<2x128x32xf32, #tpu.memory_space<vmem>> -> memref<1x128x32xf32, #tpu.memory_space<vmem>>
          %gather3A_368 = tpu.memref_squeeze %gather3A_367 : memref<1x128x32xf32, #tpu.memory_space<vmem>> -> memref<128x32xf32, #tpu.memory_space<vmem>>
          %gather3A_369 = tpu.vector_load_idx %gather3A_368[%add3A_363, %add3A_98] : memref<128x32xf32, #tpu.memory_space<vmem>>[vector<16xi32>, vector<16xi32>], vector<16xf32>,
          %scatter3A_370 = arith.constant 1 : i32
          %scatter3A_371 = arith.constant 0 : i32
          %scatter3A_372 = arith.constant 0 : i32
          %scatter3A_373 = arith.constant 0 : i32
          %scatter3A_374 = tpu.memref_slice %arg7[%scatter3A_370, %scatter3A_371, %scatter3A_372, %scatter3A_373] : memref<2x4x8x128xf32, #tpu.memory_space<vmem>> -> memref<1x4x8x128xf32, #tpu.memory_space<vmem>>
          %scatter3A_375 = tpu.memref_squeeze %scatter3A_374 : memref<1x4x8x128xf32, #tpu.memory_space<vmem>> -> memref<4x8x128xf32, #tpu.memory_space<vmem>>
          tpu.vector_store_idx %scatter3A_375[%select_n3A, %and3A_168, %add3A_363], %gather3A_369 : memref<4x8x128xf32, #tpu.memory_space<vmem>>[vector<16xi32>, vector<16xi32>, vector<16xi32>], vector<16xf32>,
          %add3A_376 = vector.broadcast %mul3A_349 : i32 to vector<16xi32>
          %add3A_377 = arith.addi %and3A_17, %add3A_376 : vector<16xi32>
          %gather3A_378 = arith.constant 1 : i32
          %gather3A_379 = arith.constant 0 : i32
          %gather3A_380 = arith.constant 0 : i32
          %gather3A_381 = tpu.memref_slice %arg6[%gather3A_378, %gather3A_379, %gather3A_380] : memref<2x128x32xf32, #tpu.memory_space<vmem>> -> memref<1x128x32xf32, #tpu.memory_space<vmem>>
          %gather3A_382 = tpu.memref_squeeze %gather3A_381 : memref<1x128x32xf32, #tpu.memory_space<vmem>> -> memref<128x32xf32, #tpu.memory_space<vmem>>
          %gather3A_383 = tpu.vector_load_idx %gather3A_382[%add3A_377, %add3A_98] : memref<128x32xf32, #tpu.memory_space<vmem>>[vector<16xi32>, vector<16xi32>], vector<16xf32>,
          %scatter3A_384 = arith.constant 1 : i32
          %scatter3A_385 = arith.constant 0 : i32
          %scatter3A_386 = arith.constant 0 : i32
          %scatter3A_387 = arith.constant 0 : i32
          %scatter3A_388 = tpu.memref_slice %arg7[%scatter3A_384, %scatter3A_385, %scatter3A_386, %scatter3A_387] : memref<2x4x8x128xf32, #tpu.memory_space<vmem>> -> memref<1x4x8x128xf32, #tpu.memory_space<vmem>>
          %scatter3A_389 = tpu.memref_squeeze %scatter3A_388 : memref<1x4x8x128xf32, #tpu.memory_space<vmem>> -> memref<4x8x128xf32, #tpu.memory_space<vmem>>
          tpu.vector_store_idx %scatter3A_389[%select_n3A, %and3A_168, %add3A_377], %gather3A_383 : memref<4x8x128xf32, #tpu.memory_space<vmem>>[vector<16xi32>, vector<16xi32>, vector<16xi32>], vector<16xf32>,
          %add3A_390 = vector.broadcast %mul3A_349 : i32 to vector<16xi32>
          %add3A_391 = arith.addi %and3A_23, %add3A_390 : vector<16xi32>
          %gather3A_392 = arith.constant 1 : i32
          %gather3A_393 = arith.constant 0 : i32
          %gather3A_394 = arith.constant 0 : i32
          %gather3A_395 = tpu.memref_slice %arg6[%gather3A_392, %gather3A_393, %gather3A_394] : memref<2x128x32xf32, #tpu.memory_space<vmem>> -> memref<1x128x32xf32, #tpu.memory_space<vmem>>
          %gather3A_396 = tpu.memref_squeeze %gather3A_395 : memref<1x128x32xf32, #tpu.memory_space<vmem>> -> memref<128x32xf32, #tpu.memory_space<vmem>>
          %gather3A_397 = tpu.vector_load_idx %gather3A_396[%add3A_391, %add3A_98] : memref<128x32xf32, #tpu.memory_space<vmem>>[vector<16xi32>, vector<16xi32>], vector<16xf32>,
          %scatter3A_398 = arith.constant 1 : i32
          %scatter3A_399 = arith.constant 0 : i32
          %scatter3A_400 = arith.constant 0 : i32
          %scatter3A_401 = arith.constant 0 : i32
          %scatter3A_402 = tpu.memref_slice %arg7[%scatter3A_398, %scatter3A_399, %scatter3A_400, %scatter3A_401] : memref<2x4x8x128xf32, #tpu.memory_space<vmem>> -> memref<1x4x8x128xf32, #tpu.memory_space<vmem>>
          %scatter3A_403 = tpu.memref_squeeze %scatter3A_402 : memref<1x4x8x128xf32, #tpu.memory_space<vmem>> -> memref<4x8x128xf32, #tpu.memory_space<vmem>>
          tpu.vector_store_idx %scatter3A_403[%select_n3A, %and3A_168, %add3A_391], %gather3A_397 : memref<4x8x128xf32, #tpu.memory_space<vmem>>[vector<16xi32>, vector<16xi32>, vector<16xi32>], vector<16xf32>,
          %add3A_404 = vector.broadcast %mul3A_349 : i32 to vector<16xi32>
          %add3A_405 = arith.addi %and3A_29, %add3A_404 : vector<16xi32>
          %gather3A_406 = arith.constant 1 : i32
          %gather3A_407 = arith.constant 0 : i32
          %gather3A_408 = arith.constant 0 : i32
          %gather3A_409 = tpu.memref_slice %arg6[%gather3A_406, %gather3A_407, %gather3A_408] : memref<2x128x32xf32, #tpu.memory_space<vmem>> -> memref<1x128x32xf32, #tpu.memory_space<vmem>>
          %gather3A_410 = tpu.memref_squeeze %gather3A_409 : memref<1x128x32xf32, #tpu.memory_space<vmem>> -> memref<128x32xf32, #tpu.memory_space<vmem>>
          %gather3A_411 = tpu.vector_load_idx %gather3A_410[%add3A_405, %add3A_98] : memref<128x32xf32, #tpu.memory_space<vmem>>[vector<16xi32>, vector<16xi32>], vector<16xf32>,
          %scatter3A_412 = arith.constant 1 : i32
          %scatter3A_413 = arith.constant 0 : i32
          %scatter3A_414 = arith.constant 0 : i32
          %scatter3A_415 = arith.constant 0 : i32
          %scatter3A_416 = tpu.memref_slice %arg7[%scatter3A_412, %scatter3A_413, %scatter3A_414, %scatter3A_415] : memref<2x4x8x128xf32, #tpu.memory_space<vmem>> -> memref<1x4x8x128xf32, #tpu.memory_space<vmem>>
          %scatter3A_417 = tpu.memref_squeeze %scatter3A_416 : memref<1x4x8x128xf32, #tpu.memory_space<vmem>> -> memref<4x8x128xf32, #tpu.memory_space<vmem>>
          tpu.vector_store_idx %scatter3A_417[%select_n3A, %and3A_168, %add3A_405], %gather3A_411 : memref<4x8x128xf32, #tpu.memory_space<vmem>>[vector<16xi32>, vector<16xi32>, vector<16xi32>], vector<16xf32>,
          %add3A_418 = vector.broadcast %mul3A_349 : i32 to vector<16xi32>
          %add3A_419 = arith.addi %and3A_35, %add3A_418 : vector<16xi32>
          %gather3A_420 = arith.constant 1 : i32
          %gather3A_421 = arith.constant 0 : i32
          %gather3A_422 = arith.constant 0 : i32
          %gather3A_423 = tpu.memref_slice %arg6[%gather3A_420, %gather3A_421, %gather3A_422] : memref<2x128x32xf32, #tpu.memory_space<vmem>> -> memref<1x128x32xf32, #tpu.memory_space<vmem>>
          %gather3A_424 = tpu.memref_squeeze %gather3A_423 : memref<1x128x32xf32, #tpu.memory_space<vmem>> -> memref<128x32xf32, #tpu.memory_space<vmem>>
          %gather3A_425 = tpu.vector_load_idx %gather3A_424[%add3A_419, %add3A_98] : memref<128x32xf32, #tpu.memory_space<vmem>>[vector<16xi32>, vector<16xi32>], vector<16xf32>,
          %scatter3A_426 = arith.constant 1 : i32
          %scatter3A_427 = arith.constant 0 : i32
          %scatter3A_428 = arith.constant 0 : i32
          %scatter3A_429 = arith.constant 0 : i32
          %scatter3A_430 = tpu.memref_slice %arg7[%scatter3A_426, %scatter3A_427, %scatter3A_428, %scatter3A_429] : memref<2x4x8x128xf32, #tpu.memory_space<vmem>> -> memref<1x4x8x128xf32, #tpu.memory_space<vmem>>
          %scatter3A_431 = tpu.memref_squeeze %scatter3A_430 : memref<1x4x8x128xf32, #tpu.memory_space<vmem>> -> memref<4x8x128xf32, #tpu.memory_space<vmem>>
          tpu.vector_store_idx %scatter3A_431[%select_n3A, %and3A_168, %add3A_419], %gather3A_425 : memref<4x8x128xf32, #tpu.memory_space<vmem>>[vector<16xi32>, vector<16xi32>, vector<16xi32>], vector<16xf32>,
          %add3A_432 = vector.broadcast %mul3A_349 : i32 to vector<16xi32>
          %add3A_433 = arith.addi %and3A_41, %add3A_432 : vector<16xi32>
          %gather3A_434 = arith.constant 1 : i32
          %gather3A_435 = arith.constant 0 : i32
          %gather3A_436 = arith.constant 0 : i32
          %gather3A_437 = tpu.memref_slice %arg6[%gather3A_434, %gather3A_435, %gather3A_436] : memref<2x128x32xf32, #tpu.memory_space<vmem>> -> memref<1x128x32xf32, #tpu.memory_space<vmem>>
          %gather3A_438 = tpu.memref_squeeze %gather3A_437 : memref<1x128x32xf32, #tpu.memory_space<vmem>> -> memref<128x32xf32, #tpu.memory_space<vmem>>
          %gather3A_439 = tpu.vector_load_idx %gather3A_438[%add3A_433, %add3A_98] : memref<128x32xf32, #tpu.memory_space<vmem>>[vector<16xi32>, vector<16xi32>], vector<16xf32>,
          %scatter3A_440 = arith.constant 1 : i32
          %scatter3A_441 = arith.constant 0 : i32
          %scatter3A_442 = arith.constant 0 : i32
          %scatter3A_443 = arith.constant 0 : i32
          %scatter3A_444 = tpu.memref_slice %arg7[%scatter3A_440, %scatter3A_441, %scatter3A_442, %scatter3A_443] : memref<2x4x8x128xf32, #tpu.memory_space<vmem>> -> memref<1x4x8x128xf32, #tpu.memory_space<vmem>>
          %scatter3A_445 = tpu.memref_squeeze %scatter3A_444 : memref<1x4x8x128xf32, #tpu.memory_space<vmem>> -> memref<4x8x128xf32, #tpu.memory_space<vmem>>
          tpu.vector_store_idx %scatter3A_445[%select_n3A, %and3A_168, %add3A_433], %gather3A_439 : memref<4x8x128xf32, #tpu.memory_space<vmem>>[vector<16xi32>, vector<16xi32>, vector<16xi32>], vector<16xf32>,
          %add3A_446 = vector.broadcast %mul3A_349 : i32 to vector<16xi32>
          %add3A_447 = arith.addi %and3A_47, %add3A_446 : vector<16xi32>
          %gather3A_448 = arith.constant 1 : i32
          %gather3A_449 = arith.constant 0 : i32
          %gather3A_450 = arith.constant 0 : i32
          %gather3A_451 = tpu.memref_slice %arg6[%gather3A_448, %gather3A_449, %gather3A_450] : memref<2x128x32xf32, #tpu.memory_space<vmem>> -> memref<1x128x32xf32, #tpu.memory_space<vmem>>
          %gather3A_452 = tpu.memref_squeeze %gather3A_451 : memref<1x128x32xf32, #tpu.memory_space<vmem>> -> memref<128x32xf32, #tpu.memory_space<vmem>>
          %gather3A_453 = tpu.vector_load_idx %gather3A_452[%add3A_447, %add3A_98] : memref<128x32xf32, #tpu.memory_space<vmem>>[vector<16xi32>, vector<16xi32>], vector<16xf32>,
          %scatter3A_454 = arith.constant 1 : i32
          %scatter3A_455 = arith.constant 0 : i32
          %scatter3A_456 = arith.constant 0 : i32
          %scatter3A_457 = arith.constant 0 : i32
          %scatter3A_458 = tpu.memref_slice %arg7[%scatter3A_454, %scatter3A_455, %scatter3A_456, %scatter3A_457] : memref<2x4x8x128xf32, #tpu.memory_space<vmem>> -> memref<1x4x8x128xf32, #tpu.memory_space<vmem>>
          %scatter3A_459 = tpu.memref_squeeze %scatter3A_458 : memref<1x4x8x128xf32, #tpu.memory_space<vmem>> -> memref<4x8x128xf32, #tpu.memory_space<vmem>>
          tpu.vector_store_idx %scatter3A_459[%select_n3A, %and3A_168, %add3A_447], %gather3A_453 : memref<4x8x128xf32, #tpu.memory_space<vmem>>[vector<16xi32>, vector<16xi32>, vector<16xi32>], vector<16xf32>,
          %add3A_460 = vector.broadcast %mul3A_349 : i32 to vector<16xi32>
          %add3A_461 = arith.addi %and3A_53, %add3A_460 : vector<16xi32>
          %gather3A_462 = arith.constant 1 : i32
          %gather3A_463 = arith.constant 0 : i32
          %gather3A_464 = arith.constant 0 : i32
          %gather3A_465 = tpu.memref_slice %arg6[%gather3A_462, %gather3A_463, %gather3A_464] : memref<2x128x32xf32, #tpu.memory_space<vmem>> -> memref<1x128x32xf32, #tpu.memory_space<vmem>>
          %gather3A_466 = tpu.memref_squeeze %gather3A_465 : memref<1x128x32xf32, #tpu.memory_space<vmem>> -> memref<128x32xf32, #tpu.memory_space<vmem>>
          %gather3A_467 = tpu.vector_load_idx %gather3A_466[%add3A_461, %add3A_98] : memref<128x32xf32, #tpu.memory_space<vmem>>[vector<16xi32>, vector<16xi32>], vector<16xf32>,
          %scatter3A_468 = arith.constant 1 : i32
          %scatter3A_469 = arith.constant 0 : i32
          %scatter3A_470 = arith.constant 0 : i32
          %scatter3A_471 = arith.constant 0 : i32
          %scatter3A_472 = tpu.memref_slice %arg7[%scatter3A_468, %scatter3A_469, %scatter3A_470, %scatter3A_471] : memref<2x4x8x128xf32, #tpu.memory_space<vmem>> -> memref<1x4x8x128xf32, #tpu.memory_space<vmem>>
          %scatter3A_473 = tpu.memref_squeeze %scatter3A_472 : memref<1x4x8x128xf32, #tpu.memory_space<vmem>> -> memref<4x8x128xf32, #tpu.memory_space<vmem>>
          tpu.vector_store_idx %scatter3A_473[%select_n3A, %and3A_168, %add3A_461], %gather3A_467 : memref<4x8x128xf32, #tpu.memory_space<vmem>>[vector<16xi32>, vector<16xi32>, vector<16xi32>], vector<16xf32>,
          %add3A_474 = vector.broadcast %mul3A_349 : i32 to vector<16xi32>
          %add3A_475 = arith.addi %and3A_59, %add3A_474 : vector<16xi32>
          %gather3A_476 = arith.constant 1 : i32
          %gather3A_477 = arith.constant 0 : i32
          %gather3A_478 = arith.constant 0 : i32
          %gather3A_479 = tpu.memref_slice %arg6[%gather3A_476, %gather3A_477, %gather3A_478] : memref<2x128x32xf32, #tpu.memory_space<vmem>> -> memref<1x128x32xf32, #tpu.memory_space<vmem>>
          %gather3A_480 = tpu.memref_squeeze %gather3A_479 : memref<1x128x32xf32, #tpu.memory_space<vmem>> -> memref<128x32xf32, #tpu.memory_space<vmem>>
          %gather3A_481 = tpu.vector_load_idx %gather3A_480[%add3A_475, %add3A_98] : memref<128x32xf32, #tpu.memory_space<vmem>>[vector<16xi32>, vector<16xi32>], vector<16xf32>,
          %scatter3A_482 = arith.constant 1 : i32
          %scatter3A_483 = arith.constant 0 : i32
          %scatter3A_484 = arith.constant 0 : i32
          %scatter3A_485 = arith.constant 0 : i32
          %scatter3A_486 = tpu.memref_slice %arg7[%scatter3A_482, %scatter3A_483, %scatter3A_484, %scatter3A_485] : memref<2x4x8x128xf32, #tpu.memory_space<vmem>> -> memref<1x4x8x128xf32, #tpu.memory_space<vmem>>
          %scatter3A_487 = tpu.memref_squeeze %scatter3A_486 : memref<1x4x8x128xf32, #tpu.memory_space<vmem>> -> memref<4x8x128xf32, #tpu.memory_space<vmem>>
          tpu.vector_store_idx %scatter3A_487[%select_n3A, %and3A_168, %add3A_475], %gather3A_481 : memref<4x8x128xf32, #tpu.memory_space<vmem>>[vector<16xi32>, vector<16xi32>, vector<16xi32>], vector<16xf32>,
          %add3A_488 = vector.broadcast %mul3A_349 : i32 to vector<16xi32>
          %add3A_489 = arith.addi %and3A_65, %add3A_488 : vector<16xi32>
          %gather3A_490 = arith.constant 1 : i32
          %gather3A_491 = arith.constant 0 : i32
          %gather3A_492 = arith.constant 0 : i32
          %gather3A_493 = tpu.memref_slice %arg6[%gather3A_490, %gather3A_491, %gather3A_492] : memref<2x128x32xf32, #tpu.memory_space<vmem>> -> memref<1x128x32xf32, #tpu.memory_space<vmem>>
          %gather3A_494 = tpu.memref_squeeze %gather3A_493 : memref<1x128x32xf32, #tpu.memory_space<vmem>> -> memref<128x32xf32, #tpu.memory_space<vmem>>
          %gather3A_495 = tpu.vector_load_idx %gather3A_494[%add3A_489, %add3A_98] : memref<128x32xf32, #tpu.memory_space<vmem>>[vector<16xi32>, vector<16xi32>], vector<16xf32>,
          %scatter3A_496 = arith.constant 1 : i32
          %scatter3A_497 = arith.constant 0 : i32
          %scatter3A_498 = arith.constant 0 : i32
          %scatter3A_499 = arith.constant 0 : i32
          %scatter3A_500 = tpu.memref_slice %arg7[%scatter3A_496, %scatter3A_497, %scatter3A_498, %scatter3A_499] : memref<2x4x8x128xf32, #tpu.memory_space<vmem>> -> memref<1x4x8x128xf32, #tpu.memory_space<vmem>>
          %scatter3A_501 = tpu.memref_squeeze %scatter3A_500 : memref<1x4x8x128xf32, #tpu.memory_space<vmem>> -> memref<4x8x128xf32, #tpu.memory_space<vmem>>
          tpu.vector_store_idx %scatter3A_501[%select_n3A, %and3A_168, %add3A_489], %gather3A_495 : memref<4x8x128xf32, #tpu.memory_space<vmem>>[vector<16xi32>, vector<16xi32>, vector<16xi32>], vector<16xf32>,
          %add3A_502 = vector.broadcast %mul3A_349 : i32 to vector<16xi32>
          %add3A_503 = arith.addi %and3A_71, %add3A_502 : vector<16xi32>
          %gather3A_504 = arith.constant 1 : i32
          %gather3A_505 = arith.constant 0 : i32
          %gather3A_506 = arith.constant 0 : i32
          %gather3A_507 = tpu.memref_slice %arg6[%gather3A_504, %gather3A_505, %gather3A_506] : memref<2x128x32xf32, #tpu.memory_space<vmem>> -> memref<1x128x32xf32, #tpu.memory_space<vmem>>
          %gather3A_508 = tpu.memref_squeeze %gather3A_507 : memref<1x128x32xf32, #tpu.memory_space<vmem>> -> memref<128x32xf32, #tpu.memory_space<vmem>>
          %gather3A_509 = tpu.vector_load_idx %gather3A_508[%add3A_503, %add3A_98] : memref<128x32xf32, #tpu.memory_space<vmem>>[vector<16xi32>, vector<16xi32>], vector<16xf32>,
          %scatter3A_510 = arith.constant 1 : i32
          %scatter3A_511 = arith.constant 0 : i32
          %scatter3A_512 = arith.constant 0 : i32
          %scatter3A_513 = arith.constant 0 : i32
          %scatter3A_514 = tpu.memref_slice %arg7[%scatter3A_510, %scatter3A_511, %scatter3A_512, %scatter3A_513] : memref<2x4x8x128xf32, #tpu.memory_space<vmem>> -> memref<1x4x8x128xf32, #tpu.memory_space<vmem>>
          %scatter3A_515 = tpu.memref_squeeze %scatter3A_514 : memref<1x4x8x128xf32, #tpu.memory_space<vmem>> -> memref<4x8x128xf32, #tpu.memory_space<vmem>>
          tpu.vector_store_idx %scatter3A_515[%select_n3A, %and3A_168, %add3A_503], %gather3A_509 : memref<4x8x128xf32, #tpu.memory_space<vmem>>[vector<16xi32>, vector<16xi32>, vector<16xi32>], vector<16xf32>,
          %add3A_516 = vector.broadcast %mul3A_349 : i32 to vector<16xi32>
          %add3A_517 = arith.addi %and3A_77, %add3A_516 : vector<16xi32>
          %gather3A_518 = arith.constant 1 : i32
          %gather3A_519 = arith.constant 0 : i32
          %gather3A_520 = arith.constant 0 : i32
          %gather3A_521 = tpu.memref_slice %arg6[%gather3A_518, %gather3A_519, %gather3A_520] : memref<2x128x32xf32, #tpu.memory_space<vmem>> -> memref<1x128x32xf32, #tpu.memory_space<vmem>>
          %gather3A_522 = tpu.memref_squeeze %gather3A_521 : memref<1x128x32xf32, #tpu.memory_space<vmem>> -> memref<128x32xf32, #tpu.memory_space<vmem>>
          %gather3A_523 = tpu.vector_load_idx %gather3A_522[%add3A_517, %add3A_98] : memref<128x32xf32, #tpu.memory_space<vmem>>[vector<16xi32>, vector<16xi32>], vector<16xf32>,
          %scatter3A_524 = arith.constant 1 : i32
          %scatter3A_525 = arith.constant 0 : i32
          %scatter3A_526 = arith.constant 0 : i32
          %scatter3A_527 = arith.constant 0 : i32
          %scatter3A_528 = tpu.memref_slice %arg7[%scatter3A_524, %scatter3A_525, %scatter3A_526, %scatter3A_527] : memref<2x4x8x128xf32, #tpu.memory_space<vmem>> -> memref<1x4x8x128xf32, #tpu.memory_space<vmem>>
          %scatter3A_529 = tpu.memref_squeeze %scatter3A_528 : memref<1x4x8x128xf32, #tpu.memory_space<vmem>> -> memref<4x8x128xf32, #tpu.memory_space<vmem>>
          tpu.vector_store_idx %scatter3A_529[%select_n3A, %and3A_168, %add3A_517], %gather3A_523 : memref<4x8x128xf32, #tpu.memory_space<vmem>>[vector<16xi32>, vector<16xi32>, vector<16xi32>], vector<16xf32>,
          %add3A_530 = vector.broadcast %mul3A_349 : i32 to vector<16xi32>
          %add3A_531 = arith.addi %and3A_83, %add3A_530 : vector<16xi32>
          %gather3A_532 = arith.constant 1 : i32
          %gather3A_533 = arith.constant 0 : i32
          %gather3A_534 = arith.constant 0 : i32
          %gather3A_535 = tpu.memref_slice %arg6[%gather3A_532, %gather3A_533, %gather3A_534] : memref<2x128x32xf32, #tpu.memory_space<vmem>> -> memref<1x128x32xf32, #tpu.memory_space<vmem>>
          %gather3A_536 = tpu.memref_squeeze %gather3A_535 : memref<1x128x32xf32, #tpu.memory_space<vmem>> -> memref<128x32xf32, #tpu.memory_space<vmem>>
          %gather3A_537 = tpu.vector_load_idx %gather3A_536[%add3A_531, %add3A_98] : memref<128x32xf32, #tpu.memory_space<vmem>>[vector<16xi32>, vector<16xi32>], vector<16xf32>,
          %scatter3A_538 = arith.constant 1 : i32
          %scatter3A_539 = arith.constant 0 : i32
          %scatter3A_540 = arith.constant 0 : i32
          %scatter3A_541 = arith.constant 0 : i32
          %scatter3A_542 = tpu.memref_slice %arg7[%scatter3A_538, %scatter3A_539, %scatter3A_540, %scatter3A_541] : memref<2x4x8x128xf32, #tpu.memory_space<vmem>> -> memref<1x4x8x128xf32, #tpu.memory_space<vmem>>
          %scatter3A_543 = tpu.memref_squeeze %scatter3A_542 : memref<1x4x8x128xf32, #tpu.memory_space<vmem>> -> memref<4x8x128xf32, #tpu.memory_space<vmem>>
          tpu.vector_store_idx %scatter3A_543[%select_n3A, %and3A_168, %add3A_531], %gather3A_537 : memref<4x8x128xf32, #tpu.memory_space<vmem>>[vector<16xi32>, vector<16xi32>, vector<16xi32>], vector<16xf32>,
          %add3A_544 = vector.broadcast %mul3A_349 : i32 to vector<16xi32>
          %add3A_545 = arith.addi %and3A_89, %add3A_544 : vector<16xi32>
          %gather3A_546 = arith.constant 1 : i32
          %gather3A_547 = arith.constant 0 : i32
          %gather3A_548 = arith.constant 0 : i32
          %gather3A_549 = tpu.memref_slice %arg6[%gather3A_546, %gather3A_547, %gather3A_548] : memref<2x128x32xf32, #tpu.memory_space<vmem>> -> memref<1x128x32xf32, #tpu.memory_space<vmem>>
          %gather3A_550 = tpu.memref_squeeze %gather3A_549 : memref<1x128x32xf32, #tpu.memory_space<vmem>> -> memref<128x32xf32, #tpu.memory_space<vmem>>
          %gather3A_551 = tpu.vector_load_idx %gather3A_550[%add3A_545, %add3A_98] : memref<128x32xf32, #tpu.memory_space<vmem>>[vector<16xi32>, vector<16xi32>], vector<16xf32>,
          %scatter3A_552 = arith.constant 1 : i32
          %scatter3A_553 = arith.constant 0 : i32
          %scatter3A_554 = arith.constant 0 : i32
          %scatter3A_555 = arith.constant 0 : i32
          %scatter3A_556 = tpu.memref_slice %arg7[%scatter3A_552, %scatter3A_553, %scatter3A_554, %scatter3A_555] : memref<2x4x8x128xf32, #tpu.memory_space<vmem>> -> memref<1x4x8x128xf32, #tpu.memory_space<vmem>>
          %scatter3A_557 = tpu.memref_squeeze %scatter3A_556 : memref<1x4x8x128xf32, #tpu.memory_space<vmem>> -> memref<4x8x128xf32, #tpu.memory_space<vmem>>
          tpu.vector_store_idx %scatter3A_557[%select_n3A, %and3A_168, %add3A_545], %gather3A_551 : memref<4x8x128xf32, #tpu.memory_space<vmem>>[vector<16xi32>, vector<16xi32>, vector<16xi32>], vector<16xf32>,
          %add3A_558 = vector.broadcast %mul3A_349 : i32 to vector<16xi32>
          %add3A_559 = arith.addi %and3A_95, %add3A_558 : vector<16xi32>
          %gather3A_560 = arith.constant 1 : i32
          %gather3A_561 = arith.constant 0 : i32
          %gather3A_562 = arith.constant 0 : i32
          %gather3A_563 = tpu.memref_slice %arg6[%gather3A_560, %gather3A_561, %gather3A_562] : memref<2x128x32xf32, #tpu.memory_space<vmem>> -> memref<1x128x32xf32, #tpu.memory_space<vmem>>
          %gather3A_564 = tpu.memref_squeeze %gather3A_563 : memref<1x128x32xf32, #tpu.memory_space<vmem>> -> memref<128x32xf32, #tpu.memory_space<vmem>>
          %gather3A_565 = tpu.vector_load_idx %gather3A_564[%add3A_559, %add3A_98] : memref<128x32xf32, #tpu.memory_space<vmem>>[vector<16xi32>, vector<16xi32>], vector<16xf32>,
          %scatter3A_566 = arith.constant 1 : i32
          %scatter3A_567 = arith.constant 0 : i32
          %scatter3A_568 = arith.constant 0 : i32
          %scatter3A_569 = arith.constant 0 : i32
          %scatter3A_570 = tpu.memref_slice %arg7[%scatter3A_566, %scatter3A_567, %scatter3A_568, %scatter3A_569] : memref<2x4x8x128xf32, #tpu.memory_space<vmem>> -> memref<1x4x8x128xf32, #tpu.memory_space<vmem>>
          %scatter3A_571 = tpu.memref_squeeze %scatter3A_570 : memref<1x4x8x128xf32, #tpu.memory_space<vmem>> -> memref<4x8x128xf32, #tpu.memory_space<vmem>>
          tpu.vector_store_idx %scatter3A_571[%select_n3A, %and3A_168, %add3A_559], %gather3A_565 : memref<4x8x128xf32, #tpu.memory_space<vmem>>[vector<16xi32>, vector<16xi32>, vector<16xi32>], vector<16xf32>,
          %add3A_572 = vector.broadcast %mul3A_349 : i32 to vector<16xi32>
          %add3A_573 = arith.addi %and3A_5, %add3A_572 : vector<16xi32>
          %gather3A_574 = arith.constant 1 : i32
          %gather3A_575 = arith.constant 0 : i32
          %gather3A_576 = arith.constant 0 : i32
          %gather3A_577 = tpu.memref_slice %arg6[%gather3A_574, %gather3A_575, %gather3A_576] : memref<2x128x32xf32, #tpu.memory_space<vmem>> -> memref<1x128x32xf32, #tpu.memory_space<vmem>>
          %gather3A_578 = tpu.memref_squeeze %gather3A_577 : memref<1x128x32xf32, #tpu.memory_space<vmem>> -> memref<128x32xf32, #tpu.memory_space<vmem>>
          %gather3A_579 = tpu.vector_load_idx %gather3A_578[%add3A_573, %add3A_101] : memref<128x32xf32, #tpu.memory_space<vmem>>[vector<16xi32>, vector<16xi32>], vector<16xf32>,
          %scatter3A_580 = arith.constant 1 : i32
          %scatter3A_581 = arith.constant 0 : i32
          %scatter3A_582 = arith.constant 0 : i32
          %scatter3A_583 = arith.constant 0 : i32
          %scatter3A_584 = tpu.memref_slice %arg7[%scatter3A_580, %scatter3A_581, %scatter3A_582, %scatter3A_583] : memref<2x4x8x128xf32, #tpu.memory_space<vmem>> -> memref<1x4x8x128xf32, #tpu.memory_space<vmem>>
          %scatter3A_585 = tpu.memref_squeeze %scatter3A_584 : memref<1x4x8x128xf32, #tpu.memory_space<vmem>> -> memref<4x8x128xf32, #tpu.memory_space<vmem>>
          tpu.vector_store_idx %scatter3A_585[%select_n3A_162, %and3A_174, %add3A_573], %gather3A_579 : memref<4x8x128xf32, #tpu.memory_space<vmem>>[vector<16xi32>, vector<16xi32>, vector<16xi32>], vector<16xf32>,
          %add3A_586 = vector.broadcast %mul3A_349 : i32 to vector<16xi32>
          %add3A_587 = arith.addi %and3A_11, %add3A_586 : vector<16xi32>
          %gather3A_588 = arith.constant 1 : i32
          %gather3A_589 = arith.constant 0 : i32
          %gather3A_590 = arith.constant 0 : i32
          %gather3A_591 = tpu.memref_slice %arg6[%gather3A_588, %gather3A_589, %gather3A_590] : memref<2x128x32xf32, #tpu.memory_space<vmem>> -> memref<1x128x32xf32, #tpu.memory_space<vmem>>
          %gather3A_592 = tpu.memref_squeeze %gather3A_591 : memref<1x128x32xf32, #tpu.memory_space<vmem>> -> memref<128x32xf32, #tpu.memory_space<vmem>>
          %gather3A_593 = tpu.vector_load_idx %gather3A_592[%add3A_587, %add3A_101] : memref<128x32xf32, #tpu.memory_space<vmem>>[vector<16xi32>, vector<16xi32>], vector<16xf32>,
          %scatter3A_594 = arith.constant 1 : i32
          %scatter3A_595 = arith.constant 0 : i32
          %scatter3A_596 = arith.constant 0 : i32
          %scatter3A_597 = arith.constant 0 : i32
          %scatter3A_598 = tpu.memref_slice %arg7[%scatter3A_594, %scatter3A_595, %scatter3A_596, %scatter3A_597] : memref<2x4x8x128xf32, #tpu.memory_space<vmem>> -> memref<1x4x8x128xf32, #tpu.memory_space<vmem>>
          %scatter3A_599 = tpu.memref_squeeze %scatter3A_598 : memref<1x4x8x128xf32, #tpu.memory_space<vmem>> -> memref<4x8x128xf32, #tpu.memory_space<vmem>>
          tpu.vector_store_idx %scatter3A_599[%select_n3A_162, %and3A_174, %add3A_587], %gather3A_593 : memref<4x8x128xf32, #tpu.memory_space<vmem>>[vector<16xi32>, vector<16xi32>, vector<16xi32>], vector<16xf32>,
          %add3A_600 = vector.broadcast %mul3A_349 : i32 to vector<16xi32>
          %add3A_601 = arith.addi %and3A_17, %add3A_600 : vector<16xi32>
          %gather3A_602 = arith.constant 1 : i32
          %gather3A_603 = arith.constant 0 : i32
          %gather3A_604 = arith.constant 0 : i32
          %gather3A_605 = tpu.memref_slice %arg6[%gather3A_602, %gather3A_603, %gather3A_604] : memref<2x128x32xf32, #tpu.memory_space<vmem>> -> memref<1x128x32xf32, #tpu.memory_space<vmem>>
          %gather3A_606 = tpu.memref_squeeze %gather3A_605 : memref<1x128x32xf32, #tpu.memory_space<vmem>> -> memref<128x32xf32, #tpu.memory_space<vmem>>
          %gather3A_607 = tpu.vector_load_idx %gather3A_606[%add3A_601, %add3A_101] : memref<128x32xf32, #tpu.memory_space<vmem>>[vector<16xi32>, vector<16xi32>], vector<16xf32>,
          %scatter3A_608 = arith.constant 1 : i32
          %scatter3A_609 = arith.constant 0 : i32
          %scatter3A_610 = arith.constant 0 : i32
          %scatter3A_611 = arith.constant 0 : i32
          %scatter3A_612 = tpu.memref_slice %arg7[%scatter3A_608, %scatter3A_609, %scatter3A_610, %scatter3A_611] : memref<2x4x8x128xf32, #tpu.memory_space<vmem>> -> memref<1x4x8x128xf32, #tpu.memory_space<vmem>>
          %scatter3A_613 = tpu.memref_squeeze %scatter3A_612 : memref<1x4x8x128xf32, #tpu.memory_space<vmem>> -> memref<4x8x128xf32, #tpu.memory_space<vmem>>
          tpu.vector_store_idx %scatter3A_613[%select_n3A_162, %and3A_174, %add3A_601], %gather3A_607 : memref<4x8x128xf32, #tpu.memory_space<vmem>>[vector<16xi32>, vector<16xi32>, vector<16xi32>], vector<16xf32>,
          %add3A_614 = vector.broadcast %mul3A_349 : i32 to vector<16xi32>
          %add3A_615 = arith.addi %and3A_23, %add3A_614 : vector<16xi32>
          %gather3A_616 = arith.constant 1 : i32
          %gather3A_617 = arith.constant 0 : i32
          %gather3A_618 = arith.constant 0 : i32
          %gather3A_619 = tpu.memref_slice %arg6[%gather3A_616, %gather3A_617, %gather3A_618] : memref<2x128x32xf32, #tpu.memory_space<vmem>> -> memref<1x128x32xf32, #tpu.memory_space<vmem>>
          %gather3A_620 = tpu.memref_squeeze %gather3A_619 : memref<1x128x32xf32, #tpu.memory_space<vmem>> -> memref<128x32xf32, #tpu.memory_space<vmem>>
          %gather3A_621 = tpu.vector_load_idx %gather3A_620[%add3A_615, %add3A_101] : memref<128x32xf32, #tpu.memory_space<vmem>>[vector<16xi32>, vector<16xi32>], vector<16xf32>,
          %scatter3A_622 = arith.constant 1 : i32
          %scatter3A_623 = arith.constant 0 : i32
          %scatter3A_624 = arith.constant 0 : i32
          %scatter3A_625 = arith.constant 0 : i32
          %scatter3A_626 = tpu.memref_slice %arg7[%scatter3A_622, %scatter3A_623, %scatter3A_624, %scatter3A_625] : memref<2x4x8x128xf32, #tpu.memory_space<vmem>> -> memref<1x4x8x128xf32, #tpu.memory_space<vmem>>
          %scatter3A_627 = tpu.memref_squeeze %scatter3A_626 : memref<1x4x8x128xf32, #tpu.memory_space<vmem>> -> memref<4x8x128xf32, #tpu.memory_space<vmem>>
          tpu.vector_store_idx %scatter3A_627[%select_n3A_162, %and3A_174, %add3A_615], %gather3A_621 : memref<4x8x128xf32, #tpu.memory_space<vmem>>[vector<16xi32>, vector<16xi32>, vector<16xi32>], vector<16xf32>,
          %add3A_628 = vector.broadcast %mul3A_349 : i32 to vector<16xi32>
          %add3A_629 = arith.addi %and3A_29, %add3A_628 : vector<16xi32>
          %gather3A_630 = arith.constant 1 : i32
          %gather3A_631 = arith.constant 0 : i32
          %gather3A_632 = arith.constant 0 : i32
          %gather3A_633 = tpu.memref_slice %arg6[%gather3A_630, %gather3A_631, %gather3A_632] : memref<2x128x32xf32, #tpu.memory_space<vmem>> -> memref<1x128x32xf32, #tpu.memory_space<vmem>>
          %gather3A_634 = tpu.memref_squeeze %gather3A_633 : memref<1x128x32xf32, #tpu.memory_space<vmem>> -> memref<128x32xf32, #tpu.memory_space<vmem>>
          %gather3A_635 = tpu.vector_load_idx %gather3A_634[%add3A_629, %add3A_101] : memref<128x32xf32, #tpu.memory_space<vmem>>[vector<16xi32>, vector<16xi32>], vector<16xf32>,
          %scatter3A_636 = arith.constant 1 : i32
          %scatter3A_637 = arith.constant 0 : i32
          %scatter3A_638 = arith.constant 0 : i32
          %scatter3A_639 = arith.constant 0 : i32
          %scatter3A_640 = tpu.memref_slice %arg7[%scatter3A_636, %scatter3A_637, %scatter3A_638, %scatter3A_639] : memref<2x4x8x128xf32, #tpu.memory_space<vmem>> -> memref<1x4x8x128xf32, #tpu.memory_space<vmem>>
          %scatter3A_641 = tpu.memref_squeeze %scatter3A_640 : memref<1x4x8x128xf32, #tpu.memory_space<vmem>> -> memref<4x8x128xf32, #tpu.memory_space<vmem>>
          tpu.vector_store_idx %scatter3A_641[%select_n3A_162, %and3A_174, %add3A_629], %gather3A_635 : memref<4x8x128xf32, #tpu.memory_space<vmem>>[vector<16xi32>, vector<16xi32>, vector<16xi32>], vector<16xf32>,
          %add3A_642 = vector.broadcast %mul3A_349 : i32 to vector<16xi32>
          %add3A_643 = arith.addi %and3A_35, %add3A_642 : vector<16xi32>
          %gather3A_644 = arith.constant 1 : i32
          %gather3A_645 = arith.constant 0 : i32
          %gather3A_646 = arith.constant 0 : i32
          %gather3A_647 = tpu.memref_slice %arg6[%gather3A_644, %gather3A_645, %gather3A_646] : memref<2x128x32xf32, #tpu.memory_space<vmem>> -> memref<1x128x32xf32, #tpu.memory_space<vmem>>
          %gather3A_648 = tpu.memref_squeeze %gather3A_647 : memref<1x128x32xf32, #tpu.memory_space<vmem>> -> memref<128x32xf32, #tpu.memory_space<vmem>>
          %gather3A_649 = tpu.vector_load_idx %gather3A_648[%add3A_643, %add3A_101] : memref<128x32xf32, #tpu.memory_space<vmem>>[vector<16xi32>, vector<16xi32>], vector<16xf32>,
          %scatter3A_650 = arith.constant 1 : i32
          %scatter3A_651 = arith.constant 0 : i32
          %scatter3A_652 = arith.constant 0 : i32
          %scatter3A_653 = arith.constant 0 : i32
          %scatter3A_654 = tpu.memref_slice %arg7[%scatter3A_650, %scatter3A_651, %scatter3A_652, %scatter3A_653] : memref<2x4x8x128xf32, #tpu.memory_space<vmem>> -> memref<1x4x8x128xf32, #tpu.memory_space<vmem>>
          %scatter3A_655 = tpu.memref_squeeze %scatter3A_654 : memref<1x4x8x128xf32, #tpu.memory_space<vmem>> -> memref<4x8x128xf32, #tpu.memory_space<vmem>>
          tpu.vector_store_idx %scatter3A_655[%select_n3A_162, %and3A_174, %add3A_643], %gather3A_649 : memref<4x8x128xf32, #tpu.memory_space<vmem>>[vector<16xi32>, vector<16xi32>, vector<16xi32>], vector<16xf32>,
          %add3A_656 = vector.broadcast %mul3A_349 : i32 to vector<16xi32>
          %add3A_657 = arith.addi %and3A_41, %add3A_656 : vector<16xi32>
          %gather3A_658 = arith.constant 1 : i32
          %gather3A_659 = arith.constant 0 : i32
          %gather3A_660 = arith.constant 0 : i32
          %gather3A_661 = tpu.memref_slice %arg6[%gather3A_658, %gather3A_659, %gather3A_660] : memref<2x128x32xf32, #tpu.memory_space<vmem>> -> memref<1x128x32xf32, #tpu.memory_space<vmem>>
          %gather3A_662 = tpu.memref_squeeze %gather3A_661 : memref<1x128x32xf32, #tpu.memory_space<vmem>> -> memref<128x32xf32, #tpu.memory_space<vmem>>
          %gather3A_663 = tpu.vector_load_idx %gather3A_662[%add3A_657, %add3A_101] : memref<128x32xf32, #tpu.memory_space<vmem>>[vector<16xi32>, vector<16xi32>], vector<16xf32>,
          %scatter3A_664 = arith.constant 1 : i32
          %scatter3A_665 = arith.constant 0 : i32
          %scatter3A_666 = arith.constant 0 : i32
          %scatter3A_667 = arith.constant 0 : i32
          %scatter3A_668 = tpu.memref_slice %arg7[%scatter3A_664, %scatter3A_665, %scatter3A_666, %scatter3A_667] : memref<2x4x8x128xf32, #tpu.memory_space<vmem>> -> memref<1x4x8x128xf32, #tpu.memory_space<vmem>>
          %scatter3A_669 = tpu.memref_squeeze %scatter3A_668 : memref<1x4x8x128xf32, #tpu.memory_space<vmem>> -> memref<4x8x128xf32, #tpu.memory_space<vmem>>
          tpu.vector_store_idx %scatter3A_669[%select_n3A_162, %and3A_174, %add3A_657], %gather3A_663 : memref<4x8x128xf32, #tpu.memory_space<vmem>>[vector<16xi32>, vector<16xi32>, vector<16xi32>], vector<16xf32>,
          %add3A_670 = vector.broadcast %mul3A_349 : i32 to vector<16xi32>
          %add3A_671 = arith.addi %and3A_47, %add3A_670 : vector<16xi32>
          %gather3A_672 = arith.constant 1 : i32
          %gather3A_673 = arith.constant 0 : i32
          %gather3A_674 = arith.constant 0 : i32
          %gather3A_675 = tpu.memref_slice %arg6[%gather3A_672, %gather3A_673, %gather3A_674] : memref<2x128x32xf32, #tpu.memory_space<vmem>> -> memref<1x128x32xf32, #tpu.memory_space<vmem>>
          %gather3A_676 = tpu.memref_squeeze %gather3A_675 : memref<1x128x32xf32, #tpu.memory_space<vmem>> -> memref<128x32xf32, #tpu.memory_space<vmem>>
          %gather3A_677 = tpu.vector_load_idx %gather3A_676[%add3A_671, %add3A_101] : memref<128x32xf32, #tpu.memory_space<vmem>>[vector<16xi32>, vector<16xi32>], vector<16xf32>,
          %scatter3A_678 = arith.constant 1 : i32
          %scatter3A_679 = arith.constant 0 : i32
          %scatter3A_680 = arith.constant 0 : i32
          %scatter3A_681 = arith.constant 0 : i32
          %scatter3A_682 = tpu.memref_slice %arg7[%scatter3A_678, %scatter3A_679, %scatter3A_680, %scatter3A_681] : memref<2x4x8x128xf32, #tpu.memory_space<vmem>> -> memref<1x4x8x128xf32, #tpu.memory_space<vmem>>
          %scatter3A_683 = tpu.memref_squeeze %scatter3A_682 : memref<1x4x8x128xf32, #tpu.memory_space<vmem>> -> memref<4x8x128xf32, #tpu.memory_space<vmem>>
          tpu.vector_store_idx %scatter3A_683[%select_n3A_162, %and3A_174, %add3A_671], %gather3A_677 : memref<4x8x128xf32, #tpu.memory_space<vmem>>[vector<16xi32>, vector<16xi32>, vector<16xi32>], vector<16xf32>,
          %add3A_684 = vector.broadcast %mul3A_349 : i32 to vector<16xi32>
          %add3A_685 = arith.addi %and3A_53, %add3A_684 : vector<16xi32>
          %gather3A_686 = arith.constant 1 : i32
          %gather3A_687 = arith.constant 0 : i32
          %gather3A_688 = arith.constant 0 : i32
          %gather3A_689 = tpu.memref_slice %arg6[%gather3A_686, %gather3A_687, %gather3A_688] : memref<2x128x32xf32, #tpu.memory_space<vmem>> -> memref<1x128x32xf32, #tpu.memory_space<vmem>>
          %gather3A_690 = tpu.memref_squeeze %gather3A_689 : memref<1x128x32xf32, #tpu.memory_space<vmem>> -> memref<128x32xf32, #tpu.memory_space<vmem>>
          %gather3A_691 = tpu.vector_load_idx %gather3A_690[%add3A_685, %add3A_101] : memref<128x32xf32, #tpu.memory_space<vmem>>[vector<16xi32>, vector<16xi32>], vector<16xf32>,
          %scatter3A_692 = arith.constant 1 : i32
          %scatter3A_693 = arith.constant 0 : i32
          %scatter3A_694 = arith.constant 0 : i32
          %scatter3A_695 = arith.constant 0 : i32
          %scatter3A_696 = tpu.memref_slice %arg7[%scatter3A_692, %scatter3A_693, %scatter3A_694, %scatter3A_695] : memref<2x4x8x128xf32, #tpu.memory_space<vmem>> -> memref<1x4x8x128xf32, #tpu.memory_space<vmem>>
          %scatter3A_697 = tpu.memref_squeeze %scatter3A_696 : memref<1x4x8x128xf32, #tpu.memory_space<vmem>> -> memref<4x8x128xf32, #tpu.memory_space<vmem>>
          tpu.vector_store_idx %scatter3A_697[%select_n3A_162, %and3A_174, %add3A_685], %gather3A_691 : memref<4x8x128xf32, #tpu.memory_space<vmem>>[vector<16xi32>, vector<16xi32>, vector<16xi32>], vector<16xf32>,
          %add3A_698 = vector.broadcast %mul3A_349 : i32 to vector<16xi32>
          %add3A_699 = arith.addi %and3A_59, %add3A_698 : vector<16xi32>
          %gather3A_700 = arith.constant 1 : i32
          %gather3A_701 = arith.constant 0 : i32
          %gather3A_702 = arith.constant 0 : i32
          %gather3A_703 = tpu.memref_slice %arg6[%gather3A_700, %gather3A_701, %gather3A_702] : memref<2x128x32xf32, #tpu.memory_space<vmem>> -> memref<1x128x32xf32, #tpu.memory_space<vmem>>
          %gather3A_704 = tpu.memref_squeeze %gather3A_703 : memref<1x128x32xf32, #tpu.memory_space<vmem>> -> memref<128x32xf32, #tpu.memory_space<vmem>>
          %gather3A_705 = tpu.vector_load_idx %gather3A_704[%add3A_699, %add3A_101] : memref<128x32xf32, #tpu.memory_space<vmem>>[vector<16xi32>, vector<16xi32>], vector<16xf32>,
          %scatter3A_706 = arith.constant 1 : i32
          %scatter3A_707 = arith.constant 0 : i32
          %scatter3A_708 = arith.constant 0 : i32
          %scatter3A_709 = arith.constant 0 : i32
          %scatter3A_710 = tpu.memref_slice %arg7[%scatter3A_706, %scatter3A_707, %scatter3A_708, %scatter3A_709] : memref<2x4x8x128xf32, #tpu.memory_space<vmem>> -> memref<1x4x8x128xf32, #tpu.memory_space<vmem>>
          %scatter3A_711 = tpu.memref_squeeze %scatter3A_710 : memref<1x4x8x128xf32, #tpu.memory_space<vmem>> -> memref<4x8x128xf32, #tpu.memory_space<vmem>>
          tpu.vector_store_idx %scatter3A_711[%select_n3A_162, %and3A_174, %add3A_699], %gather3A_705 : memref<4x8x128xf32, #tpu.memory_space<vmem>>[vector<16xi32>, vector<16xi32>, vector<16xi32>], vector<16xf32>,
          %add3A_712 = vector.broadcast %mul3A_349 : i32 to vector<16xi32>
          %add3A_713 = arith.addi %and3A_65, %add3A_712 : vector<16xi32>
          %gather3A_714 = arith.constant 1 : i32
          %gather3A_715 = arith.constant 0 : i32
          %gather3A_716 = arith.constant 0 : i32
          %gather3A_717 = tpu.memref_slice %arg6[%gather3A_714, %gather3A_715, %gather3A_716] : memref<2x128x32xf32, #tpu.memory_space<vmem>> -> memref<1x128x32xf32, #tpu.memory_space<vmem>>
          %gather3A_718 = tpu.memref_squeeze %gather3A_717 : memref<1x128x32xf32, #tpu.memory_space<vmem>> -> memref<128x32xf32, #tpu.memory_space<vmem>>
          %gather3A_719 = tpu.vector_load_idx %gather3A_718[%add3A_713, %add3A_101] : memref<128x32xf32, #tpu.memory_space<vmem>>[vector<16xi32>, vector<16xi32>], vector<16xf32>,
          %scatter3A_720 = arith.constant 1 : i32
          %scatter3A_721 = arith.constant 0 : i32
          %scatter3A_722 = arith.constant 0 : i32
          %scatter3A_723 = arith.constant 0 : i32
          %scatter3A_724 = tpu.memref_slice %arg7[%scatter3A_720, %scatter3A_721, %scatter3A_722, %scatter3A_723] : memref<2x4x8x128xf32, #tpu.memory_space<vmem>> -> memref<1x4x8x128xf32, #tpu.memory_space<vmem>>
          %scatter3A_725 = tpu.memref_squeeze %scatter3A_724 : memref<1x4x8x128xf32, #tpu.memory_space<vmem>> -> memref<4x8x128xf32, #tpu.memory_space<vmem>>
          tpu.vector_store_idx %scatter3A_725[%select_n3A_162, %and3A_174, %add3A_713], %gather3A_719 : memref<4x8x128xf32, #tpu.memory_space<vmem>>[vector<16xi32>, vector<16xi32>, vector<16xi32>], vector<16xf32>,
          %add3A_726 = vector.broadcast %mul3A_349 : i32 to vector<16xi32>
          %add3A_727 = arith.addi %and3A_71, %add3A_726 : vector<16xi32>
          %gather3A_728 = arith.constant 1 : i32
          %gather3A_729 = arith.constant 0 : i32
          %gather3A_730 = arith.constant 0 : i32
          %gather3A_731 = tpu.memref_slice %arg6[%gather3A_728, %gather3A_729, %gather3A_730] : memref<2x128x32xf32, #tpu.memory_space<vmem>> -> memref<1x128x32xf32, #tpu.memory_space<vmem>>
          %gather3A_732 = tpu.memref_squeeze %gather3A_731 : memref<1x128x32xf32, #tpu.memory_space<vmem>> -> memref<128x32xf32, #tpu.memory_space<vmem>>
          %gather3A_733 = tpu.vector_load_idx %gather3A_732[%add3A_727, %add3A_101] : memref<128x32xf32, #tpu.memory_space<vmem>>[vector<16xi32>, vector<16xi32>], vector<16xf32>,
          %scatter3A_734 = arith.constant 1 : i32
          %scatter3A_735 = arith.constant 0 : i32
          %scatter3A_736 = arith.constant 0 : i32
          %scatter3A_737 = arith.constant 0 : i32
          %scatter3A_738 = tpu.memref_slice %arg7[%scatter3A_734, %scatter3A_735, %scatter3A_736, %scatter3A_737] : memref<2x4x8x128xf32, #tpu.memory_space<vmem>> -> memref<1x4x8x128xf32, #tpu.memory_space<vmem>>
          %scatter3A_739 = tpu.memref_squeeze %scatter3A_738 : memref<1x4x8x128xf32, #tpu.memory_space<vmem>> -> memref<4x8x128xf32, #tpu.memory_space<vmem>>
          tpu.vector_store_idx %scatter3A_739[%select_n3A_162, %and3A_174, %add3A_727], %gather3A_733 : memref<4x8x128xf32, #tpu.memory_space<vmem>>[vector<16xi32>, vector<16xi32>, vector<16xi32>], vector<16xf32>,
          %add3A_740 = vector.broadcast %mul3A_349 : i32 to vector<16xi32>
          %add3A_741 = arith.addi %and3A_77, %add3A_740 : vector<16xi32>
          %gather3A_742 = arith.constant 1 : i32
          %gather3A_743 = arith.constant 0 : i32
          %gather3A_744 = arith.constant 0 : i32
          %gather3A_745 = tpu.memref_slice %arg6[%gather3A_742, %gather3A_743, %gather3A_744] : memref<2x128x32xf32, #tpu.memory_space<vmem>> -> memref<1x128x32xf32, #tpu.memory_space<vmem>>
          %gather3A_746 = tpu.memref_squeeze %gather3A_745 : memref<1x128x32xf32, #tpu.memory_space<vmem>> -> memref<128x32xf32, #tpu.memory_space<vmem>>
          %gather3A_747 = tpu.vector_load_idx %gather3A_746[%add3A_741, %add3A_101] : memref<128x32xf32, #tpu.memory_space<vmem>>[vector<16xi32>, vector<16xi32>], vector<16xf32>,
          %scatter3A_748 = arith.constant 1 : i32
          %scatter3A_749 = arith.constant 0 : i32
          %scatter3A_750 = arith.constant 0 : i32
          %scatter3A_751 = arith.constant 0 : i32
          %scatter3A_752 = tpu.memref_slice %arg7[%scatter3A_748, %scatter3A_749, %scatter3A_750, %scatter3A_751] : memref<2x4x8x128xf32, #tpu.memory_space<vmem>> -> memref<1x4x8x128xf32, #tpu.memory_space<vmem>>
          %scatter3A_753 = tpu.memref_squeeze %scatter3A_752 : memref<1x4x8x128xf32, #tpu.memory_space<vmem>> -> memref<4x8x128xf32, #tpu.memory_space<vmem>>
          tpu.vector_store_idx %scatter3A_753[%select_n3A_162, %and3A_174, %add3A_741], %gather3A_747 : memref<4x8x128xf32, #tpu.memory_space<vmem>>[vector<16xi32>, vector<16xi32>, vector<16xi32>], vector<16xf32>,
          %add3A_754 = vector.broadcast %mul3A_349 : i32 to vector<16xi32>
          %add3A_755 = arith.addi %and3A_83, %add3A_754 : vector<16xi32>
          %gather3A_756 = arith.constant 1 : i32
          %gather3A_757 = arith.constant 0 : i32
          %gather3A_758 = arith.constant 0 : i32
          %gather3A_759 = tpu.memref_slice %arg6[%gather3A_756, %gather3A_757, %gather3A_758] : memref<2x128x32xf32, #tpu.memory_space<vmem>> -> memref<1x128x32xf32, #tpu.memory_space<vmem>>
          %gather3A_760 = tpu.memref_squeeze %gather3A_759 : memref<1x128x32xf32, #tpu.memory_space<vmem>> -> memref<128x32xf32, #tpu.memory_space<vmem>>
          %gather3A_761 = tpu.vector_load_idx %gather3A_760[%add3A_755, %add3A_101] : memref<128x32xf32, #tpu.memory_space<vmem>>[vector<16xi32>, vector<16xi32>], vector<16xf32>,
          %scatter3A_762 = arith.constant 1 : i32
          %scatter3A_763 = arith.constant 0 : i32
          %scatter3A_764 = arith.constant 0 : i32
          %scatter3A_765 = arith.constant 0 : i32
          %scatter3A_766 = tpu.memref_slice %arg7[%scatter3A_762, %scatter3A_763, %scatter3A_764, %scatter3A_765] : memref<2x4x8x128xf32, #tpu.memory_space<vmem>> -> memref<1x4x8x128xf32, #tpu.memory_space<vmem>>
          %scatter3A_767 = tpu.memref_squeeze %scatter3A_766 : memref<1x4x8x128xf32, #tpu.memory_space<vmem>> -> memref<4x8x128xf32, #tpu.memory_space<vmem>>
          tpu.vector_store_idx %scatter3A_767[%select_n3A_162, %and3A_174, %add3A_755], %gather3A_761 : memref<4x8x128xf32, #tpu.memory_space<vmem>>[vector<16xi32>, vector<16xi32>, vector<16xi32>], vector<16xf32>,
          %add3A_768 = vector.broadcast %mul3A_349 : i32 to vector<16xi32>
          %add3A_769 = arith.addi %and3A_89, %add3A_768 : vector<16xi32>
          %gather3A_770 = arith.constant 1 : i32
          %gather3A_771 = arith.constant 0 : i32
          %gather3A_772 = arith.constant 0 : i32
          %gather3A_773 = tpu.memref_slice %arg6[%gather3A_770, %gather3A_771, %gather3A_772] : memref<2x128x32xf32, #tpu.memory_space<vmem>> -> memref<1x128x32xf32, #tpu.memory_space<vmem>>
          %gather3A_774 = tpu.memref_squeeze %gather3A_773 : memref<1x128x32xf32, #tpu.memory_space<vmem>> -> memref<128x32xf32, #tpu.memory_space<vmem>>
          %gather3A_775 = tpu.vector_load_idx %gather3A_774[%add3A_769, %add3A_101] : memref<128x32xf32, #tpu.memory_space<vmem>>[vector<16xi32>, vector<16xi32>], vector<16xf32>,
          %scatter3A_776 = arith.constant 1 : i32
          %scatter3A_777 = arith.constant 0 : i32
          %scatter3A_778 = arith.constant 0 : i32
          %scatter3A_779 = arith.constant 0 : i32
          %scatter3A_780 = tpu.memref_slice %arg7[%scatter3A_776, %scatter3A_777, %scatter3A_778, %scatter3A_779] : memref<2x4x8x128xf32, #tpu.memory_space<vmem>> -> memref<1x4x8x128xf32, #tpu.memory_space<vmem>>
          %scatter3A_781 = tpu.memref_squeeze %scatter3A_780 : memref<1x4x8x128xf32, #tpu.memory_space<vmem>> -> memref<4x8x128xf32, #tpu.memory_space<vmem>>
          tpu.vector_store_idx %scatter3A_781[%select_n3A_162, %and3A_174, %add3A_769], %gather3A_775 : memref<4x8x128xf32, #tpu.memory_space<vmem>>[vector<16xi32>, vector<16xi32>, vector<16xi32>], vector<16xf32>,
          %add3A_782 = vector.broadcast %mul3A_349 : i32 to vector<16xi32>
          %add3A_783 = arith.addi %and3A_95, %add3A_782 : vector<16xi32>
          %gather3A_784 = arith.constant 1 : i32
          %gather3A_785 = arith.constant 0 : i32
          %gather3A_786 = arith.constant 0 : i32
          %gather3A_787 = tpu.memref_slice %arg6[%gather3A_784, %gather3A_785, %gather3A_786] : memref<2x128x32xf32, #tpu.memory_space<vmem>> -> memref<1x128x32xf32, #tpu.memory_space<vmem>>
          %gather3A_788 = tpu.memref_squeeze %gather3A_787 : memref<1x128x32xf32, #tpu.memory_space<vmem>> -> memref<128x32xf32, #tpu.memory_space<vmem>>
          %gather3A_789 = tpu.vector_load_idx %gather3A_788[%add3A_783, %add3A_101] : memref<128x32xf32, #tpu.memory_space<vmem>>[vector<16xi32>, vector<16xi32>], vector<16xf32>,
          %scatter3A_790 = arith.constant 1 : i32
          %scatter3A_791 = arith.constant 0 : i32
          %scatter3A_792 = arith.constant 0 : i32
          %scatter3A_793 = arith.constant 0 : i32
          %scatter3A_794 = tpu.memref_slice %arg7[%scatter3A_790, %scatter3A_791, %scatter3A_792, %scatter3A_793] : memref<2x4x8x128xf32, #tpu.memory_space<vmem>> -> memref<1x4x8x128xf32, #tpu.memory_space<vmem>>
          %scatter3A_795 = tpu.memref_squeeze %scatter3A_794 : memref<1x4x8x128xf32, #tpu.memory_space<vmem>> -> memref<4x8x128xf32, #tpu.memory_space<vmem>>
          tpu.vector_store_idx %scatter3A_795[%select_n3A_162, %and3A_174, %add3A_783], %gather3A_789 : memref<4x8x128xf32, #tpu.memory_space<vmem>>[vector<16xi32>, vector<16xi32>, vector<16xi32>], vector<16xf32>,
        }
        %scan3A_325 = arith.constant 8 : i32
        %dma_start3A_326 = arith.constant 1 : i32
        %dma_start3A_327 = arith.constant 0 : i32
        %dma_start3A_328 = arith.constant 0 : i32
        %dma_start3A_329 = arith.constant 0 : i32
        %dma_start3A_330 = tpu.memref_slice %arg7[%dma_start3A_326, %dma_start3A_327, %dma_start3A_328, %dma_start3A_329] : memref<2x4x8x128xf32, #tpu.memory_space<vmem>> -> memref<1x4x8x128xf32, #tpu.memory_space<vmem>>
        %dma_start3A_331 = tpu.memref_squeeze %dma_start3A_330 : memref<1x4x8x128xf32, #tpu.memory_space<vmem>> -> memref<4x8x128xf32, #tpu.memory_space<vmem>>
        %dma_start3A_332 = arith.constant 0 : i32
        %dma_start3A_333 = arith.constant 0 : i32
        %dma_start3A_334 = arith.constant 0 : i32
        %dma_start3A_335 = tpu.memref_slice %arg4[%add3A_248, %dma_start3A_332, %add3A_182, %dma_start3A_333, %dma_start3A_334] : memref<200x4x128x8x128xf32, #tpu.memory_space<hbm>> -> memref<1x4x1x8x128xf32, #tpu.memory_space<hbm>>
        %dma_start3A_336 = tpu.memref_squeeze %dma_start3A_335 : memref<1x4x1x8x128xf32, #tpu.memory_space<hbm>> -> memref<4x8x128xf32, #tpu.memory_space<hbm>>
        %dma_start3A_337 = arith.constant 0 : i32
        %dma_start3A_338 = arith.constant 0 : i32
        %dma_start3A_339 = arith.constant 0 : i32
        %dma_start3A_340 = tpu.memref_slice %arg4[%add3A_248, %dma_start3A_337, %add3A_182, %dma_start3A_338, %dma_start3A_339] : memref<200x4x128x8x128xf32, #tpu.memory_space<hbm>> -> memref<1x4x1x8x128xf32, #tpu.memory_space<hbm>>
        %dma_start3A_341 = tpu.memref_squeeze %dma_start3A_340 : memref<1x4x1x8x128xf32, #tpu.memory_space<hbm>> -> memref<4x8x128xf32, #tpu.memory_space<hbm>>
        %dma_start3A_342 = arith.constant 0 : i32
        %dma_start3A_343 = arith.constant 0 : i32
        %dma_start3A_344 = arith.constant 0 : i32
        %dma_start3A_345 = tpu.memref_slice %arg7[%dma_start3A_326, %dma_start3A_342, %dma_start3A_343, %dma_start3A_344] : memref<2x4x8x128xf32, #tpu.memory_space<vmem>> -> memref<1x4x8x128xf32, #tpu.memory_space<vmem>>
        %dma_start3A_346 = tpu.memref_squeeze %dma_start3A_345 : memref<1x4x8x128xf32, #tpu.memory_space<vmem>> -> memref<4x8x128xf32, #tpu.memory_space<vmem>>
        tpu.enqueue_dma source(%dma_start3A_346 : memref<4x8x128xf32, #tpu.memory_space<vmem>>) target(%dma_start3A_341 : memref<4x8x128xf32, #tpu.memory_space<hbm>>) target_semaphore(%arg11 : memref<!tpu.dma_semaphore, #tpu.memory_space<semaphore_mem>>)
      }
      %scan3A_200 = arith.constant 100 : i32
      %dma_wait3A = arith.constant 0 : i32
      %dma_wait3A_201 = arith.constant 198 : i32
      %dma_wait3A_202 = arith.constant 0 : i32
      %dma_wait3A_203 = arith.constant 0 : i32
      %dma_wait3A_204 = arith.constant 0 : i32
      %dma_wait3A_205 = tpu.memref_slice %arg7[%dma_wait3A, %dma_wait3A_202, %dma_wait3A_203, %dma_wait3A_204] : memref<2x4x8x128xf32, #tpu.memory_space<vmem>> -> memref<1x4x8x128xf32, #tpu.memory_space<vmem>>
      %dma_wait3A_206 = tpu.memref_squeeze %dma_wait3A_205 : memref<1x4x8x128xf32, #tpu.memory_space<vmem>> -> memref<4x8x128xf32, #tpu.memory_space<vmem>>
      %dma_wait3A_207 = arith.constant 0 : i32
      %dma_wait3A_208 = arith.constant 0 : i32
      %dma_wait3A_209 = arith.constant 0 : i32
      %dma_wait3A_210 = tpu.memref_slice %arg4[%dma_wait3A_201, %dma_wait3A_207, %add3A_182, %dma_wait3A_208, %dma_wait3A_209] : memref<200x4x128x8x128xf32, #tpu.memory_space<hbm>> -> memref<1x4x1x8x128xf32, #tpu.memory_space<hbm>>
      %dma_wait3A_211 = tpu.memref_squeeze %dma_wait3A_210 : memref<1x4x1x8x128xf32, #tpu.memory_space<hbm>> -> memref<4x8x128xf32, #tpu.memory_space<hbm>>
      %dma_wait3A_212 = arith.constant 0 : i32
      %dma_wait3A_213 = arith.constant 0 : i32
      %dma_wait3A_214 = arith.constant 0 : i32
      %dma_wait3A_215 = tpu.memref_slice %arg4[%dma_wait3A_201, %dma_wait3A_212, %add3A_182, %dma_wait3A_213, %dma_wait3A_214] : memref<200x4x128x8x128xf32, #tpu.memory_space<hbm>> -> memref<1x4x1x8x128xf32, #tpu.memory_space<hbm>>
      %dma_wait3A_216 = tpu.memref_squeeze %dma_wait3A_215 : memref<1x4x1x8x128xf32, #tpu.memory_space<hbm>> -> memref<4x8x128xf32, #tpu.memory_space<hbm>>
      %dma_wait3A_217 = arith.constant 0 : i32
      %dma_wait3A_218 = arith.constant 0 : i32
      %dma_wait3A_219 = arith.constant 0 : i32
      %dma_wait3A_220 = tpu.memref_slice %arg7[%dma_wait3A, %dma_wait3A_217, %dma_wait3A_218, %dma_wait3A_219] : memref<2x4x8x128xf32, #tpu.memory_space<vmem>> -> memref<1x4x8x128xf32, #tpu.memory_space<vmem>>
      %dma_wait3A_221 = tpu.memref_squeeze %dma_wait3A_220 : memref<1x4x8x128xf32, #tpu.memory_space<vmem>> -> memref<4x8x128xf32, #tpu.memory_space<vmem>>
      tpu.wait_dma2 semaphore(%arg10 : memref<!tpu.dma_semaphore, #tpu.memory_space<semaphore_mem>>) src(%dma_wait3A_221 : memref<4x8x128xf32, #tpu.memory_space<vmem>>) dst(%dma_wait3A_216 : memref<4x8x128xf32, #tpu.memory_space<hbm>>)
      %dma_wait3A_222 = arith.constant 1 : i32
      %dma_wait3A_223 = arith.constant 199 : i32
      %dma_wait3A_224 = arith.constant 0 : i32
      %dma_wait3A_225 = arith.constant 0 : i32
      %dma_wait3A_226 = arith.constant 0 : i32
      %dma_wait3A_227 = tpu.memref_slice %arg7[%dma_wait3A_222, %dma_wait3A_224, %dma_wait3A_225, %dma_wait3A_226] : memref<2x4x8x128xf32, #tpu.memory_space<vmem>> -> memref<1x4x8x128xf32, #tpu.memory_space<vmem>>
      %dma_wait3A_228 = tpu.memref_squeeze %dma_wait3A_227 : memref<1x4x8x128xf32, #tpu.memory_space<vmem>> -> memref<4x8x128xf32, #tpu.memory_space<vmem>>
      %dma_wait3A_229 = arith.constant 0 : i32
      %dma_wait3A_230 = arith.constant 0 : i32
      %dma_wait3A_231 = arith.constant 0 : i32
      %dma_wait3A_232 = tpu.memref_slice %arg4[%dma_wait3A_223, %dma_wait3A_229, %add3A_182, %dma_wait3A_230, %dma_wait3A_231] : memref<200x4x128x8x128xf32, #tpu.memory_space<hbm>> -> memref<1x4x1x8x128xf32, #tpu.memory_space<hbm>>
      %dma_wait3A_233 = tpu.memref_squeeze %dma_wait3A_232 : memref<1x4x1x8x128xf32, #tpu.memory_space<hbm>> -> memref<4x8x128xf32, #tpu.memory_space<hbm>>
      %dma_wait3A_234 = arith.constant 0 : i32
      %dma_wait3A_235 = arith.constant 0 : i32
      %dma_wait3A_236 = arith.constant 0 : i32
      %dma_wait3A_237 = tpu.memref_slice %arg4[%dma_wait3A_223, %dma_wait3A_234, %add3A_182, %dma_wait3A_235, %dma_wait3A_236] : memref<200x4x128x8x128xf32, #tpu.memory_space<hbm>> -> memref<1x4x1x8x128xf32, #tpu.memory_space<hbm>>
      %dma_wait3A_238 = tpu.memref_squeeze %dma_wait3A_237 : memref<1x4x1x8x128xf32, #tpu.memory_space<hbm>> -> memref<4x8x128xf32, #tpu.memory_space<hbm>>
      %dma_wait3A_239 = arith.constant 0 : i32
      %dma_wait3A_240 = arith.constant 0 : i32
      %dma_wait3A_241 = arith.constant 0 : i32
      %dma_wait3A_242 = tpu.memref_slice %arg7[%dma_wait3A_222, %dma_wait3A_239, %dma_wait3A_240, %dma_wait3A_241] : memref<2x4x8x128xf32, #tpu.memory_space<vmem>> -> memref<1x4x8x128xf32, #tpu.memory_space<vmem>>
      %dma_wait3A_243 = tpu.memref_squeeze %dma_wait3A_242 : memref<1x4x8x128xf32, #tpu.memory_space<vmem>> -> memref<4x8x128xf32, #tpu.memory_space<vmem>>
      tpu.wait_dma2 semaphore(%arg11 : memref<!tpu.dma_semaphore, #tpu.memory_space<semaphore_mem>>) src(%dma_wait3A_243 : memref<4x8x128xf32, #tpu.memory_space<vmem>>) dst(%dma_wait3A_238 : memref<4x8x128xf32, #tpu.memory_space<hbm>>)
    }
    %scan3A_178 = arith.constant 4 : i32
    return
  }
}

module attributes {stable_mosaic.version = 14 : i64} {
  func.func @_ln_t_body(%arg0: i32, %arg1: memref<32x16384xf32, #tpu.memory_space<vmem>>, %arg2: memref<32x1xf32, #tpu.memory_space<vmem>>, %arg3: memref<32x1xf32, #tpu.memory_space<vmem>>, %arg4: memref<4096x128xf32, #tpu.memory_space<vmem>>) attributes {dimension_semantics = [#tpu.dimension_semantics<arbitrary>], iteration_bounds = array<i64: 62>, scalar_prefetch = 0 : i64, scratch_operands = 0 : i64, tpu.core_type = #tpu.core_type<tc>, window_params = [{transform_indices = @transform_0, window_bounds = array<i64: 32, 16384>}, {pipeline_mode = #tpu.pipeline_mode<synchronous>, transform_indices = @transform_1, window_bounds = array<i64: 32, 1>}, {pipeline_mode = #tpu.pipeline_mode<synchronous>, transform_indices = @transform_2, window_bounds = array<i64: 32, 1>}, {transform_indices = @transform_3, window_bounds = array<i64: 4096, 128>}]} {
    %get3A = arith.constant 0 : index
    %get3A_0 = arith.constant 0 : index
    %get3A_1 = vector.load %arg1[%get3A, %get3A_0] : memref<32x16384xf32, #tpu.memory_space<vmem>>, vector<32x16384xf32>
    %reduce_sum3A = arith.constant dense<0.000000e+00> : vector<16384xf32>
    %reduce_sum3A_2 = vector.multi_reduction <add>, %get3A_1, %reduce_sum3A [0] : vector<32x16384xf32> to vector<16384xf32>
    %broadcast_in_dim3A = vector.shape_cast %reduce_sum3A_2 : vector<16384xf32> to vector<1x16384xf32>
    %div3A = arith.constant 3.200000e+01 : f32
    %div3A_3 = vector.broadcast %div3A : f32 to vector<1x16384xf32>
    %div3A_4 = arith.divf %broadcast_in_dim3A, %div3A_3 : vector<1x16384xf32>
    %sub3A = vector.broadcast %div3A_4 : vector<1x16384xf32> to vector<32x16384xf32>
    %sub3A_5 = arith.subf %get3A_1, %sub3A : vector<32x16384xf32>
    %mul3A = arith.mulf %sub3A_5, %sub3A_5 : vector<32x16384xf32>
    %reduce_sum3A_6 = arith.constant dense<0.000000e+00> : vector<16384xf32>
    %reduce_sum3A_7 = vector.multi_reduction <add>, %mul3A, %reduce_sum3A_6 [0] : vector<32x16384xf32> to vector<16384xf32>
    %broadcast_in_dim3A_8 = vector.shape_cast %reduce_sum3A_7 : vector<16384xf32> to vector<1x16384xf32>
    %div3A_9 = arith.constant 3.200000e+01 : f32
    %div3A_10 = vector.broadcast %div3A_9 : f32 to vector<1x16384xf32>
    %div3A_11 = arith.divf %broadcast_in_dim3A_8, %div3A_10 : vector<1x16384xf32>
    %add3A = arith.constant 9.99999974E-6 : f32
    %add3A_12 = vector.broadcast %add3A : f32 to vector<1x16384xf32>
    %add3A_13 = arith.addf %div3A_11, %add3A_12 : vector<1x16384xf32>
    %rsqrt3A = math.rsqrt %add3A_13 : vector<1x16384xf32>
    %mul3A_14 = vector.broadcast %rsqrt3A : vector<1x16384xf32> to vector<32x16384xf32>
    %mul3A_15 = arith.mulf %sub3A_5, %mul3A_14 : vector<32x16384xf32>
    %get3A_16 = arith.constant 0 : index
    %get3A_17 = arith.constant 0 : index
    %get3A_18 = vector.load %arg2[%get3A_16, %get3A_17] : memref<32x1xf32, #tpu.memory_space<vmem>>, vector<32x1xf32>
    %mul3A_19 = vector.broadcast %get3A_18 : vector<32x1xf32> to vector<32x16384xf32>
    %mul3A_20 = arith.mulf %mul3A_15, %mul3A_19 : vector<32x16384xf32>
    %get3A_21 = arith.constant 0 : index
    %get3A_22 = arith.constant 0 : index
    %get3A_23 = vector.load %arg3[%get3A_21, %get3A_22] : memref<32x1xf32, #tpu.memory_space<vmem>>, vector<32x1xf32>
    %add3A_24 = vector.broadcast %get3A_23 : vector<32x1xf32> to vector<32x16384xf32>
    %add3A_25 = arith.addf %mul3A_20, %add3A_24 : vector<32x16384xf32>
    %transpose3A = tpu.transpose %add3A_25, [1, 0] : vector<32x16384xf32> -> vector<16384x32xf32>
    %slice3A = vector.extract_strided_slice %transpose3A {offsets = [0, 0], sizes = [4096, 32], strides = [1, 1]} : vector<16384x32xf32> to vector<4096x32xf32>
    %slice3A_26 = vector.extract_strided_slice %transpose3A {offsets = [4096, 0], sizes = [4096, 32], strides = [1, 1]} : vector<16384x32xf32> to vector<4096x32xf32>
    %slice3A_27 = vector.extract_strided_slice %transpose3A {offsets = [8192, 0], sizes = [4096, 32], strides = [1, 1]} : vector<16384x32xf32> to vector<4096x32xf32>
    %slice3A_28 = vector.extract_strided_slice %transpose3A {offsets = [12288, 0], sizes = [4096, 32], strides = [1, 1]} : vector<16384x32xf32> to vector<4096x32xf32>
    %concatenate3A = tpu.concatenate %slice3A, %slice3A_26, %slice3A_27, %slice3A_28 in 1 : vector<4096x32xf32>, vector<4096x32xf32>, vector<4096x32xf32>, vector<4096x32xf32> -> vector<4096x128xf32>
    %swap3A = arith.constant 0 : index
    %swap3A_29 = arith.constant 0 : index
    %swap3A_30 = vector.load %arg4[%swap3A, %swap3A_29] : memref<4096x128xf32, #tpu.memory_space<vmem>>, vector<4096x128xf32>
    tpu.vector_store %arg4[%swap3A, %swap3A_29], %concatenate3A {strides = array<i32>} : memref<4096x128xf32, #tpu.memory_space<vmem>>, vector<4096x128xf32>,
    return
  }
  func.func @transform_0(%arg0: i32) -> (i32, i32) {
    %c0_i32 = arith.constant 0 : i32
    %c0_i32_0 = arith.constant 0 : i32
    return %c0_i32, %arg0 : i32, i32
  }
  func.func @transform_1(%arg0: i32) -> (i32, i32) {
    %c0_i32 = arith.constant 0 : i32
    %c0_i32_0 = arith.constant 0 : i32
    %c0_i32_1 = arith.constant 0 : i32
    return %c0_i32, %c0_i32_0 : i32, i32
  }
  func.func @transform_2(%arg0: i32) -> (i32, i32) {
    %c0_i32 = arith.constant 0 : i32
    %c0_i32_0 = arith.constant 0 : i32
    %c0_i32_1 = arith.constant 0 : i32
    return %c0_i32, %c0_i32_0 : i32, i32
  }
  func.func @transform_3(%arg0: i32) -> (i32, i32) {
    %c0_i32 = arith.constant 0 : i32
    %c0_i32_0 = arith.constant 0 : i32
    return %arg0, %c0_i32 : i32, i32
  }
}

</mosaic_0001>

<sc_bundles>
// kernel: kernel.4.cloned.1.call-start
scs
__scs_entry_jumppad:
0x0: {  	(pc) =	sbr.rel $0x88, $3  }
0x1: {  	(tag) =	ssettag $0x0;
	lr =	simm.s32 $0x1  }
0x2: {  	[smem:$0x3F9D] =	sst lr;
	_ =	strace $0xD0000000  }
0x3: {  	_ = 	snop  }
0x4: {  	_ = 	snop  }
0x5: {  	_ = 	snop  }
0x6: {  	_ = 	snop  }
0x7: {  	_ = 	snop  }
__scs_overlays_trampoline_lowered:
0x8: {  	[smem:$0x3FAC] =	sst s0  }
0x9: {  	[smem:$0x3FAD] =	sst s1  }
0xa: {  	[smem:$0x3FAE] =	sst s2  }
0xb: {  	[smem:$0x3FAF] =	sst s3  }
0xc: {  	[smem:$0x3FB0] =	sst s4  }
0xd: {  	[smem:$0x3FB1] =	sst s5  }
0xe: {  	[smem:$0x3FB2] =	sst s6  }
0xf: {  	[smem:$0x3FB3] =	sst s7  }
0x10: {  	[smem:$0x3FB4] =	sst s8  }
0x11: {  	[smem:$0x3FB5] =	sst s9;
	s0 =	simm.s32 @!p0 $0x0  }
0x12: {  	s1 =	sld [smem:$0x3F9B];
	s0 =	simm.s32 @p0 $0x1  }
0x13: {  	[smem:$0x3FB6] =	sst s0;
	s0 =	simm.s32 @!p1 $0x0  }
0x14: {  	s2 =	sld [smem:$0x3F9A];
	s0 =	simm.s32 @p1 $0x1  }
0x15: {  	[smem:$0x3FB7] =	sst s0;
	s0 =	simm.s32 @!p2 $0x0  }
0x16: {  	s3 =	sld [smem:$0x3FDB];
	s0 =	simm.s32 @p2 $0x1  }
0x17: {  	s4 =	simm.s32 $0x1BF5;
	[smem:$0x3FB9] =	sst s0  }
0x18: {  	s0 =	sld [smem:$0x3F9C];
	_ =	swait.ge [sflag:s4], $0x0  }
0x19: {  	s7 =	sld [smem:$0x3F9D]  }
0x1a: {  	s8 =	sadd.s32 $0xFFFFE003, lr  }
0x1b: {  	s9 =	sadd.s32 $0xFFFFFEF7, lr;
	s5 =	simm.s32 $0xFFFFFFFF;
	p2 =	slt.u32 s8, $0xFFFFF086  }
0x1c: {  	p1 =	slt.u32 s9, $0xF7A;
	s5 =	simm.s32 @!p2 $0x0  }
0x1d: {  	s5 =	simm.s32 @p1 $0x1;
	p0 =	seq.s32 s7, s2  }
0x1e: {  	s7 =	smul.u32 @!p0 $0xF7A, s2;
	p2 =	seq.s32 @!p0 s5, $0x0  }
0x1f: {  	s9 =	smul.u32 $0xF7A, s1;
	s8 =	simm.s32 @!p0 $0x1BF5;
	p2 =	por !p2, p0  }
0x20: {  	[sflag:s8] =	ssyncset.s32 @!p0 $0xFFFFF086;
	s6 =	sadd.s32 @!p0 s3, s7;
	s7 =	simm.s32 @!p0 $0x108  }
0x21: {  	s3 =	sadd.s32 s3, s9;
	s6 =	sadd.s32 @!p0 $0x88, s6;
	s7 =	simm.s32 @p2 $0x1082  }
0x22: {  	[simem:s7], [sflag:s8] =	dma.local @!p0 [hbm:s6], $0xF7A  }
0x23: {  	s9 =	sor.u32 $0xD0000000, s2;
	s6 =	simm.s32 $0x108;
	_ =	swait.ge @!p0 [sflag:s8], $0x0  }
0x24: {  	s3 =	sadd.s32 $0x88, s3;
	s6 =	simm.s32 @!p1 $0x1082;
	[sflag:s4] =	ssyncset.s32 $0xFFFFF086  }
0x25: {  	[simem:s6], [sflag:s4] =	dma.local [hbm:s3], $0xF7A  }
0x26: {  	[smem:$0x3F9D] =	sst s1;
	(tag) =	ssettag s2;
	_ =	strace s9  }
0x27: {  	s1 =	sld [smem:$0x3FAD]  }
0x28: {  	s2 =	sld [smem:$0x3FAE]  }
0x29: {  	s4 =	sld [smem:$0x3FB0]  }
0x2a: {  	p0 =	seq.s32 s5, $0x0;
	s5 =	sld [smem:$0x3FB1]  }
0x2b: {  	s6 =	sld [smem:$0x3FB2]  }
0x2c: {  	s7 =	sld [smem:$0x3FB3]  }
0x2d: {  	s3 =	simm.s32 $0x108;
	s8 =	sld [smem:$0x3FB4]  }
0x2e: {  	s3 =	simm.s32 @!p0 $0x1082;
	s9 =	sld [smem:$0x3FB5]  }
0x2f: {  	lr =	sadd.s32 s0, s3;
	s0 =	sld [smem:$0x3FAC]  }
0x30: {  	s3 =	sld [smem:$0x3FAF]  }
0x31: {  	[smem:$0x3FB8] =	sst s10  }
0x32: {  	s10 =	sld [smem:$0x3FB6];
	_ =	sdelay $0x3  }
0x33: {  	p0 =	seq.s32 s10, $0x1;
	s10 =	sld [smem:$0x3FB8];
	_ =	sdelay $0x3  }
0x34: {  	[smem:$0x3FB8] =	sst s10  }
0x35: {  	s10 =	sld [smem:$0x3FB7];
	_ =	sdelay $0x3  }
0x36: {  	p1 =	seq.s32 s10, $0x1;
	s10 =	sld [smem:$0x3FB8];
	_ =	sdelay $0x3  }
0x37: {  	[smem:$0x3FB8] =	sst s10  }
0x38: {  	s10 =	sld [smem:$0x3FB9]  }
0x39: {  	_ = 	snop;
	(pc) =	sbr.ind lr, $3  }
0x3a: {  	_ = 	snop  }
0x3b: {  	_ = 	snop  }
0x3c: {  	p2 =	seq.s32 s10, $0x1;
	s10 =	sld [smem:$0x3FB8]  }
0x3d: {  	_ =	shalt  }
0x3e: {  	_ =	shalt  }
0x3f: {  	_ =	shalt  }
0x40: {  	_ =	shalt  }
0x41: {  	_ =	shalt  }
0x42: {  	_ =	shalt  }
0x43: {  	_ =	shalt  }
0x44: {  	_ =	shalt  }
0x45: {  	_ =	shalt  }
0x46: {  	_ =	shalt  }
0x47: {  	_ =	shalt  }
0x48: {  	_ =	shalt  }
0x49: {  	_ =	shalt  }
0x4a: {  	_ =	shalt  }
0x4b: {  	_ =	shalt  }
0x4c: {  	_ =	shalt  }
0x4d: {  	_ =	shalt  }
0x4e: {  	_ =	shalt  }
0x4f: {  	_ =	shalt  }
0x50: {  	_ =	shalt  }
0x51: {  	_ =	shalt  }
0x52: {  	_ =	shalt  }
0x53: {  	_ =	shalt  }
0x54: {  	_ =	shalt  }
0x55: {  	_ =	shalt  }
0x56: {  	_ =	shalt  }
0x57: {  	_ =	shalt  }
0x58: {  	_ =	shalt  }
0x59: {  	_ =	shalt  }
0x5a: {  	_ =	shalt  }
0x5b: {  	_ =	shalt  }
0x5c: {  	_ =	shalt  }
0x5d: {  	_ =	shalt  }
0x5e: {  	_ =	shalt  }
0x5f: {  	_ =	shalt  }
0x60: {  	_ =	shalt  }
0x61: {  	_ =	shalt  }
0x62: {  	_ =	shalt  }
0x63: {  	_ =	shalt  }
0x64: {  	_ =	shalt  }
0x65: {  	_ =	shalt  }
0x66: {  	_ =	shalt  }
0x67: {  	_ =	shalt  }
0x68: {  	_ =	shalt  }
0x69: {  	_ =	shalt  }
0x6a: {  	_ =	shalt  }
0x6b: {  	_ =	shalt  }
0x6c: {  	_ =	shalt  }
0x6d: {  	_ =	shalt  }
0x6e: {  	_ =	shalt  }
0x6f: {  	_ =	shalt  }
0x70: {  	_ =	shalt  }
0x71: {  	_ =	shalt  }
0x72: {  	_ =	shalt  }
0x73: {  	_ =	shalt  }
0x74: {  	_ =	shalt  }
0x75: {  	_ =	shalt  }
0x76: {  	_ =	shalt  }
0x77: {  	_ =	shalt  }
0x78: {  	_ =	shalt  }
0x79: {  	_ =	shalt  }
0x7a: {  	_ =	shalt  }
0x7b: {  	_ =	shalt  }
0x7c: {  	_ =	shalt  }
0x7d: {  	_ =	shalt  }
0x7e: {  	_ =	shalt  }
0x7f: {  	_ =	shalt  }
0x80: {  	_ =	shalt  }
0x81: {  	_ =	shalt  }
0x82: {  	_ =	shalt  }
0x83: {  	_ =	shalt  }
0x84: {  	_ =	shalt  }
0x85: {  	_ =	shalt  }
0x86: {  	_ =	shalt  }
0x87: {  	_ =	shalt  }
.Lfunc_end0:
.L_simem_size_0:
called_computation_lowered:
.L_overlay_start_0:
0x88: {  	s2 =	sld [smem:$0x3FD9]  }
0x89: {  	s3 =	sld [smem:$0x3FFE];
	_ =	sdelay $0x1  }
0x8a: {  	s1 =	srdreg.scid  }
0x8b: {  	s0 =	sand.u32 $0x1, s1  }
0x8c: {  	s17 =	sshll.u32 s0, $0xA;
	s2 =	sadd.s32 s3, s2  }
0x8d: {  	s2 =	sadd.s32 s2, s17  }
0x8e: {  	[smem:$0x3FC4] =	sst s2  }
0x8f: {  	_ = 	snop  }
0x90: {  	s2 =	sld [smem:$0x3FD0];
	(tm) =	ssettm $0x1  }
0x91: {  	s18 =	sld [smem:$0x3FFB];
	_ =	sdelay $0x3  }
0x92: {  	_ =	strace s18  }
0x93: {  	s3 =	sld [smem:$0x3FFC];
	_ =	sdelay $0x3  }
0x94: {  	_ =	strace s3  }
0x95: {  	s3 =	sld [smem:$0x3FFD];
	_ =	sdelay $0x3  }
0x96: {  	_ =	strace s3  }
0x97: {  	_ =	strace $0x8FFFFFFF  }
0x98: {  	s19 =	sld [smem:$0x3FDB];
	_ =	sdelay $0x1  }
0x99: {  	s4 =	simm.s32 $_scs_section_size  }
0x9a: {  	s5 =	simm.s32 $_size__tile_overlayer_lowered;
	s6 =	simm.s32 $_tile_overlayer_lowered  }
0x9b: {  	s22 =	simm.s32 $0x1BFF;
	s21 =	sshll.u32 s6, $0x1;
	s3 =	sadd.s32 s4, s19  }
0x9c: {  	s7 =	simm.s32 $0x0;
	s20 =	sshll.u32 s5, $0x1;
	s5 =	sadd.s32 s21, s3  }
0x9d: {  	[timem:s7], [sflag:s22] =	dma.local [hbm:s5], s20  }
0x9e: {  	_ =	swait.ge [sflag:s22], s20  }
0x9f: {  	s4 =	ssub.s32 $0x0, s20;
	[sflag:s22] =	ssyncset.done $0x0  }
0xa0: {  	[sflag:s22] =	ssyncadd.s32 s4;
	_ =	sdelay $0x1  }
0xa1: {  	s23 =	simm.s32 $0x1B8B  }
0xa2: {  	_ =	swait.ge [sflag:s23], $0x1  }
0xa3: {  	[sflag:s23] =	ssyncset.done $0x0  }
0xa4: {  	s25 =	simm.s32 $0x1B8E;
	s24 =	sld [smem:$0x3FFE];
	[sflag:s23] =	ssyncadd.s32 $0xFFFFFFFF  }
0xa5: {  	s26 =	simm.s32 $execute0_lowered;
	[smem:$0x3FD2] =	sst s25  }
0xa6: {  	s5 =	sshll.u32 s26, $0x1;
	_ =	strace $0x80000046;
	[dreg:$0x1] =	wrdreg $0xFFFFFFFF  }
0xa7: {  	s28 =	simm.s32 $_size_execute0_lowered;
	s3 =	sadd.s32 s3, s5;
	[dreg:$0x0] =	wrdreg $0x0  }
0xa8: {  	s5 =	sshll.u32 s28, $0x1;
	[dreg:$0x2] =	wrdreg s3  }
0xa9: {  	[dreg:$0x3] =	wrdreg s5  }
0xaa: {  	[dreg:$0x4] =	wrdreg $0xC0  }
0xab: {  	_ =	task [dreg:s7], $0x5FFFF  }
0xac: {  	[dreg:$0x1] =	wrdreg $0xFFFFFFFF  }
0xad: {  	[dreg:$0x0] =	wrdreg $0x60  }
0xae: {  	[dreg:$0x2] =	wrdreg s24  }
0xaf: {  	[dreg:$0x3] =	wrdreg s2  }
0xb0: {  	[dreg:$0x4] =	wrdreg $0x9  }
0xb1: {  	_ =	task.clear_ibuf [dreg:s7], $0x5FFFF;
	_ =	strace $0x90000046  }
0xb2: {  	s29 =	simm.s32 $0x9;
	_ =	strace $0x80000048  }
0xb3: {  	_ =	swait.ge [sflag:s29], $0x1  }
0xb4: {  	[sflag:s29] =	ssyncadd.s32 $0xFFFFFFFF  }
0xb5: {  	_ =	strace $0x90000048  }
0xb6: {  	_ =	sfence  }
0xb7: {  	s30 =	sld [smem:$0x0];
	_ =	sdelay $0x2  }
0xb8: {  	s31 =	sshll.u32 s1, $0xD;
	s1 =	sshrl.u32 s1, $0x2  }
0xb9: {  	s3 =	sand.u32 $0x4000, s31;
	s1 =	sadd.s32 s1, s30  }
0xba: {  	s0 =	sor.u32 s3, s0;
	s1 =	sshll.u32 s1, $0x11  }
0xbb: {  	s0 =	sor.u32 s1, s0  }
0xbc: {  	s0 =	sadd.s32 $0x8F2B, s0  }
0xbd: {  	[sflag:s0] =	ssyncadd.remote.s32 $0x1  }
0xbe: {  	_ =	sfence.sel $0xFFFF  }
0xbf: {  	[dreg:$0x0] =	wrdreg $0xFFFFFFFF;
	(pc) =	sbr.abs _section_cstart, $3  }
0xc0: {  	[dreg:$0x1] =	wrdreg $0xFFFFFFFF  }
0xc1: {  	_ =	task.clear_ibuf [dreg:s7], $0x2FFFF;
	_ =	strace $0x9FFFFFFF  }
0xc2: {  	(tm) =	ssettm $0x7FFFFFFF  }
0xc3: {  	_ =	shalt  }
tec
execute0_lowered:
.L_overlay_start_1:
0x0: {  	(tag) =	ssettag $0x1  }
0x1: {  	v0 =	vimm.s32 $0x787;
	vm14 =	vcmask $0x300;
	vm13 =	vcmask $0x704  }
0x2: {  	vm12 =	vcmask $0xB08;
	vm11 =	vcmask $0xF0C;
	vm10 =	vcmask $0x1310  }
0x3: {  	vm9 =	vcmask $0x1714;
	vm8 =	vcmask $0x1B18;
	vm7 =	vcmask $0x1F1C  }
0x4: {  	vm6 =	vcmask $0x2320;
	vm5 =	vcmask $0x2724;
	vm2 =	vcmask $0x2B28  }
0x5: {  	v2 =	vimm.s32 $0x780;
	vm1 =	vcmask $0x2F2C;
	vm0 =	vcmask $0x3330  }
0x6: {  	v3 =	vimm.s32 $0xFEDCBA9;
	v4 =	vimm.s32 $0x87654321;
	vm3 =	vcmask $0x3734  }
0x7: {  	vm4 =	vcmask $0x3B38;
	v6 =	vimm.s32 $0x98765432;
	v8 =	vimm.s32 $0xA9876543  }
0x8: {  	v11 =	vimm.s32 $0x784;
	v14 =	vimm.s32 $0xDCBA9876;
	v17 =	vimm.s32 $0xEDCBA987  }
0x9: {  	v30 =	vimm.s32 $0x76543210;
	v61 =	vimm.s32 $0xF80;
	v0 =	vsel vm14, $0x0, v0  }
0xa: {  	v2 =	vsel vm14, $0x1, v2;
	v3 =	vunpack.c.l.s4.s8 v3;
	v4 =	vunpack.c.l.s4.s8 v4  }
0xb: {  	v6 =	vunpack.c.l.s4.s8 v6;
	v8 =	vunpack.c.l.s4.s8 v8;
	v11 =	vsel vm14, $0x5, v11  }
0xc: {  	v14 =	vunpack.c.l.s4.s8 v14;
	v17 =	vunpack.c.l.s4.s8 v17;
	v0 =	vsel vm13, $0x81, v0  }
0xd: {  	v30 =	vunpack.c.l.s4.s8 v30;
	v2 =	vsel vm13, $0x82, v2;
	v0 =	vsel vm12, $0x102, v0  }
0xe: {  	v2 =	vsel vm12, $0x103, v2;
	v16 =	vunpack.c.0.s8.s32 v4;
	v19 =	vunpack.c.0.s8.s32 v6  }
0xf: {  	v21 =	vunpack.c.0.s8.s32 v8;
	v27 =	vunpack.c.0.s8.s32 v14;
	v0 =	vsel vm11, $0x183, v0  }
0x10: {  	v29 =	vunpack.c.0.s8.s32 v17;
	v2 =	vsel vm11, $0x184, v2;
	v0 =	vsel vm10, $0x204, v0  }
0x11: {  	v5 =	vsel vm10, $0x205, v2;
	v2 =	vunpack.c.0.s8.s32 v3;
	v0 =	vsel vm9, $0x285, v0  }
0x12: {  	v3 =	vsel vm9, $0x286, v5;
	v5 =	vimm.s32 $0x781;
	v0 =	vsel vm8, $0x306, v0  }
0x13: {  	v3 =	vsel vm8, $0x307, v3;
	v4 =	vcombine.low v16, v2;
	v5 =	vsel vm14, $0x2, v5  }
0x14: {  	v2 =	vcombine.low v2, v16;
	v1 =	vsel vm7, $0x387, v0;
	v0 =	vlaneseq.u32  }
0x15: {  	v3 =	vsel vm7, $0x380, v3;
	v35 =	vand.u32 $0xF, v4;
	v4 =	vsel vm13, $0x83, v5  }
0x16: {  	v1 =	vsel vm6, $0x400, v1;
	v5 =	vimm.s32 $0x10FEDCBA;
	v4 =	vsel vm12, $0x104, v4  }
0x17: {  	v3 =	vsel vm6, $0x401, v3;
	v5 =	vunpack.c.l.s4.s8 v5;
	v4 =	vsel vm11, $0x185, v4  }
0x18: {  	v1 =	vsel vm5, $0x481, v1;
	v3 =	vsel vm5, $0x482, v3;
	v4 =	vsel vm10, $0x206, v4  }
0x19: {  	v18 =	vunpack.c.0.s8.s32 v5;
	v5 =	vimm.s32 $0x782;
	v4 =	vsel vm9, $0x287, v4  }
0x1a: {  	v1 =	vsel vm2, $0x502, v1;
	v5 =	vsel vm14, $0x3, v5;
	v4 =	vsel vm8, $0x300, v4  }
0x1b: {  	v6 =	vcombine.low v19, v18;
	v5 =	vsel vm13, $0x84, v5;
	v4 =	vsel vm7, $0x381, v4  }
0x1c: {  	v3 =	vsel vm2, $0x503, v3;
	v5 =	vsel vm12, $0x105, v5;
	v4 =	vsel vm6, $0x402, v4  }
0x1d: {  	v39 =	vand.u32 $0xF, v6;
	v5 =	vsel vm11, $0x186, v5;
	v7 =	vsel vm5, $0x483, v4  }
0x1e: {  	v5 =	vsel vm10, $0x207, v5;
	v6 =	vsel vm2, $0x504, v7;
	v7 =	vimm.s32 $0x210FEDCB  }
0x1f: {  	v1 =	vsel vm1, $0x583, v1;
	v5 =	vsel vm9, $0x280, v5;
	v7 =	vunpack.c.l.s4.s8 v7  }
0x20: {  	v3 =	vsel vm1, $0x584, v3;
	v1 =	vsel vm0, $0x604, v1;
	v5 =	vsel vm8, $0x301, v5  }
0x21: {  	v5 =	vsel vm7, $0x382, v5;
	v33 =	vunpack.c.0.s8.s32 v7;
	v7 =	vimm.s32 $0x783  }
0x22: {  	v3 =	vsel vm0, $0x605, v3;
	v5 =	vsel vm6, $0x403, v5;
	v7 =	vsel vm14, $0x4, v7  }
0x23: {  	v1 =	vsel vm3, $0x685, v1;
	v5 =	vsel vm5, $0x484, v5;
	v7 =	vsel vm13, $0x85, v7  }
0x24: {  	v8 =	vcombine.low v21, v33;
	v9 =	vsel vm2, $0x505, v5;
	v7 =	vsel vm12, $0x106, v7  }
0x25: {  	v6 =	vsel vm1, $0x585, v6;
	v9 =	vsel vm1, $0x586, v9;
	v7 =	vsel vm11, $0x187, v7  }
0x26: {  	v41 =	vand.u32 $0xF, v8;
	v8 =	vsel vm0, $0x607, v9;
	v7 =	vsel vm10, $0x200, v7  }
0x27: {  	v9 =	vimm.s32 $0x3210FEDC;
	v8 =	vsel vm3, $0x680, v8;
	v10 =	vsel vm9, $0x281, v7  }
0x28: {  	v7 =	vsel vm4, $0x701, v8;
	v8 =	vunpack.c.l.s4.s8 v9;
	v9 =	vsel vm8, $0x302, v10  }
0x29: {  	v6 =	vsel vm0, $0x606, v6;
	v10 =	vimm.s32 $0xBA987654;
	v9 =	vsel vm7, $0x383, v9  }
0x2a: {  	v6 =	vsel vm3, $0x687, v6;
	v10 =	vunpack.c.l.s4.s8 v10;
	v9 =	vsel vm6, $0x404, v9  }
0x2b: {  	v5 =	vsel vm4, $0x700, v6;
	v22 =	vunpack.c.0.s8.s32 v8;
	v8 =	vsel vm5, $0x485, v9  }
0x2c: {  	v9 =	vsel vm13, $0x86, v11;
	v6 =	vunpack.c.0.s8.s32 v10;
	v10 =	vimm.s32 $0x43210FED  }
0x2d: {  	v11 =	vimm.s32 $0xCBA98765;
	v8 =	vsel vm2, $0x506, v8;
	v9 =	vsel vm12, $0x107, v9  }
0x2e: {  	v10 =	vunpack.c.l.s4.s8 v10;
	v11 =	vunpack.c.l.s4.s8 v11;
	v9 =	vsel vm11, $0x180, v9  }
0x2f: {  	v3 =	vsel vm3, $0x686, v3;
	v13 =	vsel vm1, $0x587, v8;
	v9 =	vsel vm10, $0x201, v9  }
0x30: {  	v24 =	vunpack.c.0.s8.s32 v10;
	v25 =	vunpack.c.0.s8.s32 v11;
	v8 =	vsel vm9, $0x282, v9  }
0x31: {  	v18 =	vcombine.low v18, v19;
	v12 =	vcombine.low v6, v22;
	v9 =	vsel vm8, $0x303, v8  }
0x32: {  	v1 =	vsel vm4, $0x706, v1;
	v11 =	vcombine.low v25, v24;
	v9 =	vsel vm7, $0x384, v9  }
0x33: {  	v10 =	vsel vm0, $0x600, v13;
	v43 =	vand.u32 $0xF, v12;
	v12 =	vsel vm6, $0x405, v9  }
0x34: {  	v13 =	vimm.s32 $0x785;
	v20 =	vand.u32 $0xF, v11;
	v12 =	vsel vm5, $0x486, v12  }
0x35: {  	v11 =	vsel vm2, $0x507, v12;
	v12 =	vsel vm14, $0x6, v13;
	v13 =	vimm.s32 $0x543210FE  }
0x36: {  	v3 =	vsel vm4, $0x707, v3;
	v10 =	vsel vm3, $0x681, v10;
	v13 =	vunpack.c.l.s4.s8 v13  }
0x37: {  	v9 =	vsel vm4, $0x702, v10;
	v10 =	vcombine.low v33, v21;
	v12 =	vsel vm13, $0x87, v12  }
0x38: {  	v12 =	vsel vm12, $0x100, v12;
	v26 =	vunpack.c.0.s8.s32 v13;
	v13 =	vimm.s32 $0x786  }
0x39: {  	v4 =	vand.u32 $0xF, v18;
	v12 =	vsel vm11, $0x181, v12;
	v13 =	vsel vm14, $0x7, v13  }
0x3a: {  	v23 =	vand.u32 $0xF, v10;
	v12 =	vsel vm10, $0x202, v12;
	v13 =	vsel vm13, $0x80, v13  }
0x3b: {  	v11 =	vsel vm1, $0x580, v11;
	v12 =	vsel vm9, $0x283, v12;
	v13 =	vsel vm12, $0x101, v13  }
0x3c: {  	v14 =	vcombine.low v27, v26;
	v12 =	vsel vm8, $0x304, v12;
	v13 =	vsel vm11, $0x182, v13  }
0x3d: {  	v11 =	vsel vm0, $0x601, v11;
	v12 =	vsel vm7, $0x385, v12;
	v13 =	vsel vm10, $0x203, v13  }
0x3e: {  	v47 =	vand.u32 $0xF, v14;
	v15 =	vsel vm6, $0x406, v12;
	v13 =	vsel vm9, $0x284, v13  }
0x3f: {  	v14 =	vsel vm5, $0x487, v15;
	v15 =	vimm.s32 $0x6543210F;
	v13 =	vsel vm8, $0x305, v13  }
0x40: {  	v11 =	vsel vm3, $0x682, v11;
	v15 =	vunpack.c.l.s4.s8 v15;
	v13 =	vsel vm7, $0x386, v13  }
0x41: {  	v11 =	vsel vm4, $0x703, v11;
	v14 =	vsel vm2, $0x500, v14;
	v13 =	vsel vm6, $0x407, v13  }
0x42: {  	v28 =	vunpack.c.0.s8.s32 v15;
	v15 =	vimm.s32 $0xFEDCBA98;
	v13 =	vsel vm5, $0x480, v13  }
0x43: {  	v14 =	vsel vm1, $0x581, v14;
	v15 =	vunpack.c.l.s4.s8 v15;
	v13 =	vsel vm2, $0x501, v13  }
0x44: {  	v14 =	vsel vm0, $0x602, v14;
	v17 =	vcombine.low v29, v28;
	v13 =	vsel vm1, $0x582, v13  }
0x45: {  	v14 =	vsel vm3, $0x683, v14;
	v32 =	vunpack.c.0.s8.s32 v15;
	v31 =	vsel vm0, $0x603, v13  }
0x46: {  	v13 =	vsel vm4, $0x704, v14;
	v49 =	vand.u32 $0xF, v17;
	v17 =	vunpack.c.0.s8.s32 v30  }
0x47: {  	v15 =	vsel vm3, $0x684, v31;
	v30 =	vand.u32 $0xF, v32;
	v31 =	vimm.s32 $0xF87  }
0x48: {  	v15 =	vsel vm4, $0x705, v15;
	v51 =	vcombine.low v30, v17;
	v30 =	vsel vm14, $0x800, v31  }
0x49: {  	v31 =	vsel vm14, $0x801, v61;
	v17 =	vand.u32 $0xF, v2;
	v2 =	vsel vm13, $0x881, v30  }
0x4a: {  	v30 =	vsel vm13, $0x882, v31;
	v31 =	vimm.s32 $0xF86;
	v2 =	vsel vm12, $0x902, v2  }
0x4b: {  	v19 =	vsel vm12, $0x903, v30;
	v31 =	vsel vm14, $0x807, v31;
	v2 =	vsel vm11, $0x983, v2  }
0x4c: {  	v19 =	vsel vm11, $0x984, v19;
	v31 =	vsel vm13, $0x880, v31;
	v2 =	vsel vm10, $0xA04, v2  }
0x4d: {  	v21 =	vsel vm10, $0xA05, v19;
	v31 =	vsel vm12, $0x901, v31;
	v2 =	vsel vm9, $0xA85, v2  }
0x4e: {  	v10 =	vsel vm9, $0xA86, v21;
	v21 =	vcombine.low v22, v6;
	v22 =	vcombine.low v24, v25  }
0x4f: {  	v24 =	vcombine.low v28, v29;
	v28 =	vimm.s32 $0xF83;
	v2 =	vsel vm8, $0xB06, v2  }
0x50: {  	v31 =	vsel vm11, $0x982, v31;
	v10 =	vsel vm8, $0xB07, v10;
	v2 =	vsel vm7, $0xB87, v2  }
0x51: {  	v28 =	vsel vm14, $0x804, v28;
	v6 =	vsel vm7, $0xB80, v10;
	v2 =	vsel vm6, $0xC00, v2  }
0x52: {  	v31 =	vsel vm10, $0xA03, v31;
	v6 =	vsel vm6, $0xC01, v6;
	v2 =	vsel vm5, $0xC81, v2  }
0x53: {  	v12 =	vand.u32 $0xF, v22;
	v22 =	vsel vm5, $0xC82, v6;
	v2 =	vsel vm2, $0xD02, v2  }
0x54: {  	v6 =	vcombine.low v26, v27;
	v22 =	vsel vm2, $0xD03, v22;
	v2 =	vsel vm1, $0xD83, v2  }
0x55: {  	v27 =	vimm.s32 $0xF82;
	v25 =	vsel vm1, $0xD84, v22;
	v2 =	vsel vm0, $0xE04, v2  }
0x56: {  	v27 =	vsel vm14, $0x803, v27;
	v25 =	vsel vm0, $0xE05, v25;
	v2 =	vsel vm3, $0xE85, v2  }
0x57: {  	v26 =	vsel vm3, $0xE86, v25;
	v25 =	vsel vm4, $0xF06, v2;
	v2 =	vimm.s32 $0xF81  }
0x58: {  	v28 =	vsel vm13, $0x885, v28;
	v27 =	vsel vm13, $0x884, v27;
	v2 =	vsel vm14, $0x802, v2  }
0x59: {  	v28 =	vsel vm12, $0x906, v28;
	v27 =	vsel vm12, $0x905, v27;
	v2 =	vsel vm13, $0x883, v2  }
0x5a: {  	v28 =	vsel vm11, $0x987, v28;
	v27 =	vsel vm11, $0x986, v27;
	v2 =	vsel vm12, $0x904, v2  }
0x5b: {  	v28 =	vsel vm10, $0xA00, v28;
	v27 =	vsel vm10, $0xA07, v27;
	v2 =	vsel vm11, $0x985, v2  }
0x5c: {  	v28 =	vsel vm9, $0xA81, v28;
	v27 =	vsel vm9, $0xA80, v27;
	v2 =	vsel vm10, $0xA06, v2  }
0x5d: {  	v28 =	vsel vm8, $0xB02, v28;
	v27 =	vsel vm8, $0xB01, v27;
	v2 =	vsel vm9, $0xA87, v2  }
0x5e: {  	v28 =	vsel vm7, $0xB83, v28;
	v27 =	vsel vm7, $0xB82, v27;
	v2 =	vsel vm8, $0xB00, v2  }
0x5f: {  	v28 =	vsel vm6, $0xC04, v28;
	v27 =	vsel vm6, $0xC03, v27;
	v2 =	vsel vm7, $0xB81, v2  }
0x60: {  	v28 =	vsel vm5, $0xC85, v28;
	v27 =	vsel vm5, $0xC84, v27;
	v2 =	vsel vm6, $0xC02, v2  }
0x61: {  	v28 =	vsel vm2, $0xD06, v28;
	v27 =	vsel vm2, $0xD05, v27;
	v2 =	vsel vm5, $0xC83, v2  }
0x62: {  	v28 =	vsel vm1, $0xD87, v28;
	v27 =	vsel vm1, $0xD86, v27;
	v2 =	vsel vm2, $0xD04, v2  }
0x63: {  	v28 =	vsel vm0, $0xE00, v28;
	v27 =	vsel vm0, $0xE07, v27;
	v2 =	vsel vm1, $0xD85, v2  }
0x64: {  	s4 =	rddreg [dreg:$0x0];
	v30 =	vsel vm3, $0xE81, v28;
	v29 =	vsel vm3, $0xE80, v27;
	v2 =	vsel vm0, $0xE06, v2  }
0x65: {  	s1 =	rddreg [dreg:$0x1];
	s2 =	simm.s32 $0x0;
	v28 =	vsel vm4, $0xF01, v29;
	v29 =	vsel vm4, $0xF02, v30;
	v2 =	vsel vm3, $0xE87, v2  }
0x66: {  	[smem:$0x7FF] =	sst s2;
	v30 =	vimm.s32 $0xF85;
	v27 =	vsel vm4, $0xF00, v2;
	v2 =	vimm.s32 $0xF84  }
0x67: {  	s0 =	rddreg [dreg:$0x2];
	_ =	strace $0x80000047;
	[tilespmem:$0x1FFC0] =	vst v35;
	v21 =	vand.u32 $0xF, v21;
	v30 =	vsel vm14, $0x806, v30;
	v2 =	vsel vm14, $0x805, v2  }
0x68: {  	[tilespmem:$0x1FFD0] =	vst v39;
	v34 =	vand.u32 $0xF, v24;
	v30 =	vsel vm13, $0x887, v30;
	v2 =	vsel vm13, $0x886, v2  }
0x69: {  	[tilespmem:$0x1FF60] =	vst v4;
	v24 =	vor.u32 $0x10, v0;
	v30 =	vsel vm12, $0x900, v30;
	v2 =	vsel vm12, $0x907, v2  }
0x6a: {  	[tilespmem:$0x1FFE0] =	vst v41;
	v31 =	vsel vm9, $0xA84, v31;
	v30 =	vsel vm11, $0x981, v30;
	v2 =	vsel vm11, $0x980, v2  }
0x6b: {  	[tilespmem:$0x1FFF0] =	vst v43;
	v31 =	vsel vm8, $0xB05, v31;
	v30 =	vsel vm10, $0xA02, v30;
	v2 =	vsel vm10, $0xA01, v2  }
0x6c: {  	[tilespmem:$0x1FF10] =	vst v20;
	v31 =	vsel vm7, $0xB86, v31;
	v30 =	vsel vm9, $0xA83, v30;
	v2 =	vsel vm9, $0xA82, v2  }
0x6d: {  	s3 =	srdreg.scid;
	[tilespmem:$0x1FF70] =	vst v23;
	v31 =	vsel vm6, $0xC07, v31;
	v30 =	vsel vm8, $0xB04, v30;
	v2 =	vsel vm8, $0xB03, v2  }
0x6e: {  	s9 =	simm.s32 $0x4000;
	s10 =	simm.s32 $0x5;
	s11 =	simm.s32 $0x6400;
	[tilespmem:$0x1FF20] =	vst v47;
	v14 =	vand.u32 $0xF, v6;
	v30 =	vsel vm7, $0xB85, v30;
	v2 =	vsel vm7, $0xB84, v2  }
0x6f: {  	s12 =	simm.s32 $0x7400;
	s13 =	simm.s32 $0x1;
	s14 =	simm.s32 $0x8400;
	[tilespmem:$0x1FF30] =	vst v49;
	v31 =	vsel vm5, $0xC80, v31;
	v30 =	vsel vm6, $0xC06, v30;
	v2 =	vsel vm6, $0xC05, v2  }
0x70: {  	s15 =	simm.s32 $0x400;
	s16 =	simm.s32 $0x20000;
	s17 =	simm.s32 $0x2;
	[tilespmem:$0x1FF50] =	vst v17;
	v31 =	vsel vm2, $0xD01, v31;
	v30 =	vsel vm5, $0xC87, v30;
	v2 =	vsel vm5, $0xC86, v2  }
0x71: {  	s18 =	simm.s32 $0x4;
	s19 =	simm.s32 $0x9400;
	s6 =	sand.u32 $0x1, s3;
	[tilespmem:$0x1FF40] =	vst v51;
	v31 =	vsel vm1, $0xD82, v31;
	v30 =	vsel vm2, $0xD00, v30;
	v2 =	vsel vm2, $0xD07, v2  }
0x72: {  	s20 =	simm.s32 $0x3;
	s3 =	sadd.s32 $0x64400, s4;
	s7 =	ssub.s32 $0x2, s6;
	[tilespmem:$0x1FF80] =	vst v21;
	v26 =	vsel vm4, $0xF07, v26;
	v30 =	vsel vm1, $0xD81, v30;
	v2 =	vsel vm1, $0xD80, v2  }
0x73: {  	s5 =	sadd.s32 $0x400, s4;
	s4 =	stileid.u32;
	s8 =	sshrl.u32 s7, $0x1;
	[tilespmem:$0x1FF90] =	vst v12;
	v31 =	vsel vm0, $0xE03, v31;
	v30 =	vsel vm0, $0xE02, v30;
	v2 =	vsel vm0, $0xE01, v2  }
0x74: {  	s31 =	sshll.u32 s4, $0x3;
	s6 =	sshll.u32 s6, $0x2;
	s7 =	ssub.s32 s7, s8;
	[tilespmem:$0x1FFB0] =	vst v34;
	v63 =	vsel vm3, $0xE84, v31;
	v62 =	vsel vm3, $0xE83, v30;
	v2 =	vsel vm3, $0xE82, v2  }
0x75: {  	s6 =	sor.u32 s6, s31;
	s8 =	simm.s32 $0x80;
	s7 =	smax.u32 s7, $0x1;
	[tilespmem:$0x1FFA0] =	vst v14;
	v32 =	vsel vm4, $0xF05, v63;
	v31 =	vsel vm4, $0xF04, v62;
	v30 =	vsel vm4, $0xF03, v2  }
.LBB2_1:
0x76: {  	s21 =	simm.s32 $0x0  }
.LBB2_2:
0x77: {  	s23 =	sadd.s32 s6, s21  }
0x78: {  	s22 =	sshll.u32 s23, $0x4  }
0x79: {  	s24 =	sadd.s32 s5, s22;
	s22 =	simm.s32 $0x0  }
0x7a: {  	[tilespmem:s22], [sflag:$0x5] =	stream.strided.gather [hbm4b:s24+s8], $0x6400, s9, s8, $0x38;
	[tilespmem:$0xA400] =	vst v63  }
0x7b: {  	_ =	swait.ge [sflag:s10], $0x6400  }
0x7c: {  	[sflag:s10] =	ssyncset.done $0x0  }
0x7d: {  	s23 =	sshll.u32 s23, $0xA;
	s24 =	simm.s32 $0x0;
	[sflag:s10] =	ssyncadd.s32 $0xFFFF9C00  }
0x7e: {  	[tilespmem:s11], [sflag:$0x1] =	stream.indirect.gather [hbm4b:s3+s8], $0x20, s22, s8, $0xb8;
	[tilespmem:$0xA400] =	vst v63  }
.LBB2_3:
0x7f: {  	s25 =	sshllo.u32 s24, $0x1  }
0x80: {  	s26 =	sshll.u32 s25, $0x7  }
0x81: {  	s26 =	sand.u32 $0x3FFFFF80, s26  }
0x82: {  	v2 =	vor.u32 s22, v0;
	[tilespmem:s12], [sflag:$0x2] =	stream.indirect.gather [hbm4b:s3+s8], $0x20, s26, s8, $0xb8;
	[tilespmem:$0xA400] =	vst v63  }
0x83: {  	v22 =	vshll.u32 v2, $0x5;
	_ =	swait.ge [sflag:s13], $0x1000  }
0x84: {  	p0 =	seq.s32 s24, $0x0;
	v33 =	vor.u32 v0, v22;
	[sflag:s13] =	ssyncset.done $0x0  }
0x85: {  	s26 =	simm.s32 @!p0 $0x3;
	[sflag:s13] =	ssyncadd.s32 $0xFFFFF000  }
0x86: {  	_ =	swait.ge @!p0 [sflag:s26], $0x1000  }
0x87: {  	[sflag:s26] =	ssyncset.done @!p0 $0x0  }
0x88: {  	v62 =	vor.u32 s22, v35;
	v6 =	vand.u32 $0x78, v2;
	[sflag:s26] =	ssyncadd.s32 @!p0 $0xFFFFF000  }
0x89: {  	v37 =	vshll.u32 v62, $0x5;
	v36 =	vor.u32 v1, v6;
	v33 =	vld.idx.msk [tilespmem:v33+s11+$0x0], $0xffff  }
0x8a: {  	v38 =	vor.u32 v0, v37;
	_ =	sdelay $0x3  }
0x8b: {  	v63 =	vor.u32 s22, v39;
	v8 =	vand.u32 $0x78, v62;
	[tilespmem:v36+s14+$0x0] =	vst.idx.msk $0xffff, v33  }
0x8c: {  	v39 =	vshll.u32 v63, $0x5;
	v44 =	vor.u32 v3, v8;
	v36 =	vld.idx.msk [tilespmem:v38+s11+$0x0], $0xffff  }
0x8d: {  	v40 =	vor.u32 v0, v39;
	_ =	sdelay $0x3  }
0x8e: {  	v45 =	vor.u32 s22, v41;
	[tilespmem:v44+s14+$0x0] =	vst.idx.msk $0xffff, v36;
	v36 =	vand.u32 $0x78, v63  }
0x8f: {  	v41 =	vshll.u32 v45, $0x5;
	v38 =	vld.idx.msk [tilespmem:v40+s11+$0x0], $0xffff;
	v46 =	vor.u32 v5, v36  }
0x90: {  	v42 =	vor.u32 v0, v41;
	_ =	sdelay $0x3  }
0x91: {  	v48 =	vor.u32 s22, v43;
	[tilespmem:v46+s14+$0x0] =	vst.idx.msk $0xffff, v38;
	v38 =	vand.u32 $0x78, v45  }
0x92: {  	v16 =	vmov v43;
	v43 =	vshll.u32 v48, $0x5;
	v40 =	vld.idx.msk [tilespmem:v42+s11+$0x0], $0xffff;
	v50 =	vor.u32 v7, v38  }
0x93: {  	v44 =	vor.u32 v0, v43;
	_ =	sdelay $0x3  }
0x94: {  	v52 =	vor.u32 s22, v20;
	[tilespmem:v50+s14+$0x0] =	vst.idx.msk $0xffff, v40;
	v40 =	vand.u32 $0x78, v48  }
0x95: {  	v45 =	vshll.u32 v52, $0x5;
	v42 =	vld.idx.msk [tilespmem:v44+s11+$0x0], $0xffff;
	v53 =	vor.u32 v9, v40  }
0x96: {  	v46 =	vor.u32 v0, v45;
	_ =	sdelay $0x3  }
0x97: {  	v54 =	vor.u32 s22, v47;
	[tilespmem:v53+s14+$0x0] =	vst.idx.msk $0xffff, v42;
	v42 =	vand.u32 $0x78, v52  }
0x98: {  	v18 =	vmov v47;
	v47 =	vshll.u32 v54, $0x5;
	v44 =	vld.idx.msk [tilespmem:v46+s11+$0x0], $0xffff;
	v55 =	vor.u32 v11, v42  }
0x99: {  	v48 =	vor.u32 v0, v47;
	_ =	sdelay $0x3  }
0x9a: {  	v56 =	vor.u32 s22, v49;
	[tilespmem:v55+s14+$0x0] =	vst.idx.msk $0xffff, v44;
	v44 =	vand.u32 $0x78, v54  }
0x9b: {  	v19 =	vmov v49;
	v49 =	vshll.u32 v56, $0x5;
	v46 =	vld.idx.msk [tilespmem:v48+s11+$0x0], $0xffff;
	v57 =	vor.u32 v13, v44  }
0x9c: {  	v50 =	vor.u32 v0, v49;
	_ =	sdelay $0x3  }
0x9d: {  	v58 =	vor.u32 s22, v51;
	[tilespmem:v57+s14+$0x0] =	vst.idx.msk $0xffff, v46;
	v46 =	vand.u32 $0x78, v56  }
0x9e: {  	v10 =	vmovc v35;
	v35 =	vmovc v20;
	v20 =	vmov v51;
	v51 =	vshll.u32 v58, $0x5;
	v48 =	vld.idx.msk [tilespmem:v50+s11+$0x0], $0xffff;
	v59 =	vor.u32 v15, v46  }
0x9f: {  	v52 =	vor.u32 v0, v51;
	_ =	sdelay $0x3  }
0xa0: {  	v60 =	vor.u32 s22, v17;
	[tilespmem:v59+s14+$0x0] =	vst.idx.msk $0xffff, v48;
	v48 =	vand.u32 $0x78, v58  }
0xa1: {  	v53 =	vshll.u32 v60, $0x5;
	v50 =	vld.idx.msk [tilespmem:v52+s11+$0x0], $0xffff;
	v61 =	vor.u32 v1, v48  }
0xa2: {  	v54 =	vor.u32 v0, v53;
	_ =	sdelay $0x3  }
0xa3: {  	v62 =	vor.u32 s22, v4;
	[tilespmem:v61+s14+$0x0] =	vst.idx.msk $0xffff, v50;
	v50 =	vand.u32 $0x78, v60  }
0xa4: {  	v55 =	vshll.u32 v62, $0x5;
	v52 =	vld.idx.msk [tilespmem:v54+s11+$0x0], $0xffff;
	v63 =	vor.u32 v3, v50  }
0xa5: {  	v56 =	vor.u32 v0, v55;
	_ =	sdelay $0x3  }
0xa6: {  	v60 =	vor.u32 s22, v23;
	[tilespmem:v63+s14+$0x0] =	vst.idx.msk $0xffff, v52;
	v52 =	vand.u32 $0x78, v62  }
0xa7: {  	v57 =	vshll.u32 v60, $0x5;
	v54 =	vld.idx.msk [tilespmem:v56+s11+$0x0], $0xffff;
	v61 =	vor.u32 v5, v52  }
0xa8: {  	v58 =	vor.u32 v0, v57;
	_ =	sdelay $0x3  }
0xa9: {  	v33 =	vor.u32 s22, v21;
	[tilespmem:v61+s14+$0x0] =	vst.idx.msk $0xffff, v54;
	v54 =	vand.u32 $0x78, v60  }
0xaa: {  	v59 =	vshll.u32 v33, $0x5;
	v56 =	vld.idx.msk [tilespmem:v58+s11+$0x0], $0xffff;
	v58 =	vor.u32 v7, v54  }
0xab: {  	v60 =	vor.u32 v0, v59;
	_ =	sdelay $0x3  }
0xac: {  	[tilespmem:v58+s14+$0x0] =	vst.idx.msk $0xffff, v56;
	v56 =	vand.u32 $0x78, v33;
	v33 =	vor.u32 s22, v12  }
0xad: {  	v58 =	vld.idx.msk [tilespmem:v60+s11+$0x0], $0xffff;
	v60 =	vor.u32 v9, v56;
	v61 =	vshll.u32 v33, $0x5  }
0xae: {  	v62 =	vor.u32 v0, v61;
	_ =	sdelay $0x3  }
0xaf: {  	[tilespmem:v60+s14+$0x0] =	vst.idx.msk $0xffff, v58;
	v58 =	vand.u32 $0x78, v33;
	v33 =	vor.u32 s22, v14  }
0xb0: {  	v60 =	vld.idx.msk [tilespmem:v62+s11+$0x0], $0xffff;
	v62 =	vor.u32 v11, v58;
	v63 =	vshll.u32 v33, $0x5  }
0xb1: {  	v2 =	vor.u32 v0, v63;
	_ =	sdelay $0x3  }
0xb2: {  	[tilespmem:v62+s14+$0x0] =	vst.idx.msk $0xffff, v60;
	v60 =	vand.u32 $0x78, v33;
	v33 =	vor.u32 s22, v34  }
0xb3: {  	v17 =	vmov v35;
	v34 =	vld.idx.msk [tilespmem:v2+s11+$0x0], $0xffff;
	v62 =	vor.u32 v13, v60;
	v35 =	vshll.u32 v33, $0x5  }
0xb4: {  	v2 =	vor.u32 v0, v35;
	_ =	sdelay $0x3  }
0xb5: {  	v33 =	vand.u32 $0x78, v33;
	[tilespmem:v62+s14+$0x0] =	vst.idx.msk $0xffff, v34  }
0xb6: {  	v34 =	vor.u32 v15, v33;
	v2 =	vld.idx.msk [tilespmem:v2+s11+$0x0], $0xffff  }
0xb7: {  	v62 =	vor.u32 v24, v22;
	_ =	sdelay $0x3  }
0xb8: {  	[tilespmem:v34+s14+$0x0] =	vst.idx.msk $0xffff, v2  }
0xb9: {  	v2 =	vld.idx.msk [tilespmem:v62+s11+$0x0], $0xffff;
	v62 =	vor.u32 v25, v6  }
0xba: {  	v37 =	vor.u32 v24, v37;
	_ =	sdelay $0x3  }
0xbb: {  	[tilespmem:v62+s14+$0x0] =	vst.idx.msk $0xffff, v2  }
0xbc: {  	v34 =	vor.u32 v26, v8;
	v2 =	vld.idx.msk [tilespmem:v37+s11+$0x0], $0xffff  }
0xbd: {  	v62 =	vor.u32 v24, v39;
	_ =	sdelay $0x3  }
0xbe: {  	[tilespmem:v34+s14+$0x0] =	vst.idx.msk $0xffff, v2  }
0xbf: {  	v34 =	vor.u32 v27, v36;
	v2 =	vld.idx.msk [tilespmem:v62+s11+$0x0], $0xffff  }
0xc0: {  	v62 =	vor.u32 v24, v41;
	_ =	sdelay $0x3  }
0xc1: {  	[tilespmem:v34+s14+$0x0] =	vst.idx.msk $0xffff, v2  }
0xc2: {  	v41 =	vor.u32 v28, v38;
	v2 =	vld.idx.msk [tilespmem:v62+s11+$0x0], $0xffff  }
0xc3: {  	v62 =	vor.u32 v24, v43;
	_ =	sdelay $0x3  }
0xc4: {  	[tilespmem:v41+s14+$0x0] =	vst.idx.msk $0xffff, v2  }
0xc5: {  	v40 =	vor.u32 v29, v40;
	v2 =	vld.idx.msk [tilespmem:v62+s11+$0x0], $0xffff  }
0xc6: {  	v41 =	vor.u32 v24, v45;
	_ =	sdelay $0x3  }
0xc7: {  	[tilespmem:v40+s14+$0x0] =	vst.idx.msk $0xffff, v2  }
0xc8: {  	v42 =	vor.u32 v30, v42;
	v2 =	vld.idx.msk [tilespmem:v41+s11+$0x0], $0xffff  }
0xc9: {  	v43 =	vor.u32 v24, v47;
	_ =	sdelay $0x3  }
0xca: {  	[tilespmem:v42+s14+$0x0] =	vst.idx.msk $0xffff, v2  }
0xcb: {  	v44 =	vor.u32 v31, v44;
	v2 =	vld.idx.msk [tilespmem:v43+s11+$0x0], $0xffff  }
0xcc: {  	v45 =	vor.u32 v24, v49;
	_ =	sdelay $0x3  }
0xcd: {  	[tilespmem:v44+s14+$0x0] =	vst.idx.msk $0xffff, v2  }
0xce: {  	v46 =	vor.u32 v32, v46;
	v2 =	vld.idx.msk [tilespmem:v45+s11+$0x0], $0xffff  }
0xcf: {  	v47 =	vor.u32 v24, v51;
	_ =	sdelay $0x3  }
0xd0: {  	[tilespmem:v46+s14+$0x0] =	vst.idx.msk $0xffff, v2  }
0xd1: {  	v48 =	vor.u32 v25, v48;
	v2 =	vld.idx.msk [tilespmem:v47+s11+$0x0], $0xffff  }
0xd2: {  	v49 =	vor.u32 v24, v53;
	_ =	sdelay $0x3  }
0xd3: {  	[tilespmem:v48+s14+$0x0] =	vst.idx.msk $0xffff, v2  }
0xd4: {  	v50 =	vor.u32 v26, v50;
	v2 =	vld.idx.msk [tilespmem:v49+s11+$0x0], $0xffff  }
0xd5: {  	v51 =	vor.u32 v24, v55;
	_ =	sdelay $0x3  }
0xd6: {  	[tilespmem:v50+s14+$0x0] =	vst.idx.msk $0xffff, v2  }
0xd7: {  	v52 =	vor.u32 v27, v52;
	v2 =	vld.idx.msk [tilespmem:v51+s11+$0x0], $0xffff  }
0xd8: {  	v53 =	vor.u32 v24, v57;
	_ =	sdelay $0x3  }
0xd9: {  	[tilespmem:v52+s14+$0x0] =	vst.idx.msk $0xffff, v2  }
0xda: {  	v54 =	vor.u32 v28, v54;
	v2 =	vld.idx.msk [tilespmem:v53+s11+$0x0], $0xffff  }
0xdb: {  	v55 =	vor.u32 v24, v59;
	_ =	sdelay $0x3  }
0xdc: {  	[tilespmem:v54+s14+$0x0] =	vst.idx.msk $0xffff, v2  }
0xdd: {  	v57 =	vor.u32 v29, v56;
	v2 =	vld.idx.msk [tilespmem:v55+s11+$0x0], $0xffff  }
0xde: {  	v59 =	vor.u32 v24, v61;
	_ =	sdelay $0x3  }
0xdf: {  	[tilespmem:v57+s14+$0x0] =	vst.idx.msk $0xffff, v2  }
0xe0: {  	v61 =	vor.u32 v30, v58;
	v2 =	vld.idx.msk [tilespmem:v59+s11+$0x0], $0xffff  }
0xe1: {  	v62 =	vor.u32 v24, v63;
	_ =	sdelay $0x3  }
0xe2: {  	[tilespmem:v61+s14+$0x0] =	vst.idx.msk $0xffff, v2  }
0xe3: {  	v63 =	vor.u32 v31, v60;
	v2 =	vld.idx.msk [tilespmem:v62+s11+$0x0], $0xffff  }
0xe4: {  	v35 =	vor.u32 v24, v35;
	_ =	sdelay $0x2  }
0xe5: {  	v12 =	vld [tilespmem:$0x1FFD0]  }
0xe6: {  	s26 =	simm.s32 $0x10;
	v14 =	vld [tilespmem:$0x1FFE0];
	[tilespmem:v63+s14+$0x0] =	vst.idx.msk $0xffff, v2  }
0xe7: {  	s28 =	simm.s32 $0x20;
	v22 =	vmov v4;
	v2 =	vor.u32 s26, v0;
	v35 =	vld.idx.msk [tilespmem:v35+s11+$0x0], $0xffff  }
.LBB2_4:
0xe8: {  	v34 =	vshll.u32 v2, $0x5;
	v33 =	vor.u32 v32, v33  }
0xe9: {  	v36 =	vor.u32 v0, v34;
	_ =	sdelay $0x3  }
0xea: {  	[tilespmem:v33+s14+$0x0] =	vst.idx.msk $0xffff, v35;
	v35 =	vand.u32 $0x78, v2;
	v2 =	vor.u32 s26, v10  }
0xeb: {  	v33 =	vld.idx.msk [tilespmem:v36+s11+$0x0], $0xffff;
	v37 =	vor.u32 v1, v35;
	v36 =	vshll.u32 v2, $0x5  }
0xec: {  	v38 =	vor.u32 v0, v36;
	_ =	sdelay $0x3  }
0xed: {  	[tilespmem:v37+s14+$0x0] =	vst.idx.msk $0xffff, v33;
	v37 =	vand.u32 $0x78, v2;
	v2 =	vor.u32 s26, v12  }
0xee: {  	v33 =	vld.idx.msk [tilespmem:v38+s11+$0x0], $0xffff;
	v39 =	vor.u32 v3, v37;
	v38 =	vshll.u32 v2, $0x5  }
0xef: {  	v40 =	vor.u32 v0, v38;
	_ =	sdelay $0x3  }
0xf0: {  	[tilespmem:v39+s14+$0x0] =	vst.idx.msk $0xffff, v33;
	v39 =	vand.u32 $0x78, v2;
	v2 =	vor.u32 s26, v14  }
0xf1: {  	v33 =	vld.idx.msk [tilespmem:v40+s11+$0x0], $0xffff;
	v41 =	vor.u32 v5, v39;
	v40 =	vshll.u32 v2, $0x5  }
0xf2: {  	v42 =	vor.u32 v0, v40;
	_ =	sdelay $0x3  }
0xf3: {  	[tilespmem:v41+s14+$0x0] =	vst.idx.msk $0xffff, v33;
	v41 =	vand.u32 $0x78, v2;
	v2 =	vor.u32 s26, v16  }
0xf4: {  	v33 =	vld.idx.msk [tilespmem:v42+s11+$0x0], $0xffff;
	v43 =	vor.u32 v7, v41;
	v42 =	vshll.u32 v2, $0x5  }
0xf5: {  	v44 =	vor.u32 v0, v42;
	_ =	sdelay $0x3  }
0xf6: {  	[tilespmem:v43+s14+$0x0] =	vst.idx.msk $0xffff, v33;
	v43 =	vand.u32 $0x78, v2;
	v2 =	vor.u32 s26, v17  }
0xf7: {  	v33 =	vld.idx.msk [tilespmem:v44+s11+$0x0], $0xffff;
	v45 =	vor.u32 v9, v43;
	v44 =	vshll.u32 v2, $0x5  }
0xf8: {  	v46 =	vor.u32 v0, v44;
	_ =	sdelay $0x3  }
0xf9: {  	[tilespmem:v45+s14+$0x0] =	vst.idx.msk $0xffff, v33;
	v45 =	vand.u32 $0x78, v2;
	v2 =	vor.u32 s26, v18  }
0xfa: {  	v33 =	vld.idx.msk [tilespmem:v46+s11+$0x0], $0xffff;
	v47 =	vor.u32 v11, v45;
	v46 =	vshll.u32 v2, $0x5  }
0xfb: {  	v48 =	vor.u32 v0, v46;
	_ =	sdelay $0x3  }
0xfc: {  	[tilespmem:v47+s14+$0x0] =	vst.idx.msk $0xffff, v33;
	v47 =	vand.u32 $0x78, v2;
	v2 =	vor.u32 s26, v19  }
0xfd: {  	v33 =	vld.idx.msk [tilespmem:v48+s11+$0x0], $0xffff;
	v49 =	vor.u32 v13, v47;
	v48 =	vshll.u32 v2, $0x5  }
0xfe: {  	v50 =	vor.u32 v0, v48;
	_ =	sdelay $0x3  }
0xff: {  	[tilespmem:v49+s14+$0x0] =	vst.idx.msk $0xffff, v33;
	v49 =	vand.u32 $0x78, v2  }
0x100: {  	v33 =	vld.idx.msk [tilespmem:v50+s11+$0x0], $0xffff;
	v51 =	vor.u32 v15, v49;
	_ =	sdelay $0x3  }
0x101: {  	v2 =	vor.u32 s26, v20  }
0x102: {  	v50 =	vshll.u32 v2, $0x5;
	[tilespmem:v51+s14+$0x0] =	vst.idx.msk $0xffff, v33;
	v51 =	vand.u32 $0x78, v2;
	v2 =	vld [tilespmem:$0x1FF50]  }
0x103: {  	v52 =	vor.u32 v0, v50;
	_ =	sdelay $0x3  }
0x104: {  	v2 =	vor.u32 s26, v2  }
0x105: {  	v33 =	vld.idx.msk [tilespmem:v52+s11+$0x0], $0xffff;
	v53 =	vor.u32 v1, v51;
	v52 =	vshll.u32 v2, $0x5  }
0x106: {  	v54 =	vor.u32 v0, v52;
	_ =	sdelay $0x3  }
0x107: {  	[tilespmem:v53+s14+$0x0] =	vst.idx.msk $0xffff, v33;
	v53 =	vand.u32 $0x78, v2;
	v2 =	vor.u32 s26, v22  }
0x108: {  	v55 =	vor.u32 v3, v53;
	v33 =	vld.idx.msk [tilespmem:v54+s11+$0x0], $0xffff;
	v54 =	vshll.u32 v2, $0x5  }
0x109: {  	v56 =	vor.u32 v0, v54;
	_ =	sdelay $0x3  }
0x10a: {  	[tilespmem:v55+s14+$0x0] =	vst.idx.msk $0xffff, v33;
	v55 =	vand.u32 $0x78, v2;
	v2 =	vor.u32 s26, v23  }
0x10b: {  	v33 =	vld.idx.msk [tilespmem:v56+s11+$0x0], $0xffff;
	v57 =	vor.u32 v5, v55;
	v56 =	vshll.u32 v2, $0x5  }
0x10c: {  	v58 =	vor.u32 v0, v56;
	_ =	sdelay $0x3  }
0x10d: {  	[tilespmem:v57+s14+$0x0] =	vst.idx.msk $0xffff, v33;
	v57 =	vand.u32 $0x78, v2  }
0x10e: {  	v33 =	vld.idx.msk [tilespmem:v58+s11+$0x0], $0xffff;
	v59 =	vor.u32 v7, v57;
	_ =	sdelay $0x3  }
0x10f: {  	v2 =	vor.u32 s26, v21  }
0x110: {  	v58 =	vshll.u32 v2, $0x5;
	[tilespmem:v59+s14+$0x0] =	vst.idx.msk $0xffff, v33;
	v59 =	vand.u32 $0x78, v2;
	v2 =	vld [tilespmem:$0x1FF90]  }
0x111: {  	v60 =	vor.u32 v0, v58;
	_ =	sdelay $0x3  }
0x112: {  	v2 =	vor.u32 s26, v2  }
0x113: {  	v33 =	vld.idx.msk [tilespmem:v60+s11+$0x0], $0xffff;
	v61 =	vor.u32 v9, v59;
	v60 =	vshll.u32 v2, $0x5  }
0x114: {  	v62 =	vor.u32 v0, v60;
	_ =	sdelay $0x3  }
0x115: {  	[tilespmem:v61+s14+$0x0] =	vst.idx.msk $0xffff, v33;
	v61 =	vand.u32 $0x78, v2;
	v2 =	vld [tilespmem:$0x1FFA0]  }
0x116: {  	v63 =	vor.u32 v11, v61;
	v33 =	vld.idx.msk [tilespmem:v62+s11+$0x0], $0xffff;
	_ =	sdelay $0x3  }
0x117: {  	v2 =	vor.u32 s26, v2  }
0x118: {  	v62 =	vshll.u32 v2, $0x5;
	[tilespmem:v63+s14+$0x0] =	vst.idx.msk $0xffff, v33;
	v63 =	vand.u32 $0x78, v2;
	v2 =	vld [tilespmem:$0x1FFB0]  }
0x119: {  	v4 =	vor.u32 v0, v62;
	_ =	sdelay $0x3  }
0x11a: {  	v33 =	vor.u32 s26, v2  }
0x11b: {  	v4 =	vld.idx.msk [tilespmem:v4+s11+$0x0], $0xffff;
	v6 =	vor.u32 v13, v63;
	v2 =	vshll.u32 v33, $0x5  }
0x11c: {  	v8 =	vor.u32 v0, v2;
	_ =	sdelay $0x3  }
0x11d: {  	[tilespmem:v6+s14+$0x0] =	vst.idx.msk $0xffff, v4;
	v33 =	vand.u32 $0x78, v33  }
0x11e: {  	v6 =	vor.u32 v15, v33;
	v4 =	vld.idx.msk [tilespmem:v8+s11+$0x0], $0xffff  }
0x11f: {  	v8 =	vor.u32 v24, v34;
	_ =	sdelay $0x3  }
0x120: {  	[tilespmem:v6+s14+$0x0] =	vst.idx.msk $0xffff, v4  }
0x121: {  	v6 =	vor.u32 v25, v35;
	v4 =	vld.idx.msk [tilespmem:v8+s11+$0x0], $0xffff  }
0x122: {  	v8 =	vor.u32 v24, v36;
	_ =	sdelay $0x3  }
0x123: {  	[tilespmem:v6+s14+$0x0] =	vst.idx.msk $0xffff, v4  }
0x124: {  	v6 =	vor.u32 v26, v37;
	v4 =	vld.idx.msk [tilespmem:v8+s11+$0x0], $0xffff  }
0x125: {  	v8 =	vor.u32 v24, v38;
	_ =	sdelay $0x3  }
0x126: {  	[tilespmem:v6+s14+$0x0] =	vst.idx.msk $0xffff, v4  }
0x127: {  	v6 =	vor.u32 v27, v39;
	v4 =	vld.idx.msk [tilespmem:v8+s11+$0x0], $0xffff  }
0x128: {  	v8 =	vor.u32 v24, v40;
	_ =	sdelay $0x3  }
0x129: {  	[tilespmem:v6+s14+$0x0] =	vst.idx.msk $0xffff, v4  }
0x12a: {  	v6 =	vor.u32 v28, v41;
	v4 =	vld.idx.msk [tilespmem:v8+s11+$0x0], $0xffff  }
0x12b: {  	v8 =	vor.u32 v24, v42;
	_ =	sdelay $0x3  }
0x12c: {  	[tilespmem:v6+s14+$0x0] =	vst.idx.msk $0xffff, v4  }
0x12d: {  	v6 =	vor.u32 v29, v43;
	v4 =	vld.idx.msk [tilespmem:v8+s11+$0x0], $0xffff  }
0x12e: {  	v8 =	vor.u32 v24, v44;
	_ =	sdelay $0x3  }
0x12f: {  	[tilespmem:v6+s14+$0x0] =	vst.idx.msk $0xffff, v4  }
0x130: {  	v6 =	vor.u32 v30, v45;
	v4 =	vld.idx.msk [tilespmem:v8+s11+$0x0], $0xffff  }
0x131: {  	v8 =	vor.u32 v24, v46;
	_ =	sdelay $0x3  }
0x132: {  	[tilespmem:v6+s14+$0x0] =	vst.idx.msk $0xffff, v4  }
0x133: {  	v6 =	vor.u32 v31, v47;
	v4 =	vld.idx.msk [tilespmem:v8+s11+$0x0], $0xffff  }
0x134: {  	v8 =	vor.u32 v24, v48;
	_ =	sdelay $0x3  }
0x135: {  	[tilespmem:v6+s14+$0x0] =	vst.idx.msk $0xffff, v4  }
0x136: {  	v6 =	vor.u32 v32, v49;
	v4 =	vld.idx.msk [tilespmem:v8+s11+$0x0], $0xffff  }
0x137: {  	v8 =	vor.u32 v24, v50;
	_ =	sdelay $0x3  }
0x138: {  	[tilespmem:v6+s14+$0x0] =	vst.idx.msk $0xffff, v4  }
0x139: {  	v6 =	vor.u32 v25, v51;
	v4 =	vld.idx.msk [tilespmem:v8+s11+$0x0], $0xffff  }
0x13a: {  	v8 =	vor.u32 v24, v52;
	_ =	sdelay $0x3  }
0x13b: {  	[tilespmem:v6+s14+$0x0] =	vst.idx.msk $0xffff, v4  }
0x13c: {  	v6 =	vor.u32 v26, v53;
	v4 =	vld.idx.msk [tilespmem:v8+s11+$0x0], $0xffff  }
0x13d: {  	v8 =	vor.u32 v24, v54;
	_ =	sdelay $0x3  }
0x13e: {  	[tilespmem:v6+s14+$0x0] =	vst.idx.msk $0xffff, v4  }
0x13f: {  	v6 =	vor.u32 v27, v55;
	v4 =	vld.idx.msk [tilespmem:v8+s11+$0x0], $0xffff  }
0x140: {  	v8 =	vor.u32 v24, v56;
	_ =	sdelay $0x3  }
0x141: {  	[tilespmem:v6+s14+$0x0] =	vst.idx.msk $0xffff, v4  }
0x142: {  	v6 =	vor.u32 v28, v57;
	v4 =	vld.idx.msk [tilespmem:v8+s11+$0x0], $0xffff  }
0x143: {  	v8 =	vor.u32 v24, v58;
	_ =	sdelay $0x3  }
0x144: {  	[tilespmem:v6+s14+$0x0] =	vst.idx.msk $0xffff, v4  }
0x145: {  	v6 =	vor.u32 v29, v59;
	v4 =	vld.idx.msk [tilespmem:v8+s11+$0x0], $0xffff  }
0x146: {  	v8 =	vor.u32 v24, v60;
	_ =	sdelay $0x3  }
0x147: {  	[tilespmem:v6+s14+$0x0] =	vst.idx.msk $0xffff, v4  }
0x148: {  	v6 =	vor.u32 v30, v61;
	v4 =	vld.idx.msk [tilespmem:v8+s11+$0x0], $0xffff  }
0x149: {  	v8 =	vor.u32 v24, v62;
	_ =	sdelay $0x3  }
0x14a: {  	[tilespmem:v6+s14+$0x0] =	vst.idx.msk $0xffff, v4  }
0x14b: {  	v6 =	vor.u32 v31, v63;
	v4 =	vld.idx.msk [tilespmem:v8+s11+$0x0], $0xffff  }
0x14c: {  	p1 =	sne.s32 s28, $0x70;
	v8 =	vor.u32 v24, v2  }
.Ltmp0:
0x14d: {  	_ = 	snop;
	(pc) =	sbr.rel @p1 .LBB2_4-.Ltmp0, $3  }
0x14e: {  	_ =	sdelay $0x1  }
0x14f: {  	s26 =	smov.u32 s28;
	[tilespmem:v6+s14+$0x0] =	vst.idx.msk $0xffff, v4  }
0x150: {  	s28 =	sadd.s32 $0x10, s28;
	v2 =	vor.u32 s26, v0;
	v35 =	vld.idx.msk [tilespmem:v8+s11+$0x0], $0xffff  }
0x151: {  	v4 =	vshll.u32 v2, $0x5;
	v6 =	vor.u32 v32, v33  }
0x152: {  	v8 =	vor.u32 v0, v4;
	_ =	sdelay $0x3  }
0x153: {  	v2 =	vand.u32 $0x78, v2;
	[tilespmem:v6+s14+$0x0] =	vst.idx.msk $0xffff, v35;
	v6 =	vor.u32 s26, v10  }
0x154: {  	v40 =	vor.u32 v1, v2;
	v8 =	vld.idx.msk [tilespmem:v8+s11+$0x0], $0xffff;
	v34 =	vshll.u32 v6, $0x5  }
0x155: {  	v41 =	vor.u32 v0, v34;
	_ =	sdelay $0x3  }
0x156: {  	v6 =	vand.u32 $0x78, v6;
	[tilespmem:v40+s14+$0x0] =	vst.idx.msk $0xffff, v8;
	v8 =	vor.u32 s26, v12  }
0x157: {  	v42 =	vor.u32 v3, v6;
	v33 =	vld.idx.msk [tilespmem:v41+s11+$0x0], $0xffff;
	v36 =	vshll.u32 v8, $0x5  }
0x158: {  	v37 =	vor.u32 v0, v36;
	_ =	sdelay $0x3  }
0x159: {  	v43 =	vor.u32 s26, v14;
	v8 =	vand.u32 $0x78, v8;
	[tilespmem:v42+s14+$0x0] =	vst.idx.msk $0xffff, v33  }
0x15a: {  	v38 =	vshll.u32 v43, $0x5;
	v44 =	vor.u32 v5, v8;
	v35 =	vld.idx.msk [tilespmem:v37+s11+$0x0], $0xffff  }
0x15b: {  	v39 =	vor.u32 v0, v38;
	_ =	sdelay $0x3  }
0x15c: {  	v45 =	vor.u32 s26, v16;
	v33 =	vand.u32 $0x78, v43;
	[tilespmem:v44+s14+$0x0] =	vst.idx.msk $0xffff, v35  }
0x15d: {  	v40 =	vshll.u32 v45, $0x5;
	v46 =	vor.u32 v7, v33;
	v37 =	vld.idx.msk [tilespmem:v39+s11+$0x0], $0xffff  }
0x15e: {  	v41 =	vor.u32 v0, v40;
	_ =	sdelay $0x3  }
0x15f: {  	v47 =	vor.u32 s26, v17;
	v35 =	vand.u32 $0x78, v45;
	[tilespmem:v46+s14+$0x0] =	vst.idx.msk $0xffff, v37  }
0x160: {  	v42 =	vshll.u32 v47, $0x5;
	v48 =	vor.u32 v9, v35;
	v39 =	vld.idx.msk [tilespmem:v41+s11+$0x0], $0xffff  }
0x161: {  	v43 =	vor.u32 v0, v42;
	_ =	sdelay $0x3  }
0x162: {  	v49 =	vor.u32 s26, v18;
	v37 =	vand.u32 $0x78, v47;
	[tilespmem:v48+s14+$0x0] =	vst.idx.msk $0xffff, v39  }
0x163: {  	v44 =	vshll.u32 v49, $0x5;
	v50 =	vor.u32 v11, v37;
	v41 =	vld.idx.msk [tilespmem:v43+s11+$0x0], $0xffff  }
0x164: {  	v45 =	vor.u32 v0, v44;
	_ =	sdelay $0x3  }
0x165: {  	v51 =	vor.u32 s26, v19;
	v39 =	vand.u32 $0x78, v49;
	[tilespmem:v50+s14+$0x0] =	vst.idx.msk $0xffff, v41  }
0x166: {  	v46 =	vshll.u32 v51, $0x5;
	v52 =	vor.u32 v13, v39;
	v43 =	vld.idx.msk [tilespmem:v45+s11+$0x0], $0xffff  }
0x167: {  	v47 =	vor.u32 v0, v46;
	_ =	sdelay $0x3  }
0x168: {  	v53 =	vor.u32 s26, v20;
	v10 =	vld [tilespmem:$0x1FF50];
	v41 =	vand.u32 $0x78, v51;
	[tilespmem:v52+s14+$0x0] =	vst.idx.msk $0xffff, v43  }
0x169: {  	v48 =	vshll.u32 v53, $0x5;
	v54 =	vor.u32 v15, v41;
	v45 =	vld.idx.msk [tilespmem:v47+s11+$0x0], $0xffff  }
0x16a: {  	v49 =	vor.u32 v0, v48;
	_ =	sdelay $0x3  }
0x16b: {  	v55 =	vor.u32 s26, v10;
	v43 =	vand.u32 $0x78, v53;
	[tilespmem:v54+s14+$0x0] =	vst.idx.msk $0xffff, v45  }
0x16c: {  	v50 =	vshll.u32 v55, $0x5;
	v56 =	vor.u32 v1, v43;
	v47 =	vld.idx.msk [tilespmem:v49+s11+$0x0], $0xffff  }
0x16d: {  	v51 =	vor.u32 v0, v50;
	_ =	sdelay $0x3  }
0x16e: {  	v57 =	vor.u32 s26, v22;
	v45 =	vand.u32 $0x78, v55;
	[tilespmem:v56+s14+$0x0] =	vst.idx.msk $0xffff, v47  }
0x16f: {  	v52 =	vshll.u32 v57, $0x5;
	v58 =	vor.u32 v3, v45;
	v49 =	vld.idx.msk [tilespmem:v51+s11+$0x0], $0xffff  }
0x170: {  	v53 =	vor.u32 v0, v52;
	_ =	sdelay $0x3  }
0x171: {  	v59 =	vor.u32 s26, v23;
	v47 =	vand.u32 $0x78, v57;
	[tilespmem:v58+s14+$0x0] =	vst.idx.msk $0xffff, v49  }
0x172: {  	v54 =	vshll.u32 v59, $0x5;
	v60 =	vor.u32 v5, v47;
	v51 =	vld.idx.msk [tilespmem:v53+s11+$0x0], $0xffff  }
0x173: {  	v55 =	vor.u32 v0, v54;
	_ =	sdelay $0x3  }
0x174: {  	v61 =	vor.u32 s26, v21;
	v10 =	vld [tilespmem:$0x1FF90];
	v49 =	vand.u32 $0x78, v59;
	[tilespmem:v60+s14+$0x0] =	vst.idx.msk $0xffff, v51  }
0x175: {  	v56 =	vshll.u32 v61, $0x5;
	v62 =	vor.u32 v7, v49;
	v53 =	vld.idx.msk [tilespmem:v55+s11+$0x0], $0xffff  }
0x176: {  	v57 =	vor.u32 v0, v56;
	_ =	sdelay $0x3  }
0x177: {  	v63 =	vor.u32 s26, v10;
	v10 =	vld [tilespmem:$0x1FFA0];
	v51 =	vand.u32 $0x78, v61;
	[tilespmem:v62+s14+$0x0] =	vst.idx.msk $0xffff, v53  }
0x178: {  	v58 =	vshll.u32 v63, $0x5;
	v18 =	vor.u32 v9, v51;
	v55 =	vld.idx.msk [tilespmem:v57+s11+$0x0], $0xffff  }
0x179: {  	v59 =	vor.u32 v0, v58;
	_ =	sdelay $0x3  }
0x17a: {  	v19 =	vor.u32 s26, v10;
	v10 =	vld [tilespmem:$0x1FFB0];
	v53 =	vand.u32 $0x78, v63;
	[tilespmem:v18+s14+$0x0] =	vst.idx.msk $0xffff, v55  }
0x17b: {  	v60 =	vshll.u32 v19, $0x5;
	v20 =	vor.u32 v11, v53;
	v57 =	vld.idx.msk [tilespmem:v59+s11+$0x0], $0xffff  }
0x17c: {  	v61 =	vor.u32 v0, v60;
	_ =	sdelay $0x3  }
0x17d: {  	v21 =	vor.u32 s26, v10;
	v55 =	vand.u32 $0x78, v19;
	[tilespmem:v20+s14+$0x0] =	vst.idx.msk $0xffff, v57  }
0x17e: {  	v62 =	vshll.u32 v21, $0x5;
	v22 =	vor.u32 v13, v55;
	v59 =	vld.idx.msk [tilespmem:v61+s11+$0x0], $0xffff  }
0x17f: {  	v63 =	vor.u32 v0, v62;
	_ =	sdelay $0x3  }
0x180: {  	v57 =	vand.u32 $0x78, v21;
	[tilespmem:v22+s14+$0x0] =	vst.idx.msk $0xffff, v59  }
0x181: {  	v23 =	vor.u32 v15, v57;
	v59 =	vld.idx.msk [tilespmem:v63+s11+$0x0], $0xffff  }
0x182: {  	v4 =	vor.u32 v24, v4;
	_ =	sdelay $0x3  }
0x183: {  	[tilespmem:v23+s14+$0x0] =	vst.idx.msk $0xffff, v59  }
0x184: {  	v2 =	vor.u32 v25, v2;
	v4 =	vld.idx.msk [tilespmem:v4+s11+$0x0], $0xffff  }
0x185: {  	v34 =	vor.u32 v24, v34;
	_ =	sdelay $0x3  }
0x186: {  	[tilespmem:v2+s14+$0x0] =	vst.idx.msk $0xffff, v4  }
0x187: {  	v4 =	vor.u32 v26, v6;
	v2 =	vld.idx.msk [tilespmem:v34+s11+$0x0], $0xffff  }
0x188: {  	v6 =	vor.u32 v24, v36;
	_ =	sdelay $0x3  }
0x189: {  	[tilespmem:v4+s14+$0x0] =	vst.idx.msk $0xffff, v2  }
0x18a: {  	v4 =	vor.u32 v27, v8;
	v2 =	vld.idx.msk [tilespmem:v6+s11+$0x0], $0xffff  }
0x18b: {  	v6 =	vor.u32 v24, v38;
	_ =	sdelay $0x3  }
0x18c: {  	[tilespmem:v4+s14+$0x0] =	vst.idx.msk $0xffff, v2  }
0x18d: {  	v4 =	vor.u32 v28, v33;
	v2 =	vld.idx.msk [tilespmem:v6+s11+$0x0], $0xffff  }
0x18e: {  	v6 =	vor.u32 v24, v40;
	_ =	sdelay $0x3  }
0x18f: {  	[tilespmem:v4+s14+$0x0] =	vst.idx.msk $0xffff, v2  }
0x190: {  	v4 =	vor.u32 v29, v35;
	v2 =	vld.idx.msk [tilespmem:v6+s11+$0x0], $0xffff  }
0x191: {  	v6 =	vor.u32 v24, v42;
	_ =	sdelay $0x3  }
0x192: {  	[tilespmem:v4+s14+$0x0] =	vst.idx.msk $0xffff, v2  }
0x193: {  	v4 =	vor.u32 v30, v37;
	v2 =	vld.idx.msk [tilespmem:v6+s11+$0x0], $0xffff  }
0x194: {  	v6 =	vor.u32 v24, v44;
	_ =	sdelay $0x3  }
0x195: {  	[tilespmem:v4+s14+$0x0] =	vst.idx.msk $0xffff, v2  }
0x196: {  	v4 =	vor.u32 v31, v39;
	v2 =	vld.idx.msk [tilespmem:v6+s11+$0x0], $0xffff  }
0x197: {  	v6 =	vor.u32 v24, v46;
	_ =	sdelay $0x3  }
0x198: {  	[tilespmem:v4+s14+$0x0] =	vst.idx.msk $0xffff, v2  }
0x199: {  	v4 =	vor.u32 v32, v41;
	v2 =	vld.idx.msk [tilespmem:v6+s11+$0x0], $0xffff  }
0x19a: {  	v6 =	vor.u32 v24, v48;
	_ =	sdelay $0x3  }
0x19b: {  	[tilespmem:v4+s14+$0x0] =	vst.idx.msk $0xffff, v2  }
0x19c: {  	v4 =	vor.u32 v25, v43;
	v2 =	vld.idx.msk [tilespmem:v6+s11+$0x0], $0xffff  }
0x19d: {  	v6 =	vor.u32 v24, v50;
	_ =	sdelay $0x3  }
0x19e: {  	[tilespmem:v4+s14+$0x0] =	vst.idx.msk $0xffff, v2  }
0x19f: {  	v4 =	vor.u32 v26, v45;
	v2 =	vld.idx.msk [tilespmem:v6+s11+$0x0], $0xffff  }
0x1a0: {  	v6 =	vor.u32 v24, v52;
	_ =	sdelay $0x3  }
0x1a1: {  	[tilespmem:v4+s14+$0x0] =	vst.idx.msk $0xffff, v2  }
0x1a2: {  	v4 =	vor.u32 v27, v47;
	v2 =	vld.idx.msk [tilespmem:v6+s11+$0x0], $0xffff  }
0x1a3: {  	v6 =	vor.u32 v24, v54;
	_ =	sdelay $0x3  }
0x1a4: {  	[tilespmem:v4+s14+$0x0] =	vst.idx.msk $0xffff, v2  }
0x1a5: {  	v4 =	vor.u32 v28, v49;
	v2 =	vld.idx.msk [tilespmem:v6+s11+$0x0], $0xffff  }
0x1a6: {  	v6 =	vor.u32 v24, v56;
	_ =	sdelay $0x3  }
0x1a7: {  	[tilespmem:v4+s14+$0x0] =	vst.idx.msk $0xffff, v2  }
0x1a8: {  	v4 =	vor.u32 v29, v51;
	v2 =	vld.idx.msk [tilespmem:v6+s11+$0x0], $0xffff  }
0x1a9: {  	v6 =	vor.u32 v24, v58;
	_ =	sdelay $0x3  }
0x1aa: {  	[tilespmem:v4+s14+$0x0] =	vst.idx.msk $0xffff, v2  }
0x1ab: {  	v4 =	vor.u32 v30, v53;
	v2 =	vld.idx.msk [tilespmem:v6+s11+$0x0], $0xffff  }
0x1ac: {  	v6 =	vor.u32 v24, v60;
	_ =	sdelay $0x3  }
0x1ad: {  	[tilespmem:v4+s14+$0x0] =	vst.idx.msk $0xffff, v2  }
0x1ae: {  	v4 =	vor.u32 v31, v55;
	v2 =	vld.idx.msk [tilespmem:v6+s11+$0x0], $0xffff  }
0x1af: {  	v6 =	vor.u32 v24, v62;
	_ =	sdelay $0x3  }
0x1b0: {  	[tilespmem:v4+s14+$0x0] =	vst.idx.msk $0xffff, v2  }
0x1b1: {  	v4 =	vor.u32 v32, v57;
	v2 =	vld.idx.msk [tilespmem:v6+s11+$0x0], $0xffff  }
0x1b2: {  	p1 =	sne.s32 s24, $0x63  }
.Ltmp1:
0x1b3: {  	s31 =	sshll.u32 s24, $0x14;
	(pc) =	sbr.rel @p1 .LBB2_7-.Ltmp1, $4  }
0x1b4: {  	s26 =	sadd.s32 s23, s31  }
0x1b5: {  	s26 =	sshrl.u32 s26, $0x3  }
0x1b6: {  	s26 =	sadd.s32 s1, s26;
	[tilespmem:v4+s14+$0x0] =	vst.idx.msk $0xffff, v2  }
0x1b7: {  	[hbm4b:s26+s15] =	stream.strided.scatter [tilespmem:s14], [sflag:$0x3], $0x1000, s16, s15, $0x38;
	[tilespmem:$0xA400] =	vst v63  }
.Ltmp2:
0x1b8: {  	(pc) =	sbr.rel .LBB2_8-.Ltmp2, $4  }
0x1b9: {  	_ = 	snop  }
0x1ba: {  	_ =	swait.ge [sflag:s17], $0x1000  }
0x1bb: {  	[sflag:s17] =	ssyncset.done $0x0  }
0x1bc: {  	[sflag:s17] =	ssyncadd.s32 $0xFFFFF000  }
.LBB2_7:
0x1bd: {  	s26 =	sshll.u32 s24, $0x8  }
0x1be: {  	s26 =	sand.u32 $0x3FFFFF00, s26  }
.Ltmp3:
0x1bf: {  	s26 =	sadd.s32 $0x100, s26;
	(pc) =	sbr.rel @p0 .LBB2_9-.Ltmp3, $4  }
0x1c0: {  	[tilespmem:s11], [sflag:$0x1] =	stream.indirect.gather [hbm4b:s3+s8], $0x20, s26, s8, $0xb8;
	[tilespmem:$0xA400] =	vst v63  }
0x1c1: {  	_ =	swait.ge [sflag:s17], $0x1000  }
0x1c2: {  	[sflag:s17] =	ssyncset.done $0x0  }
0x1c3: {  	[sflag:s17] =	ssyncadd.s32 $0xFFFFF000  }
.LBB2_8:
0x1c4: {  	_ =	swait.ge [sflag:s18], $0x1000  }
0x1c5: {  	[sflag:s18] =	ssyncset.done $0x0  }
0x1c6: {  	[sflag:s18] =	ssyncadd.s32 $0xFFFFF000  }
.LBB2_9:
0x1c7: {  	s26 =	simm.s32 $0x0  }
0x1c8: {  	v2 =	vor.u32 s26, v0  }
0x1c9: {  	v4 =	vshll.u32 v2, $0x5  }
0x1ca: {  	v6 =	vor.u32 v0, v4;
	_ =	sdelay $0x3  }
0x1cb: {  	v8 =	vld [tilespmem:$0x1FFC0];
	v2 =	vand.u32 $0x78, v2  }
0x1cc: {  	v33 =	vor.u32 v1, v2;
	v6 =	vld.idx.msk [tilespmem:v6+s12+$0x0], $0xffff;
	_ =	sdelay $0x3  }
0x1cd: {  	v17 =	vmov v8;
	v8 =	vor.u32 s26, v8  }
0x1ce: {  	v34 =	vshll.u32 v8, $0x5;
	[tilespmem:v33+s19+$0x0] =	vst.idx.msk $0xffff, v6;
	v6 =	vand.u32 $0x78, v8;
	v8 =	vld [tilespmem:$0x1FFD0]  }
0x1cf: {  	v35 =	vor.u32 v0, v34;
	_ =	sdelay $0x3  }
0x1d0: {  	v10 =	vld [tilespmem:$0x1FFE0];
	v18 =	vmov v8;
	v8 =	vor.u32 s26, v8  }
0x1d1: {  	v33 =	vld.idx.msk [tilespmem:v35+s12+$0x0], $0xffff;
	v43 =	vor.u32 v3, v6;
	v36 =	vshll.u32 v8, $0x5  }
0x1d2: {  	v37 =	vor.u32 v0, v36;
	_ =	sdelay $0x3  }
0x1d3: {  	v19 =	vmov v10;
	v44 =	vor.u32 s26, v10;
	v10 =	vld [tilespmem:$0x1FFF0];
	[tilespmem:v43+s19+$0x0] =	vst.idx.msk $0xffff, v33;
	v8 =	vand.u32 $0x78, v8  }
0x1d4: {  	v38 =	vshll.u32 v44, $0x5;
	v45 =	vor.u32 v5, v8;
	v35 =	vld.idx.msk [tilespmem:v37+s12+$0x0], $0xffff  }
0x1d5: {  	v39 =	vor.u32 v0, v38;
	_ =	sdelay $0x3  }
0x1d6: {  	v20 =	vmov v10;
	v46 =	vor.u32 s26, v10;
	v10 =	vld [tilespmem:$0x1FF10];
	[tilespmem:v45+s19+$0x0] =	vst.idx.msk $0xffff, v35;
	v35 =	vand.u32 $0x78, v44  }
0x1d7: {  	v40 =	vshll.u32 v46, $0x5;
	v37 =	vld.idx.msk [tilespmem:v39+s12+$0x0], $0xffff;
	v47 =	vor.u32 v7, v35  }
0x1d8: {  	v41 =	vor.u32 v0, v40;
	_ =	sdelay $0x3  }
0x1d9: {  	v21 =	vmov v10;
	v48 =	vor.u32 s26, v10;
	v10 =	vld [tilespmem:$0x1FF20];
	[tilespmem:v47+s19+$0x0] =	vst.idx.msk $0xffff, v37;
	v37 =	vand.u32 $0x78, v46  }
0x1da: {  	v42 =	vshll.u32 v48, $0x5;
	v39 =	vld.idx.msk [tilespmem:v41+s12+$0x0], $0xffff;
	v49 =	vor.u32 v9, v37  }
0x1db: {  	v43 =	vor.u32 v0, v42;
	_ =	sdelay $0x3  }
0x1dc: {  	v22 =	vmov v10;
	v50 =	vor.u32 s26, v10;
	v10 =	vld [tilespmem:$0x1FF30];
	[tilespmem:v49+s19+$0x0] =	vst.idx.msk $0xffff, v39;
	v39 =	vand.u32 $0x78, v48  }
0x1dd: {  	v44 =	vshll.u32 v50, $0x5;
	v41 =	vld.idx.msk [tilespmem:v43+s12+$0x0], $0xffff;
	v51 =	vor.u32 v11, v39  }
0x1de: {  	v45 =	vor.u32 v0, v44;
	_ =	sdelay $0x3  }
0x1df: {  	v12 =	vld [tilespmem:$0x1FF40];
	v52 =	vor.u32 s26, v10;
	[tilespmem:v51+s19+$0x0] =	vst.idx.msk $0xffff, v41;
	v41 =	vand.u32 $0x78, v50  }
0x1e0: {  	v46 =	vshll.u32 v52, $0x5;
	v43 =	vld.idx.msk [tilespmem:v45+s12+$0x0], $0xffff;
	v53 =	vor.u32 v13, v41  }
0x1e1: {  	v47 =	vor.u32 v0, v46;
	_ =	sdelay $0x3  }
0x1e2: {  	v14 =	vld [tilespmem:$0x1FF50];
	v54 =	vor.u32 s26, v12;
	[tilespmem:v53+s19+$0x0] =	vst.idx.msk $0xffff, v43;
	v43 =	vand.u32 $0x78, v52  }
0x1e3: {  	v48 =	vshll.u32 v54, $0x5;
	v45 =	vld.idx.msk [tilespmem:v47+s12+$0x0], $0xffff;
	v55 =	vor.u32 v15, v43  }
0x1e4: {  	v49 =	vor.u32 v0, v48;
	_ =	sdelay $0x3  }
0x1e5: {  	v16 =	vld [tilespmem:$0x1FF60];
	v56 =	vor.u32 s26, v14;
	[tilespmem:v55+s19+$0x0] =	vst.idx.msk $0xffff, v45;
	v45 =	vand.u32 $0x78, v54  }
0x1e6: {  	v50 =	vshll.u32 v56, $0x5;
	v47 =	vld.idx.msk [tilespmem:v49+s12+$0x0], $0xffff;
	v57 =	vor.u32 v1, v45  }
0x1e7: {  	v51 =	vor.u32 v0, v50;
	_ =	sdelay $0x3  }
0x1e8: {  	v60 =	vld [tilespmem:$0x1FF70];
	v58 =	vor.u32 s26, v16;
	[tilespmem:v57+s19+$0x0] =	vst.idx.msk $0xffff, v47;
	v47 =	vand.u32 $0x78, v56  }
0x1e9: {  	v52 =	vshll.u32 v58, $0x5;
	v49 =	vld.idx.msk [tilespmem:v51+s12+$0x0], $0xffff;
	v59 =	vor.u32 v3, v47  }
0x1ea: {  	v53 =	vor.u32 v0, v52;
	_ =	sdelay $0x3  }
0x1eb: {  	v62 =	vld [tilespmem:$0x1FF80];
	v33 =	vor.u32 s26, v60;
	[tilespmem:v59+s19+$0x0] =	vst.idx.msk $0xffff, v49;
	v49 =	vand.u32 $0x78, v58  }
0x1ec: {  	v54 =	vshll.u32 v33, $0x5;
	v51 =	vld.idx.msk [tilespmem:v53+s12+$0x0], $0xffff;
	v61 =	vor.u32 v5, v49  }
0x1ed: {  	v55 =	vor.u32 v0, v54;
	_ =	sdelay $0x2  }
0x1ee: {  	v23 =	vmov v10;
	v10 =	vmov v12  }
0x1ef: {  	v12 =	vmovc v14;
	v14 =	vmovc v16;
	v16 =	vmov v60;
	v60 =	vld [tilespmem:$0x1FF90];
	[tilespmem:v61+s19+$0x0] =	vst.idx.msk $0xffff, v51;
	v51 =	vand.u32 $0x78, v33;
	v33 =	vor.u32 s26, v62  }
0x1f0: {  	v53 =	vld.idx.msk [tilespmem:v55+s12+$0x0], $0xffff;
	v63 =	vor.u32 v7, v51;
	v56 =	vshll.u32 v33, $0x5  }
0x1f1: {  	v57 =	vor.u32 v0, v56;
	_ =	sdelay $0x3  }
0x1f2: {  	v62 =	vld [tilespmem:$0x1FFA0];
	[tilespmem:v63+s19+$0x0] =	vst.idx.msk $0xffff, v53;
	v53 =	vand.u32 $0x78, v33;
	v33 =	vor.u32 s26, v60  }
0x1f3: {  	v55 =	vld.idx.msk [tilespmem:v57+s12+$0x0], $0xffff;
	v61 =	vor.u32 v9, v53;
	v58 =	vshll.u32 v33, $0x5  }
0x1f4: {  	v59 =	vor.u32 v0, v58;
	_ =	sdelay $0x3  }
0x1f5: {  	v63 =	vld [tilespmem:$0x1FFB0];
	[tilespmem:v61+s19+$0x0] =	vst.idx.msk $0xffff, v55;
	v55 =	vand.u32 $0x78, v33;
	v33 =	vor.u32 s26, v62  }
0x1f6: {  	v57 =	vld.idx.msk [tilespmem:v59+s12+$0x0], $0xffff;
	v59 =	vor.u32 v11, v55;
	v60 =	vshll.u32 v33, $0x5  }
0x1f7: {  	v61 =	vor.u32 v0, v60;
	_ =	sdelay $0x3  }
0x1f8: {  	[tilespmem:v59+s19+$0x0] =	vst.idx.msk $0xffff, v57;
	v57 =	vand.u32 $0x78, v33;
	v33 =	vor.u32 s26, v63  }
0x1f9: {  	v59 =	vld.idx.msk [tilespmem:v61+s12+$0x0], $0xffff;
	v61 =	vor.u32 v13, v57;
	v62 =	vshll.u32 v33, $0x5  }
0x1fa: {  	v63 =	vor.u32 v0, v62;
	_ =	sdelay $0x3  }
0x1fb: {  	v33 =	vand.u32 $0x78, v33;
	[tilespmem:v61+s19+$0x0] =	vst.idx.msk $0xffff, v59  }
0x1fc: {  	v61 =	vor.u32 v15, v33;
	v59 =	vld.idx.msk [tilespmem:v63+s12+$0x0], $0xffff  }
0x1fd: {  	v4 =	vor.u32 v24, v4;
	_ =	sdelay $0x3  }
0x1fe: {  	[tilespmem:v61+s19+$0x0] =	vst.idx.msk $0xffff, v59  }
0x1ff: {  	v2 =	vor.u32 v25, v2;
	v4 =	vld.idx.msk [tilespmem:v4+s12+$0x0], $0xffff  }
0x200: {  	v34 =	vor.u32 v24, v34;
	_ =	sdelay $0x3  }
0x201: {  	[tilespmem:v2+s19+$0x0] =	vst.idx.msk $0xffff, v4  }
0x202: {  	v4 =	vor.u32 v26, v6;
	v2 =	vld.idx.msk [tilespmem:v34+s12+$0x0], $0xffff  }
0x203: {  	v6 =	vor.u32 v24, v36;
	_ =	sdelay $0x3  }
0x204: {  	[tilespmem:v4+s19+$0x0] =	vst.idx.msk $0xffff, v2  }
0x205: {  	v4 =	vor.u32 v27, v8;
	v2 =	vld.idx.msk [tilespmem:v6+s12+$0x0], $0xffff  }
0x206: {  	v6 =	vor.u32 v24, v38;
	_ =	sdelay $0x3  }
0x207: {  	[tilespmem:v4+s19+$0x0] =	vst.idx.msk $0xffff, v2  }
0x208: {  	v4 =	vor.u32 v28, v35;
	v2 =	vld.idx.msk [tilespmem:v6+s12+$0x0], $0xffff  }
0x209: {  	v6 =	vor.u32 v24, v40;
	_ =	sdelay $0x3  }
0x20a: {  	[tilespmem:v4+s19+$0x0] =	vst.idx.msk $0xffff, v2  }
0x20b: {  	v4 =	vor.u32 v29, v37;
	v2 =	vld.idx.msk [tilespmem:v6+s12+$0x0], $0xffff  }
0x20c: {  	v6 =	vor.u32 v24, v42;
	_ =	sdelay $0x3  }
0x20d: {  	[tilespmem:v4+s19+$0x0] =	vst.idx.msk $0xffff, v2  }
0x20e: {  	v4 =	vor.u32 v30, v39;
	v2 =	vld.idx.msk [tilespmem:v6+s12+$0x0], $0xffff  }
0x20f: {  	v6 =	vor.u32 v24, v44;
	_ =	sdelay $0x3  }
0x210: {  	[tilespmem:v4+s19+$0x0] =	vst.idx.msk $0xffff, v2  }
0x211: {  	v4 =	vor.u32 v31, v41;
	v2 =	vld.idx.msk [tilespmem:v6+s12+$0x0], $0xffff  }
0x212: {  	v6 =	vor.u32 v24, v46;
	_ =	sdelay $0x3  }
0x213: {  	[tilespmem:v4+s19+$0x0] =	vst.idx.msk $0xffff, v2  }
0x214: {  	v4 =	vor.u32 v32, v43;
	v2 =	vld.idx.msk [tilespmem:v6+s12+$0x0], $0xffff  }
0x215: {  	v6 =	vor.u32 v24, v48;
	_ =	sdelay $0x3  }
0x216: {  	[tilespmem:v4+s19+$0x0] =	vst.idx.msk $0xffff, v2  }
0x217: {  	v4 =	vor.u32 v25, v45;
	v2 =	vld.idx.msk [tilespmem:v6+s12+$0x0], $0xffff  }
0x218: {  	v6 =	vor.u32 v24, v50;
	_ =	sdelay $0x3  }
0x219: {  	[tilespmem:v4+s19+$0x0] =	vst.idx.msk $0xffff, v2  }
0x21a: {  	v4 =	vor.u32 v26, v47;
	v2 =	vld.idx.msk [tilespmem:v6+s12+$0x0], $0xffff  }
0x21b: {  	v6 =	vor.u32 v24, v52;
	_ =	sdelay $0x3  }
0x21c: {  	[tilespmem:v4+s19+$0x0] =	vst.idx.msk $0xffff, v2  }
0x21d: {  	v4 =	vor.u32 v27, v49;
	v2 =	vld.idx.msk [tilespmem:v6+s12+$0x0], $0xffff  }
0x21e: {  	v6 =	vor.u32 v24, v54;
	_ =	sdelay $0x3  }
0x21f: {  	[tilespmem:v4+s19+$0x0] =	vst.idx.msk $0xffff, v2  }
0x220: {  	v4 =	vor.u32 v28, v51;
	v2 =	vld.idx.msk [tilespmem:v6+s12+$0x0], $0xffff  }
0x221: {  	v6 =	vor.u32 v24, v56;
	_ =	sdelay $0x3  }
0x222: {  	[tilespmem:v4+s19+$0x0] =	vst.idx.msk $0xffff, v2  }
0x223: {  	v4 =	vor.u32 v29, v53;
	v2 =	vld.idx.msk [tilespmem:v6+s12+$0x0], $0xffff  }
0x224: {  	v6 =	vor.u32 v24, v58;
	_ =	sdelay $0x3  }
0x225: {  	[tilespmem:v4+s19+$0x0] =	vst.idx.msk $0xffff, v2  }
0x226: {  	v4 =	vor.u32 v30, v55;
	v2 =	vld.idx.msk [tilespmem:v6+s12+$0x0], $0xffff  }
0x227: {  	v6 =	vor.u32 v24, v60;
	_ =	sdelay $0x3  }
0x228: {  	[tilespmem:v4+s19+$0x0] =	vst.idx.msk $0xffff, v2  }
0x229: {  	v4 =	vor.u32 v31, v57;
	v2 =	vld.idx.msk [tilespmem:v6+s12+$0x0], $0xffff  }
0x22a: {  	v6 =	vor.u32 v24, v62;
	_ =	sdelay $0x3  }
0x22b: {  	s26 =	simm.s32 $0x10;
	[tilespmem:v4+s19+$0x0] =	vst.idx.msk $0xffff, v2  }
0x22c: {  	s24 =	sadd.s32 $0x1, s24;
	s28 =	simm.s32 $0x20;
	v2 =	vor.u32 s26, v0;
	v35 =	vld.idx.msk [tilespmem:v6+s12+$0x0], $0xffff  }
.LBB2_10:
0x22d: {  	v34 =	vshll.u32 v2, $0x5;
	v4 =	vor.u32 v32, v33  }
0x22e: {  	v6 =	vor.u32 v0, v34;
	_ =	sdelay $0x3  }
0x22f: {  	[tilespmem:v4+s19+$0x0] =	vst.idx.msk $0xffff, v35;
	v35 =	vand.u32 $0x78, v2;
	v2 =	vor.u32 s26, v17  }
0x230: {  	v4 =	vld.idx.msk [tilespmem:v6+s12+$0x0], $0xffff;
	v6 =	vor.u32 v1, v35;
	v36 =	vshll.u32 v2, $0x5  }
0x231: {  	v8 =	vor.u32 v0, v36;
	_ =	sdelay $0x3  }
0x232: {  	v37 =	vand.u32 $0x78, v2;
	v2 =	vor.u32 s26, v18;
	[tilespmem:v6+s19+$0x0] =	vst.idx.msk $0xffff, v4  }
0x233: {  	v38 =	vshll.u32 v2, $0x5;
	v6 =	vor.u32 v3, v37;
	v4 =	vld.idx.msk [tilespmem:v8+s12+$0x0], $0xffff  }
0x234: {  	v8 =	vor.u32 v0, v38;
	_ =	sdelay $0x3  }
0x235: {  	v39 =	vand.u32 $0x78, v2;
	v2 =	vor.u32 s26, v19;
	[tilespmem:v6+s19+$0x0] =	vst.idx.msk $0xffff, v4  }
0x236: {  	v40 =	vshll.u32 v2, $0x5;
	v6 =	vor.u32 v5, v39;
	v4 =	vld.idx.msk [tilespmem:v8+s12+$0x0], $0xffff  }
0x237: {  	v8 =	vor.u32 v0, v40;
	_ =	sdelay $0x3  }
0x238: {  	v41 =	vand.u32 $0x78, v2;
	v2 =	vor.u32 s26, v20;
	[tilespmem:v6+s19+$0x0] =	vst.idx.msk $0xffff, v4  }
0x239: {  	v42 =	vshll.u32 v2, $0x5;
	v6 =	vor.u32 v7, v41;
	v4 =	vld.idx.msk [tilespmem:v8+s12+$0x0], $0xffff  }
0x23a: {  	v8 =	vor.u32 v0, v42;
	_ =	sdelay $0x3  }
0x23b: {  	v43 =	vand.u32 $0x78, v2;
	v2 =	vor.u32 s26, v21;
	[tilespmem:v6+s19+$0x0] =	vst.idx.msk $0xffff, v4  }
0x23c: {  	v44 =	vshll.u32 v2, $0x5;
	v6 =	vor.u32 v9, v43;
	v4 =	vld.idx.msk [tilespmem:v8+s12+$0x0], $0xffff  }
0x23d: {  	v8 =	vor.u32 v0, v44;
	_ =	sdelay $0x3  }
0x23e: {  	v45 =	vand.u32 $0x78, v2;
	v2 =	vor.u32 s26, v22;
	[tilespmem:v6+s19+$0x0] =	vst.idx.msk $0xffff, v4  }
0x23f: {  	v46 =	vshll.u32 v2, $0x5;
	v6 =	vor.u32 v11, v45;
	v4 =	vld.idx.msk [tilespmem:v8+s12+$0x0], $0xffff  }
0x240: {  	v8 =	vor.u32 v0, v46;
	_ =	sdelay $0x3  }
0x241: {  	v47 =	vand.u32 $0x78, v2;
	v2 =	vor.u32 s26, v23;
	[tilespmem:v6+s19+$0x0] =	vst.idx.msk $0xffff, v4  }
0x242: {  	v48 =	vshll.u32 v2, $0x5;
	v6 =	vor.u32 v13, v47;
	v4 =	vld.idx.msk [tilespmem:v8+s12+$0x0], $0xffff  }
0x243: {  	v8 =	vor.u32 v0, v48;
	_ =	sdelay $0x3  }
0x244: {  	v49 =	vand.u32 $0x78, v2;
	v2 =	vor.u32 s26, v10;
	[tilespmem:v6+s19+$0x0] =	vst.idx.msk $0xffff, v4  }
0x245: {  	v50 =	vshll.u32 v2, $0x5;
	v6 =	vor.u32 v15, v49;
	v4 =	vld.idx.msk [tilespmem:v8+s12+$0x0], $0xffff  }
0x246: {  	v8 =	vor.u32 v0, v50;
	_ =	sdelay $0x3  }
0x247: {  	v51 =	vand.u32 $0x78, v2;
	v2 =	vor.u32 s26, v12;
	[tilespmem:v6+s19+$0x0] =	vst.idx.msk $0xffff, v4  }
0x248: {  	v52 =	vshll.u32 v2, $0x5;
	v6 =	vor.u32 v1, v51;
	v4 =	vld.idx.msk [tilespmem:v8+s12+$0x0], $0xffff  }
0x249: {  	v8 =	vor.u32 v0, v52;
	_ =	sdelay $0x3  }
0x24a: {  	v53 =	vand.u32 $0x78, v2;
	v2 =	vor.u32 s26, v14;
	[tilespmem:v6+s19+$0x0] =	vst.idx.msk $0xffff, v4  }
0x24b: {  	v54 =	vshll.u32 v2, $0x5;
	v6 =	vor.u32 v3, v53;
	v4 =	vld.idx.msk [tilespmem:v8+s12+$0x0], $0xffff  }
0x24c: {  	v8 =	vor.u32 v0, v54;
	_ =	sdelay $0x2  }
0x24d: {  	v55 =	vand.u32 $0x78, v2;
	v2 =	vor.u32 s26, v16  }
0x24e: {  	v56 =	vshll.u32 v2, $0x5;
	v57 =	vand.u32 $0x78, v2;
	v2 =	vld [tilespmem:$0x1FF80];
	[tilespmem:v6+s19+$0x0] =	vst.idx.msk $0xffff, v4  }
0x24f: {  	v6 =	vor.u32 v5, v55;
	v4 =	vld.idx.msk [tilespmem:v8+s12+$0x0], $0xffff  }
0x250: {  	v8 =	vor.u32 v0, v56;
	_ =	sdelay $0x2  }
0x251: {  	v2 =	vor.u32 s26, v2  }
0x252: {  	v58 =	vshll.u32 v2, $0x5;
	v59 =	vand.u32 $0x78, v2;
	v2 =	vld [tilespmem:$0x1FF90];
	[tilespmem:v6+s19+$0x0] =	vst.idx.msk $0xffff, v4  }
0x253: {  	v6 =	vor.u32 v7, v57;
	v4 =	vld.idx.msk [tilespmem:v8+s12+$0x0], $0xffff  }
0x254: {  	v8 =	vor.u32 v0, v58;
	_ =	sdelay $0x2  }
0x255: {  	v2 =	vor.u32 s26, v2  }
0x256: {  	v60 =	vshll.u32 v2, $0x5;
	v61 =	vand.u32 $0x78, v2;
	v2 =	vld [tilespmem:$0x1FFA0];
	[tilespmem:v6+s19+$0x0] =	vst.idx.msk $0xffff, v4  }
0x257: {  	v6 =	vor.u32 v9, v59;
	v4 =	vld.idx.msk [tilespmem:v8+s12+$0x0], $0xffff  }
0x258: {  	v8 =	vor.u32 v0, v60;
	_ =	sdelay $0x2  }
0x259: {  	v2 =	vor.u32 s26, v2  }
0x25a: {  	v62 =	vshll.u32 v2, $0x5;
	v63 =	vand.u32 $0x78, v2;
	v2 =	vld [tilespmem:$0x1FFB0];
	[tilespmem:v6+s19+$0x0] =	vst.idx.msk $0xffff, v4  }
0x25b: {  	v6 =	vor.u32 v11, v61;
	v4 =	vld.idx.msk [tilespmem:v8+s12+$0x0], $0xffff  }
0x25c: {  	v8 =	vor.u32 v0, v62;
	_ =	sdelay $0x3  }
0x25d: {  	[tilespmem:v6+s19+$0x0] =	vst.idx.msk $0xffff, v4;
	v6 =	vor.u32 s26, v2  }
0x25e: {  	v4 =	vld.idx.msk [tilespmem:v8+s12+$0x0], $0xffff;
	v8 =	vor.u32 v13, v63;
	v2 =	vshll.u32 v6, $0x5  }
0x25f: {  	v33 =	vor.u32 v0, v2;
	_ =	sdelay $0x3  }
0x260: {  	[tilespmem:v8+s19+$0x0] =	vst.idx.msk $0xffff, v4  }
0x261: {  	v4 =	vld.idx.msk [tilespmem:v33+s12+$0x0], $0xffff;
	v33 =	vand.u32 $0x78, v6  }
0x262: {  	v6 =	vor.u32 v15, v33  }
0x263: {  	v8 =	vor.u32 v24, v34;
	_ =	sdelay $0x3  }
0x264: {  	[tilespmem:v6+s19+$0x0] =	vst.idx.msk $0xffff, v4  }
0x265: {  	v6 =	vor.u32 v25, v35;
	v4 =	vld.idx.msk [tilespmem:v8+s12+$0x0], $0xffff  }
0x266: {  	v8 =	vor.u32 v24, v36;
	_ =	sdelay $0x3  }
0x267: {  	[tilespmem:v6+s19+$0x0] =	vst.idx.msk $0xffff, v4  }
0x268: {  	v6 =	vor.u32 v26, v37;
	v4 =	vld.idx.msk [tilespmem:v8+s12+$0x0], $0xffff  }
0x269: {  	v8 =	vor.u32 v24, v38;
	_ =	sdelay $0x3  }
0x26a: {  	[tilespmem:v6+s19+$0x0] =	vst.idx.msk $0xffff, v4  }
0x26b: {  	v6 =	vor.u32 v27, v39;
	v4 =	vld.idx.msk [tilespmem:v8+s12+$0x0], $0xffff  }
0x26c: {  	v8 =	vor.u32 v24, v40;
	_ =	sdelay $0x3  }
0x26d: {  	[tilespmem:v6+s19+$0x0] =	vst.idx.msk $0xffff, v4  }
0x26e: {  	v6 =	vor.u32 v28, v41;
	v4 =	vld.idx.msk [tilespmem:v8+s12+$0x0], $0xffff  }
0x26f: {  	v8 =	vor.u32 v24, v42;
	_ =	sdelay $0x3  }
0x270: {  	[tilespmem:v6+s19+$0x0] =	vst.idx.msk $0xffff, v4  }
0x271: {  	v6 =	vor.u32 v29, v43;
	v4 =	vld.idx.msk [tilespmem:v8+s12+$0x0], $0xffff  }
0x272: {  	v8 =	vor.u32 v24, v44;
	_ =	sdelay $0x3  }
0x273: {  	[tilespmem:v6+s19+$0x0] =	vst.idx.msk $0xffff, v4  }
0x274: {  	v6 =	vor.u32 v30, v45;
	v4 =	vld.idx.msk [tilespmem:v8+s12+$0x0], $0xffff  }
0x275: {  	v8 =	vor.u32 v24, v46;
	_ =	sdelay $0x3  }
0x276: {  	[tilespmem:v6+s19+$0x0] =	vst.idx.msk $0xffff, v4  }
0x277: {  	v6 =	vor.u32 v31, v47;
	v4 =	vld.idx.msk [tilespmem:v8+s12+$0x0], $0xffff  }
0x278: {  	v8 =	vor.u32 v24, v48;
	_ =	sdelay $0x3  }
0x279: {  	[tilespmem:v6+s19+$0x0] =	vst.idx.msk $0xffff, v4  }
0x27a: {  	v6 =	vor.u32 v32, v49;
	v4 =	vld.idx.msk [tilespmem:v8+s12+$0x0], $0xffff  }
0x27b: {  	v8 =	vor.u32 v24, v50;
	_ =	sdelay $0x3  }
0x27c: {  	[tilespmem:v6+s19+$0x0] =	vst.idx.msk $0xffff, v4  }
0x27d: {  	v6 =	vor.u32 v25, v51;
	v4 =	vld.idx.msk [tilespmem:v8+s12+$0x0], $0xffff  }
0x27e: {  	v8 =	vor.u32 v24, v52;
	_ =	sdelay $0x3  }
0x27f: {  	[tilespmem:v6+s19+$0x0] =	vst.idx.msk $0xffff, v4  }
0x280: {  	v6 =	vor.u32 v26, v53;
	v4 =	vld.idx.msk [tilespmem:v8+s12+$0x0], $0xffff  }
0x281: {  	v8 =	vor.u32 v24, v54;
	_ =	sdelay $0x3  }
0x282: {  	[tilespmem:v6+s19+$0x0] =	vst.idx.msk $0xffff, v4  }
0x283: {  	v6 =	vor.u32 v27, v55;
	v4 =	vld.idx.msk [tilespmem:v8+s12+$0x0], $0xffff  }
0x284: {  	v8 =	vor.u32 v24, v56;
	_ =	sdelay $0x3  }
0x285: {  	[tilespmem:v6+s19+$0x0] =	vst.idx.msk $0xffff, v4  }
0x286: {  	v6 =	vor.u32 v28, v57;
	v4 =	vld.idx.msk [tilespmem:v8+s12+$0x0], $0xffff  }
0x287: {  	v8 =	vor.u32 v24, v58;
	_ =	sdelay $0x3  }
0x288: {  	[tilespmem:v6+s19+$0x0] =	vst.idx.msk $0xffff, v4  }
0x289: {  	v6 =	vor.u32 v29, v59;
	v4 =	vld.idx.msk [tilespmem:v8+s12+$0x0], $0xffff  }
0x28a: {  	v8 =	vor.u32 v24, v60;
	_ =	sdelay $0x3  }
0x28b: {  	[tilespmem:v6+s19+$0x0] =	vst.idx.msk $0xffff, v4  }
0x28c: {  	v6 =	vor.u32 v30, v61;
	v4 =	vld.idx.msk [tilespmem:v8+s12+$0x0], $0xffff  }
0x28d: {  	v8 =	vor.u32 v24, v62;
	_ =	sdelay $0x3  }
0x28e: {  	[tilespmem:v6+s19+$0x0] =	vst.idx.msk $0xffff, v4  }
0x28f: {  	v6 =	vor.u32 v31, v63;
	v4 =	vld.idx.msk [tilespmem:v8+s12+$0x0], $0xffff  }
0x290: {  	p0 =	sne.s32 s28, $0x70;
	v8 =	vor.u32 v24, v2  }
.Ltmp4:
0x291: {  	_ = 	snop;
	(pc) =	sbr.rel @p0 .LBB2_10-.Ltmp4, $3  }
0x292: {  	_ =	sdelay $0x1  }
0x293: {  	s26 =	smov.u32 s28;
	[tilespmem:v6+s19+$0x0] =	vst.idx.msk $0xffff, v4  }
0x294: {  	s28 =	sadd.s32 $0x10, s28;
	v2 =	vor.u32 s26, v0;
	v35 =	vld.idx.msk [tilespmem:v8+s12+$0x0], $0xffff  }
0x295: {  	v4 =	vshll.u32 v2, $0x5;
	v6 =	vor.u32 v32, v33  }
0x296: {  	v8 =	vor.u32 v0, v4;
	_ =	sdelay $0x3  }
0x297: {  	v2 =	vand.u32 $0x78, v2;
	[tilespmem:v6+s19+$0x0] =	vst.idx.msk $0xffff, v35;
	v6 =	vor.u32 s26, v17  }
0x298: {  	v39 =	vor.u32 v1, v2;
	v8 =	vld.idx.msk [tilespmem:v8+s12+$0x0], $0xffff;
	v34 =	vshll.u32 v6, $0x5  }
0x299: {  	v40 =	vor.u32 v0, v34;
	_ =	sdelay $0x3  }
0x29a: {  	v6 =	vand.u32 $0x78, v6;
	[tilespmem:v39+s19+$0x0] =	vst.idx.msk $0xffff, v8;
	v8 =	vor.u32 s26, v18  }
0x29b: {  	v41 =	vor.u32 v3, v6;
	v33 =	vld.idx.msk [tilespmem:v40+s12+$0x0], $0xffff;
	v36 =	vshll.u32 v8, $0x5  }
0x29c: {  	v37 =	vor.u32 v0, v36;
	_ =	sdelay $0x3  }
0x29d: {  	v42 =	vor.u32 s26, v19;
	v8 =	vand.u32 $0x78, v8;
	[tilespmem:v41+s19+$0x0] =	vst.idx.msk $0xffff, v33  }
0x29e: {  	v38 =	vshll.u32 v42, $0x5;
	v43 =	vor.u32 v5, v8;
	v35 =	vld.idx.msk [tilespmem:v37+s12+$0x0], $0xffff  }
0x29f: {  	v39 =	vor.u32 v0, v38;
	_ =	sdelay $0x3  }
0x2a0: {  	v44 =	vor.u32 s26, v20;
	v33 =	vand.u32 $0x78, v42;
	[tilespmem:v43+s19+$0x0] =	vst.idx.msk $0xffff, v35  }
0x2a1: {  	v40 =	vshll.u32 v44, $0x5;
	v45 =	vor.u32 v7, v33;
	v37 =	vld.idx.msk [tilespmem:v39+s12+$0x0], $0xffff  }
0x2a2: {  	v41 =	vor.u32 v0, v40;
	_ =	sdelay $0x3  }
0x2a3: {  	v46 =	vor.u32 s26, v21;
	v35 =	vand.u32 $0x78, v44;
	[tilespmem:v45+s19+$0x0] =	vst.idx.msk $0xffff, v37  }
0x2a4: {  	v42 =	vshll.u32 v46, $0x5;
	v47 =	vor.u32 v9, v35;
	v39 =	vld.idx.msk [tilespmem:v41+s12+$0x0], $0xffff  }
0x2a5: {  	v43 =	vor.u32 v0, v42;
	_ =	sdelay $0x3  }
0x2a6: {  	v48 =	vor.u32 s26, v22;
	v37 =	vand.u32 $0x78, v46;
	[tilespmem:v47+s19+$0x0] =	vst.idx.msk $0xffff, v39  }
0x2a7: {  	v44 =	vshll.u32 v48, $0x5;
	v49 =	vor.u32 v11, v37;
	v41 =	vld.idx.msk [tilespmem:v43+s12+$0x0], $0xffff  }
0x2a8: {  	v45 =	vor.u32 v0, v44;
	_ =	sdelay $0x3  }
0x2a9: {  	v50 =	vor.u32 s26, v23;
	v39 =	vand.u32 $0x78, v48;
	[tilespmem:v49+s19+$0x0] =	vst.idx.msk $0xffff, v41  }
0x2aa: {  	v46 =	vshll.u32 v50, $0x5;
	v51 =	vor.u32 v13, v39;
	v43 =	vld.idx.msk [tilespmem:v45+s12+$0x0], $0xffff  }
0x2ab: {  	v47 =	vor.u32 v0, v46;
	_ =	sdelay $0x3  }
0x2ac: {  	v52 =	vor.u32 s26, v10;
	v41 =	vand.u32 $0x78, v50;
	[tilespmem:v51+s19+$0x0] =	vst.idx.msk $0xffff, v43  }
0x2ad: {  	v48 =	vshll.u32 v52, $0x5;
	v53 =	vor.u32 v15, v41;
	v45 =	vld.idx.msk [tilespmem:v47+s12+$0x0], $0xffff  }
0x2ae: {  	v49 =	vor.u32 v0, v48;
	_ =	sdelay $0x3  }
0x2af: {  	v54 =	vor.u32 s26, v12;
	v43 =	vand.u32 $0x78, v52;
	[tilespmem:v53+s19+$0x0] =	vst.idx.msk $0xffff, v45  }
0x2b0: {  	v50 =	vshll.u32 v54, $0x5;
	v55 =	vor.u32 v1, v43;
	v47 =	vld.idx.msk [tilespmem:v49+s12+$0x0], $0xffff  }
0x2b1: {  	v51 =	vor.u32 v0, v50;
	_ =	sdelay $0x3  }
0x2b2: {  	v56 =	vor.u32 s26, v14;
	v45 =	vand.u32 $0x78, v54;
	[tilespmem:v55+s19+$0x0] =	vst.idx.msk $0xffff, v47  }
0x2b3: {  	v52 =	vshll.u32 v56, $0x5;
	v57 =	vor.u32 v3, v45;
	v49 =	vld.idx.msk [tilespmem:v51+s12+$0x0], $0xffff  }
0x2b4: {  	v53 =	vor.u32 v0, v52;
	_ =	sdelay $0x3  }
0x2b5: {  	v20 =	vmov v21;
	v58 =	vor.u32 s26, v16;
	v21 =	vld [tilespmem:$0x1FF80];
	v47 =	vand.u32 $0x78, v56;
	[tilespmem:v57+s19+$0x0] =	vst.idx.msk $0xffff, v49  }
0x2b6: {  	v54 =	vshll.u32 v58, $0x5;
	v59 =	vor.u32 v5, v47;
	v51 =	vld.idx.msk [tilespmem:v53+s12+$0x0], $0xffff  }
0x2b7: {  	v55 =	vor.u32 v0, v54;
	_ =	sdelay $0x2  }
0x2b8: {  	v17 =	vmov v22  }
0x2b9: {  	v22 =	vmovc v23;
	v23 =	vmovc v10;
	v10 =	vmov v12;
	v60 =	vor.u32 s26, v21;
	v12 =	vld [tilespmem:$0x1FF90];
	v49 =	vand.u32 $0x78, v58;
	[tilespmem:v59+s19+$0x0] =	vst.idx.msk $0xffff, v51  }
0x2ba: {  	v56 =	vshll.u32 v60, $0x5;
	v61 =	vor.u32 v7, v49;
	v53 =	vld.idx.msk [tilespmem:v55+s12+$0x0], $0xffff  }
0x2bb: {  	v57 =	vor.u32 v0, v56;
	_ =	sdelay $0x3  }
0x2bc: {  	v62 =	vor.u32 s26, v12;
	v18 =	vmov v14;
	v14 =	vld [tilespmem:$0x1FFA0];
	v51 =	vand.u32 $0x78, v60;
	[tilespmem:v61+s19+$0x0] =	vst.idx.msk $0xffff, v53  }
0x2bd: {  	v58 =	vshll.u32 v62, $0x5;
	v63 =	vor.u32 v9, v51;
	v55 =	vld.idx.msk [tilespmem:v57+s12+$0x0], $0xffff  }
0x2be: {  	v59 =	vor.u32 v0, v58;
	_ =	sdelay $0x3  }
0x2bf: {  	v19 =	vmov v16;
	v16 =	vld [tilespmem:$0x1FFB0];
	v53 =	vand.u32 $0x78, v62;
	[tilespmem:v63+s19+$0x0] =	vst.idx.msk $0xffff, v55;
	v55 =	vor.u32 s26, v14  }
0x2c0: {  	v57 =	vld.idx.msk [tilespmem:v59+s12+$0x0], $0xffff;
	v59 =	vor.u32 v11, v53;
	v60 =	vshll.u32 v55, $0x5  }
0x2c1: {  	v61 =	vor.u32 v0, v60;
	_ =	sdelay $0x3  }
0x2c2: {  	v55 =	vand.u32 $0x78, v55;
	[tilespmem:v59+s19+$0x0] =	vst.idx.msk $0xffff, v57;
	v57 =	vor.u32 s26, v16  }
0x2c3: {  	v59 =	vld.idx.msk [tilespmem:v61+s12+$0x0], $0xffff;
	v61 =	vor.u32 v13, v55;
	v62 =	vshll.u32 v57, $0x5  }
0x2c4: {  	v63 =	vor.u32 v0, v62;
	_ =	sdelay $0x3  }
0x2c5: {  	v57 =	vand.u32 $0x78, v57;
	[tilespmem:v61+s19+$0x0] =	vst.idx.msk $0xffff, v59  }
0x2c6: {  	v61 =	vor.u32 v15, v57;
	v59 =	vld.idx.msk [tilespmem:v63+s12+$0x0], $0xffff  }
0x2c7: {  	v4 =	vor.u32 v24, v4;
	_ =	sdelay $0x3  }
0x2c8: {  	[tilespmem:v61+s19+$0x0] =	vst.idx.msk $0xffff, v59  }
0x2c9: {  	v2 =	vor.u32 v25, v2;
	v4 =	vld.idx.msk [tilespmem:v4+s12+$0x0], $0xffff  }
0x2ca: {  	v34 =	vor.u32 v24, v34;
	_ =	sdelay $0x3  }
0x2cb: {  	[tilespmem:v2+s19+$0x0] =	vst.idx.msk $0xffff, v4  }
0x2cc: {  	v4 =	vor.u32 v26, v6;
	v2 =	vld.idx.msk [tilespmem:v34+s12+$0x0], $0xffff  }
0x2cd: {  	v6 =	vor.u32 v24, v36;
	_ =	sdelay $0x3  }
0x2ce: {  	[tilespmem:v4+s19+$0x0] =	vst.idx.msk $0xffff, v2  }
0x2cf: {  	v4 =	vor.u32 v27, v8;
	v2 =	vld.idx.msk [tilespmem:v6+s12+$0x0], $0xffff  }
0x2d0: {  	v6 =	vor.u32 v24, v38;
	_ =	sdelay $0x3  }
0x2d1: {  	[tilespmem:v4+s19+$0x0] =	vst.idx.msk $0xffff, v2  }
0x2d2: {  	v4 =	vor.u32 v28, v33;
	v2 =	vld.idx.msk [tilespmem:v6+s12+$0x0], $0xffff  }
0x2d3: {  	v6 =	vor.u32 v24, v40;
	_ =	sdelay $0x3  }
0x2d4: {  	[tilespmem:v4+s19+$0x0] =	vst.idx.msk $0xffff, v2  }
0x2d5: {  	v4 =	vor.u32 v29, v35;
	v2 =	vld.idx.msk [tilespmem:v6+s12+$0x0], $0xffff  }
0x2d6: {  	v6 =	vor.u32 v24, v42;
	_ =	sdelay $0x3  }
0x2d7: {  	[tilespmem:v4+s19+$0x0] =	vst.idx.msk $0xffff, v2  }
0x2d8: {  	v4 =	vor.u32 v30, v37;
	v2 =	vld.idx.msk [tilespmem:v6+s12+$0x0], $0xffff  }
0x2d9: {  	v6 =	vor.u32 v24, v44;
	_ =	sdelay $0x3  }
0x2da: {  	[tilespmem:v4+s19+$0x0] =	vst.idx.msk $0xffff, v2  }
0x2db: {  	v4 =	vor.u32 v31, v39;
	v2 =	vld.idx.msk [tilespmem:v6+s12+$0x0], $0xffff  }
0x2dc: {  	v6 =	vor.u32 v24, v46;
	_ =	sdelay $0x3  }
0x2dd: {  	[tilespmem:v4+s19+$0x0] =	vst.idx.msk $0xffff, v2  }
0x2de: {  	v4 =	vor.u32 v32, v41;
	v2 =	vld.idx.msk [tilespmem:v6+s12+$0x0], $0xffff  }
0x2df: {  	v6 =	vor.u32 v24, v48;
	_ =	sdelay $0x3  }
0x2e0: {  	[tilespmem:v4+s19+$0x0] =	vst.idx.msk $0xffff, v2  }
0x2e1: {  	v4 =	vor.u32 v25, v43;
	v2 =	vld.idx.msk [tilespmem:v6+s12+$0x0], $0xffff  }
0x2e2: {  	v6 =	vor.u32 v24, v50;
	_ =	sdelay $0x3  }
0x2e3: {  	[tilespmem:v4+s19+$0x0] =	vst.idx.msk $0xffff, v2  }
0x2e4: {  	v4 =	vor.u32 v26, v45;
	v2 =	vld.idx.msk [tilespmem:v6+s12+$0x0], $0xffff  }
0x2e5: {  	v6 =	vor.u32 v24, v52;
	_ =	sdelay $0x3  }
0x2e6: {  	[tilespmem:v4+s19+$0x0] =	vst.idx.msk $0xffff, v2  }
0x2e7: {  	v4 =	vor.u32 v27, v47;
	v2 =	vld.idx.msk [tilespmem:v6+s12+$0x0], $0xffff  }
0x2e8: {  	v6 =	vor.u32 v24, v54;
	_ =	sdelay $0x3  }
0x2e9: {  	[tilespmem:v4+s19+$0x0] =	vst.idx.msk $0xffff, v2  }
0x2ea: {  	v4 =	vor.u32 v28, v49;
	v2 =	vld.idx.msk [tilespmem:v6+s12+$0x0], $0xffff  }
0x2eb: {  	v6 =	vor.u32 v24, v56;
	_ =	sdelay $0x3  }
0x2ec: {  	[tilespmem:v4+s19+$0x0] =	vst.idx.msk $0xffff, v2  }
0x2ed: {  	v4 =	vor.u32 v29, v51;
	v2 =	vld.idx.msk [tilespmem:v6+s12+$0x0], $0xffff  }
0x2ee: {  	v6 =	vor.u32 v24, v58;
	_ =	sdelay $0x3  }
0x2ef: {  	[tilespmem:v4+s19+$0x0] =	vst.idx.msk $0xffff, v2  }
0x2f0: {  	v4 =	vor.u32 v30, v53;
	v2 =	vld.idx.msk [tilespmem:v6+s12+$0x0], $0xffff  }
0x2f1: {  	v6 =	vor.u32 v24, v60;
	_ =	sdelay $0x3  }
0x2f2: {  	[tilespmem:v4+s19+$0x0] =	vst.idx.msk $0xffff, v2  }
0x2f3: {  	v4 =	vor.u32 v31, v55;
	v2 =	vld.idx.msk [tilespmem:v6+s12+$0x0], $0xffff  }
0x2f4: {  	v6 =	vor.u32 v24, v62;
	_ =	sdelay $0x3  }
0x2f5: {  	[tilespmem:v4+s19+$0x0] =	vst.idx.msk $0xffff, v2  }
0x2f6: {  	v4 =	vor.u32 v32, v57;
	v2 =	vld.idx.msk [tilespmem:v6+s12+$0x0], $0xffff  }
0x2f7: {  	p0 =	sne.s32 s24, $0x64  }
.Ltmp5:
0x2f8: {  	s25 =	sshll.u32 s25, $0x13;
	(pc) =	sbr.rel @p0 .LBB2_3-.Ltmp5, $4  }
0x2f9: {  	s25 =	sadd.s32 s23, s25;
	v35 =	vld [tilespmem:$0x1FFC0]  }
0x2fa: {  	s25 =	sshrl.u32 s25, $0x3;
	v39 =	vld [tilespmem:$0x1FFD0]  }
0x2fb: {  	s25 =	sadd.s32 s1, s25;
	v34 =	vmov v16;
	v41 =	vld [tilespmem:$0x1FFE0];
	v47 =	vmov v17;
	[tilespmem:v4+s19+$0x0] =	vst.idx.msk $0xffff, v2  }
0x2fc: {  	v43 =	vld [tilespmem:$0x1FFF0];
	v17 =	vmovc v10;
	v49 =	vmovc v22;
	v51 =	vmov v23;
	v23 =	vmov v19;
	v4 =	vmov v18;
	[hbm4b:s25+s15] =	stream.strided.scatter [tilespmem:s19], [sflag:$0x4], $0x1000, s16, s15, $0x38  }
0x2fd: {  	s21 =	sadd.s32 $0x1, s21  }
0x2fe: {  	_ =	swait.ge [sflag:s20], $0x1000;
	p0 =	sne.s32 s21, $0x4  }
.Ltmp6:
0x2ff: {  	[sflag:s20] =	ssyncset.done $0x0;
	(pc) =	sbr.rel @p0 .LBB2_2-.Ltmp6, $4  }
0x300: {  	[sflag:s20] =	ssyncadd.s32 $0xFFFFF000  }
0x301: {  	_ =	swait.ge [sflag:s18], $0x1000  }
0x302: {  	[sflag:s18] =	ssyncset.done $0x0  }
0x303: {  	[sflag:s18] =	ssyncadd.s32 $0xFFFFF000  }
0x304: {  	s2 =	sadd.s32 $0x1, s2  }
0x305: {  	p0 =	sne.s32 s2, s7  }
.Ltmp7:
0x306: {  	_ = 	snop;
	(pc) =	sbr.rel @p0 .LBB2_1-.Ltmp7, $1  }
0x307: {  	_ =	sdelay $0x3  }
0x308: {  	_ =	sfence.sel $0x180000  }
0x309: {  	[bflag:$0x0] =	sbarrier.arrive $0xFFFF  }
0x30a: {  	p0 =	sne.s32 s4, $0x0;
	_ =	strace $0x90000047  }
0x30b: {  	s0 =	sadd.s32 @!p0 $0x100000, s0;
	[bflag:$0x2] =	sbarrier.arrive $0xFFFF  }
0x30c: {  	[sflag:s0] =	ssyncadd.tile.s32 @!p0 $0x1;
	_ =	shalt  }
.Lfunc_end2:
_tile_overlayer_lowered:
.L_overlay_start_2:
0x30d: {  	(tag) =	ssettag $0x2  }
0x30e: {  	s0 =	rddreg [dreg:$0x0];
	s2 =	stileid.u32  }
0x30f: {  	s1 =	rddreg [dreg:$0x1];
	p0 =	sne.s32 s2, $0x0  }
0x310: {  	s3 =	rddreg [dreg:$0x2];
	[bflag:$0x3] =	sbarrier.arrive $0xFFFF;
	s2 =	simm.s32 @!p0 $0x1C05  }
0x311: {  	[timem:s3], [sflag:s2] =	dma.local @!p0 [hbm:s0], s1  }
0x312: {  	s0 =	simm.s32 @!p0 $0x5  }
0x313: {  	_ =	swait.ge @!p0 [sflag:s0], s1  }
0x314: {  	s1 =	ssub.s32 @!p0 $0x0, s1;
	[sflag:s0] =	ssyncset.done @!p0 $0x0  }
0x315: {  	[sflag:s0] =	ssyncadd.s32 @!p0 s1  }
0x316: {  	[bflag:$0x3] =	sbarrier.arrive $0xFFFF  }
0x317: {  	_ =	shalt  }

</sc_bundles>
